<compile_context>
chip_gen: v7x
topology: tpu7x:2x2x1
jax: 0.10.2.dev20260603
libtpu: 0.0.44.dev20260713+nightly
codegen_flags: <defaults>
</compile_context>

<pallas_src>
import functools

import jax
import jax.numpy as jnp
from jax import lax
from jax.experimental import pallas as pl
from jax.experimental.pallas import tpu as pltpu
from jax.experimental.pallas import tpu_sc as plsc

N_NODES = 10000
N_PAD = 10240
D_FEAT = 128
D_EDGE = 16
N_HIDDEN = 32
D_TAB = 576

NC, NS = 2, 16
NW = NC * NS
CHUNK = 80
RPW = N_PAD // NS



def _table_body(x_ref, w_ref, y_ref):
    y_ref[...] = jnp.dot(x_ref[...], w_ref[...],
                         preferred_element_type=jnp.float32
                         ).astype(jnp.bfloat16)


def _make_table(x, w_all):
    blk = 2000
    return pl.pallas_call(
        _table_body,
        grid=(N_NODES // blk,),
        in_specs=[pl.BlockSpec((blk, D_FEAT), lambda i: (i, 0)),
                  pl.BlockSpec((D_FEAT, D_TAB), lambda i: (0, 0))],
        out_specs=pl.BlockSpec((blk, D_TAB), lambda i: (i, 0)),
        out_shape=jax.ShapeDtypeStruct((N_NODES, D_TAB), jnp.bfloat16),
    )(x, w_all)



def _edge_body(nchunk, table_hbm, src_hbm, dst_hbm, ea_hbm, zeros_hbm,
               agg_hbm, src_v, dst_v, ea_v, rows_v, msg_v, agg_sh,
               isem0, isem1, gsem0, gsem1):
    c = lax.axis_index("c")
    s = lax.axis_index("s")
    wid = c * NS + s
    row0 = wid * nchunk
    isem = (isem0, isem1)
    gsem = (gsem0, gsem1)
    npair = CHUNK // 2

    pltpu.sync_copy(zeros_hbm, agg_sh.at[pl.ds(s * RPW, RPW)])
    plsc.subcore_barrier()

    def idx_copies(g, b):
        r = row0 + g
        return (
            pltpu.make_async_copy(src_hbm.at[pl.ds(r * CHUNK, CHUNK)],
                                  src_v.at[b], isem[b]),
            pltpu.make_async_copy(dst_hbm.at[pl.ds(r * CHUNK, CHUNK)],
                                  dst_v.at[b], isem[b]),
            pltpu.make_async_copy(ea_hbm.at[pl.ds(r * CHUNK, CHUNK)],
                                  ea_v.at[b], isem[b]),
        )

    def start_idx(g, b):
        for cp in idx_copies(g, b):
            cp.start()

    def wait_idx(g, b):
        for cp in idx_copies(g, b):
            cp.wait()

    def gather_copy(b):
        return pltpu.make_async_copy(table_hbm.at[src_v.at[b]],
                                     rows_v.at[b], gsem[b])

    lanes = lax.iota(jnp.int32, 16)
    idx_even = jnp.minimum(lanes * 2, 15)
    idx_odd = jnp.minimum(lanes * 2 + 1, 15)
    _gdn = lax.GatherDimensionNumbers(
        offset_dims=(), collapsed_slice_dims=(0,), start_index_map=(0,))

    def lane_gather(v, idx):
        return lax.gather(v, idx[:, None], dimension_numbers=_gdn,
                          slice_sizes=(1,),
                          mode=lax.GatherScatterMode.PROMISE_IN_BOUNDS)

    def compute_scatter(b):
        @plsc.parallel_loop(0, CHUNK, step=1, unroll=4)
        def edge_body(e):
            ear = ea_v[b, e, :]
            wa = lane_gather(ear, idx_even)
            wb = lane_gather(ear, idx_odd)
            wall = plsc.pack(wa, wb, format=plsc.PackFormat.INTERLEAVED)
            wi = plsc.bitcast(wall, jnp.int32)
            acc0 = rows_v[b, e, pl.ds(512, 32)]
            acc1 = rows_v[b, e, pl.ds(544, 32)]
            for t in range(8):
                wv = plsc.bitcast(
                    jnp.broadcast_to(wi[t], (16,)), jnp.bfloat16)
                acc0 = acc0 + wv * rows_v[b, e, pl.ds(t * 64, 32)]
                acc1 = acc1 + wv * rows_v[b, e, pl.ds(t * 64 + 32, 32)]
            lo0, hi0 = plsc.unpack(acc0, format=plsc.PackFormat.INTERLEAVED)
            lo1, hi1 = plsc.unpack(acc1, format=plsc.PackFormat.INTERLEAVED)
            msg_v[e, pl.ds(0, 16)] = lo0 + hi0
            msg_v[e, pl.ds(16, 16)] = lo1 + hi1

        pltpu.sync_copy(msg_v, agg_sh.at[dst_v.at[b]], add=True)

    start_idx(0, 0)
    wait_idx(0, 0)
    gather_copy(0).start()
    start_idx(1, 1)

    def pair_body(p, carry):
        for b in (0, 1):
            g = 2 * p + b
            nb = 1 - b

            @pl.when(g + 1 < nchunk)
            def _():
                wait_idx(g + 1, nb)
                gather_copy(nb).start()

            gather_copy(b).wait()
            compute_scatter(b)

            @pl.when(g + 2 < nchunk)
            def _():
                start_idx(g + 2, b)
        return carry

    lax.fori_loop(0, nchunk // 2, pair_body, 0)
    if nchunk % 2:
        gather_copy(0).wait()
        compute_scatter(0)
    plsc.subcore_barrier()
    pltpu.sync_copy(agg_sh.at[pl.ds(s * RPW, RPW)],
                    agg_hbm.at[c, pl.ds(s * RPW, RPW)])


def _edge_call(table, src, dst, edge_attr):
    n_edges = src.shape[0]
    nchunk = n_edges // (NW * CHUNK)
    zeros = jnp.zeros((RPW, N_HIDDEN), jnp.float32)
    mesh = plsc.VectorSubcoreMesh(core_axis_name="c", subcore_axis_name="s")
    return pl.kernel(
        functools.partial(_edge_body, nchunk),
        out_type=jax.ShapeDtypeStruct((NC, N_PAD, N_HIDDEN), jnp.float32),
        mesh=mesh,
        compiler_params=pltpu.CompilerParams(use_tc_tiling_on_sc=False,
                                             needs_layout_passes=False),
        scratch_types=[
            pltpu.VMEM((2, CHUNK), jnp.int32),
            pltpu.VMEM((2, CHUNK), jnp.int32),
            pltpu.VMEM((2, CHUNK, D_EDGE), jnp.float32),
            pltpu.VMEM((2, CHUNK, D_TAB), jnp.bfloat16),
            pltpu.VMEM((CHUNK, N_HIDDEN), jnp.float32),
            pltpu.VMEM_SHARED((N_PAD, N_HIDDEN), jnp.float32),
            pltpu.SemaphoreType.DMA,
            pltpu.SemaphoreType.DMA,
            pltpu.SemaphoreType.DMA,
            pltpu.SemaphoreType.DMA,
        ],
    )(table, src, dst, edge_attr, zeros)



def _tail_body(agg_ref, x_ref, root_ref, bias_ref, gamma_ref, beta_ref,
               mean_ref, var_ref, dw_ref, db_ref, out_ref, acc_ref):
    i = pl.program_id(0)

    @pl.when(i == 0)
    def _():
        acc_ref[...] = jnp.zeros_like(acc_ref)

    h = (agg_ref[0] + agg_ref[1]
         + jnp.dot(x_ref[...], root_ref[...],
                   preferred_element_type=jnp.float32)
         + bias_ref[...])
    h = jnp.maximum(h, 0.0)
    acc_ref[...] += jnp.sum(h, axis=0, keepdims=True)

    @pl.when(i == pl.num_programs(0) - 1)
    def _():
        a = gamma_ref[...] * lax.rsqrt(var_ref[...] + 1e-3)
        pooled = (a * acc_ref[...]
                  + N_NODES * (beta_ref[...] - a * mean_ref[...]))
        row = jnp.dot(pooled, dw_ref[...],
                      preferred_element_type=jnp.float32) + db_ref[...]
        out_ref[...] = jnp.broadcast_to(row, out_ref.shape)


def _tail_call(agg2, x, root_kernel, bias, gamma, beta, mean, var, dw, db):
    blk = 2000
    grid = (N_NODES // blk,)
    vec = lambda: pl.BlockSpec((1, N_HIDDEN), lambda i: (0, 0))
    return pl.pallas_call(
        _tail_body,
        grid=grid,
        in_specs=[
            pl.BlockSpec((NC, blk, N_HIDDEN), lambda i: (0, i, 0)),
            pl.BlockSpec((blk, D_FEAT), lambda i: (i, 0)),
            pl.BlockSpec((D_FEAT, N_HIDDEN), lambda i: (0, 0)),
            vec(), vec(), vec(), vec(), vec(),
            pl.BlockSpec((N_HIDDEN, 128), lambda i: (0, 0)),
            pl.BlockSpec((1, 128), lambda i: (0, 0)),
        ],
        out_specs=pl.BlockSpec((8, 128), lambda i: (0, 0)),
        out_shape=jax.ShapeDtypeStruct((8, 128), jnp.float32),
        scratch_shapes=[pltpu.VMEM((1, N_HIDDEN), jnp.float32)],
    )(agg2, x, root_kernel, bias, gamma, beta, mean, var, dw, db)


def kernel(x, edge_index, edge_attr, Wk, bk, root_kernel, bias, gamma, beta,
           moving_mean, moving_var, dense_W, dense_b):
    wk4 = Wk.reshape(8, 2, D_FEAT, 2, 16)
    main = wk4.transpose(2, 0, 3, 4, 1).reshape(D_FEAT, 512)
    bk3 = bk.reshape(D_FEAT, 2, 16)
    biasblk = jnp.stack([bk3, jnp.zeros_like(bk3)], axis=-1
                        ).reshape(D_FEAT, 64)
    w_all = jnp.concatenate([main, biasblk], axis=1)
    table = _make_table(x, w_all)

    agg2 = _edge_call(table, edge_index[0], edge_index[1], edge_attr)
    dw_pad = jnp.zeros((N_HIDDEN, 128), jnp.float32).at[:, :3].set(dense_W)
    db_pad = jnp.zeros((1, 128), jnp.float32).at[0, :3].set(dense_b)
    r = lambda v: v.reshape(1, N_HIDDEN)
    outp = _tail_call(agg2, x, root_kernel, r(bias), r(gamma), r(beta),
                      r(moving_mean), r(moving_var), dw_pad, db_pad)
    return outp[0, :3]

# --- scband reference (transcript-rebuilt; emitter-appended) ---
"""Pipeline reference for scband-gnn-model-62526133895289 (READ-ONLY COPY).

The authoritative reference and input builder live on the scoring server;
editing this copy changes nothing except your own understanding.
"""

import jax, jax.numpy as jnp
import numpy as np

N_NODES = 10000
N_EDGES = 320000
D_FEAT = 128
D_EDGE = 16
N_HIDDEN = 32


def setup_inputs(seed: int = 0) -> dict:
    key = jax.random.key(seed)
    ks = jax.random.split(key, 12)
    x = jax.random.normal(ks[0], (N_NODES, D_FEAT), dtype=jnp.float32)
    edge_index = jax.random.randint(ks[1], (2, N_EDGES), 0, N_NODES, dtype=jnp.int64 if jax.config.read('jax_enable_x64') else jnp.int32).astype(jnp.int32)
    edge_attr = jax.random.uniform(ks[2], (N_EDGES, D_EDGE), dtype=jnp.float32)
    # ECCConv params: kernel_network = single Dense(d_edge -> F_in*F_out), root kernel, bias
    Wk = jax.random.normal(ks[3], (D_EDGE, D_FEAT * N_HIDDEN), dtype=jnp.float32) * (1.0 / np.sqrt(D_EDGE))
    bk = jnp.zeros((D_FEAT * N_HIDDEN,), dtype=jnp.float32)
    root_kernel = jax.random.normal(ks[4], (D_FEAT, N_HIDDEN), dtype=jnp.float32) * (1.0 / np.sqrt(D_FEAT))
    bias = jnp.zeros((N_HIDDEN,), dtype=jnp.float32)
    # BatchNorm (inference mode: moving stats)
    gamma = jnp.ones((N_HIDDEN,), dtype=jnp.float32)
    beta = jnp.zeros((N_HIDDEN,), dtype=jnp.float32)
    moving_mean = jnp.zeros((N_HIDDEN,), dtype=jnp.float32)
    moving_var = jnp.ones((N_HIDDEN,), dtype=jnp.float32)
    # final Dense(3)
    dense_W = jax.random.normal(ks[5], (N_HIDDEN, 3), dtype=jnp.float32) * (1.0 / np.sqrt(N_HIDDEN))
    dense_b = jnp.zeros((3,), dtype=jnp.float32)
    return {"x": x, "edge_index": edge_index, "edge_attr": edge_attr, "Wk": Wk, "bk": bk,
            "root_kernel": root_kernel, "bias": bias, "gamma": gamma, "beta": beta,
            "moving_mean": moving_mean, "moving_var": moving_var, "dense_W": dense_W, "dense_b": dense_b}


def reference(x, edge_index, edge_attr, Wk, bk, root_kernel, bias, gamma, beta, moving_mean, moving_var, dense_W, dense_b):
    n = x.shape[0]
    f_in = x.shape[1]
    f_out = root_kernel.shape[1]
    src = edge_index[0]
    dst = edge_index[1]
    # ECCConv: edge-conditioned per-edge kernel from kernel_network(edge_attr)
    x_src = jnp.take(x, src, axis=0)  # gather [E, F_in]
    Wk3 = Wk.reshape(edge_attr.shape[1], f_in, f_out)
    bk2 = bk.reshape(f_in, f_out)
    # msg_e = x_src_e @ (edge_attr_e @ Wk + bk).reshape(F_in, F_out)
    msg = jnp.einsum('ed,ef,dfo->eo', edge_attr, x_src, Wk3) + x_src @ bk2
    agg = jax.ops.segment_sum(msg, dst, num_segments=n)  # scatter-add to dst nodes
    out = agg + x @ root_kernel + bias
    out = jax.nn.relu(out)
    # BatchNormalization (inference, eps=1e-3 Keras default)
    out = gamma * (out - moving_mean) / jnp.sqrt(moving_var + 1e-3) + beta
    # GlobalSumPool (single mode: sum over node axis)
    pooled = jnp.sum(out, axis=0)
    # Dense(3)
    return pooled @ dense_W + dense_b

if __name__ == "__main__":
    import jax
    _d = setup_inputs()
    print(jax.jit(kernel)(*tuple(_d.values())))

</pallas_src>

<mosaic_0001>
#map = affine_map<(d0, d1) -> (0, 0)>
#map1 = affine_map<(d0, d1) -> (0)>
#map2 = affine_map<(d0, d1) -> (0, 0, 0)>
module attributes {stable_mosaic.version = 14 : i64} {
  func.func @_edge_body(%arg0: i32, %arg1: i32, %arg2: memref<10000x576xbf16, #tpu.memory_space<hbm>>, %arg3: memref<320000xi32, #tpu.memory_space<hbm>>, %arg4: memref<320000xi32, #tpu.memory_space<hbm>>, %arg5: memref<320000x16xf32, #tpu.memory_space<hbm>>, %arg6: memref<640x32xf32, #tpu.memory_space<hbm>>, %arg7: memref<2x10240x32xf32, #tpu.memory_space<hbm>>, %arg8: memref<2x80xi32, #tpu.memory_space<vmem>>, %arg9: memref<2x80xi32, #tpu.memory_space<vmem>>, %arg10: memref<2x80x16xf32, #tpu.memory_space<vmem>>, %arg11: memref<2x80x576xbf16, #tpu.memory_space<vmem>>, %arg12: memref<80x32xf32, #tpu.memory_space<vmem>>, %arg13: memref<10240x32xf32, #tpu.memory_space<vmem_shared>>, %arg14: memref<!tpu.dma_semaphore, #tpu.memory_space<semaphore_mem>>, %arg15: memref<!tpu.dma_semaphore, #tpu.memory_space<semaphore_mem>>, %arg16: memref<!tpu.dma_semaphore, #tpu.memory_space<semaphore_mem>>, %arg17: memref<!tpu.dma_semaphore, #tpu.memory_space<semaphore_mem>>) attributes {dimension_semantics = [#tpu.dimension_semantics<core_parallel>, #tpu.dimension_semantics<subcore_parallel>], iteration_bounds = array<i64: 2, 16>, scalar_prefetch = 0 : i64, scratch_operands = 10 : i64, tpu.core_type = #tpu.core_type<sc_vector_subcore>, window_params = [{transform_indices = #map}, {transform_indices = #map1}, {transform_indices = #map1}, {transform_indices = #map}, {transform_indices = #map}, {transform_indices = #map2}]} {
    %mul3A = arith.constant 16 : i32
    %mul3A_0 = arith.muli %arg0, %mul3A : i32
    %add3A = arith.addi %mul3A_0, %arg1 : i32
    %mul3A_1 = arith.constant 125 : i32
    %mul3A_2 = arith.muli %add3A, %mul3A_1 : i32
    %mul3A_3 = arith.constant 640 : i32
    %mul3A_4 = arith.muli %arg1, %mul3A_3 : i32
    "tpu.region"() ({
      %run_scoped3A_170 = tpu.sem_alloc : memref<!tpu.dma_semaphore, #tpu.memory_space<semaphore_mem>>
      %dma_start3A_171 = arith.constant 0 : i32
      %dma_start3A_172 = tpu.memref_slice %arg13[%mul3A_4, %dma_start3A_171] : memref<10240x32xf32, #tpu.memory_space<vmem_shared>> -> memref<640x32xf32, #tpu.memory_space<vmem_shared>>
      tpu.enqueue_dma source(%arg6 : memref<640x32xf32, #tpu.memory_space<hbm>>) target(%dma_start3A_172 : memref<640x32xf32, #tpu.memory_space<vmem_shared>>) target_semaphore(%run_scoped3A_170 : memref<!tpu.dma_semaphore, #tpu.memory_space<semaphore_mem>>)
      %dma_wait3A_173 = arith.constant 0 : i32
      %dma_wait3A_174 = tpu.memref_slice %arg13[%mul3A_4, %dma_wait3A_173] : memref<10240x32xf32, #tpu.memory_space<vmem_shared>> -> memref<640x32xf32, #tpu.memory_space<vmem_shared>>
      tpu.wait_dma2 semaphore(%run_scoped3A_170 : memref<!tpu.dma_semaphore, #tpu.memory_space<semaphore_mem>>) src(%arg6 : memref<640x32xf32, #tpu.memory_space<hbm>>) dst(%dma_wait3A_174 : memref<640x32xf32, #tpu.memory_space<vmem_shared>>)
      tpu.yield
    }) : () -> ()
    %barrier3A = arith.constant 0 : index
    tpu.barrier barrier_id(%barrier3A)
    %iota3A = tpu.iota {dimensions = array<i32: 0>} : vector<16xi32>
    %mul3A_5 = arith.constant 2 : i32
    %mul3A_6 = vector.broadcast %mul3A_5 : i32 to vector<16xi32>
    %mul3A_7 = arith.muli %iota3A, %mul3A_6 : vector<16xi32>
    %min3A = arith.constant 15 : i32
    %min3A_8 = vector.broadcast %min3A : i32 to vector<16xi32>
    %min3A_9 = arith.minsi %mul3A_7, %min3A_8 : vector<16xi32>
    %mul3A_10 = arith.constant 2 : i32
    %mul3A_11 = vector.broadcast %mul3A_10 : i32 to vector<16xi32>
    %mul3A_12 = arith.muli %iota3A, %mul3A_11 : vector<16xi32>
    %add3A_13 = arith.constant 1 : i32
    %add3A_14 = vector.broadcast %add3A_13 : i32 to vector<16xi32>
    %add3A_15 = arith.addi %mul3A_12, %add3A_14 : vector<16xi32>
    %min3A_16 = arith.constant 15 : i32
    %min3A_17 = vector.broadcast %min3A_16 : i32 to vector<16xi32>
    %min3A_18 = arith.minsi %add3A_15, %min3A_17 : vector<16xi32>
    %add3A_19 = arith.constant 0 : i32
    %add3A_20 = arith.addi %mul3A_2, %add3A_19 : i32
    %mul3A_21 = arith.constant 80 : i32
    %mul3A_22 = arith.muli %add3A_20, %mul3A_21 : i32
    %mul3A_23 = arith.constant 80 : i32
    %mul3A_24 = arith.muli %add3A_20, %mul3A_23 : i32
    %mul3A_25 = arith.constant 80 : i32
    %mul3A_26 = arith.muli %add3A_20, %mul3A_25 : i32
    %dma_start3A = arith.constant 0 : i32
    %dma_start3A_27 = arith.constant 0 : i32
    %dma_start3A_28 = tpu.memref_slice %arg8[%dma_start3A, %dma_start3A_27] : memref<2x80xi32, #tpu.memory_space<vmem>> -> memref<1x80xi32, #tpu.memory_space<vmem>>
    %dma_start3A_29 = tpu.memref_squeeze %dma_start3A_28 : memref<1x80xi32, #tpu.memory_space<vmem>> -> memref<80xi32, #tpu.memory_space<vmem>>
    %dma_start3A_30 = tpu.memref_slice %arg3[%mul3A_22] : memref<320000xi32, #tpu.memory_space<hbm>> -> memref<80xi32, #tpu.memory_space<hbm>>
    %dma_start3A_31 = arith.constant 0 : i32
    %dma_start3A_32 = tpu.memref_slice %arg8[%dma_start3A, %dma_start3A_31] : memref<2x80xi32, #tpu.memory_space<vmem>> -> memref<1x80xi32, #tpu.memory_space<vmem>>
    %dma_start3A_33 = tpu.memref_squeeze %dma_start3A_32 : memref<1x80xi32, #tpu.memory_space<vmem>> -> memref<80xi32, #tpu.memory_space<vmem>>
    %dma_start3A_34 = tpu.memref_slice %arg3[%mul3A_22] : memref<320000xi32, #tpu.memory_space<hbm>> -> memref<80xi32, #tpu.memory_space<hbm>>
    tpu.enqueue_dma source(%dma_start3A_34 : memref<80xi32, #tpu.memory_space<hbm>>) target(%dma_start3A_33 : memref<80xi32, #tpu.memory_space<vmem>>) target_semaphore(%arg14 : memref<!tpu.dma_semaphore, #tpu.memory_space<semaphore_mem>>)
    %dma_start3A_35 = arith.constant 0 : i32
    %dma_start3A_36 = arith.constant 0 : i32
    %dma_start3A_37 = tpu.memref_slice %arg9[%dma_start3A_35, %dma_start3A_36] : memref<2x80xi32, #tpu.memory_space<vmem>> -> memref<1x80xi32, #tpu.memory_space<vmem>>
    %dma_start3A_38 = tpu.memref_squeeze %dma_start3A_37 : memref<1x80xi32, #tpu.memory_space<vmem>> -> memref<80xi32, #tpu.memory_space<vmem>>
    %dma_start3A_39 = tpu.memref_slice %arg4[%mul3A_24] : memref<320000xi32, #tpu.memory_space<hbm>> -> memref<80xi32, #tpu.memory_space<hbm>>
    %dma_start3A_40 = arith.constant 0 : i32
    %dma_start3A_41 = tpu.memref_slice %arg9[%dma_start3A_35, %dma_start3A_40] : memref<2x80xi32, #tpu.memory_space<vmem>> -> memref<1x80xi32, #tpu.memory_space<vmem>>
    %dma_start3A_42 = tpu.memref_squeeze %dma_start3A_41 : memref<1x80xi32, #tpu.memory_space<vmem>> -> memref<80xi32, #tpu.memory_space<vmem>>
    %dma_start3A_43 = tpu.memref_slice %arg4[%mul3A_24] : memref<320000xi32, #tpu.memory_space<hbm>> -> memref<80xi32, #tpu.memory_space<hbm>>
    tpu.enqueue_dma source(%dma_start3A_43 : memref<80xi32, #tpu.memory_space<hbm>>) target(%dma_start3A_42 : memref<80xi32, #tpu.memory_space<vmem>>) target_semaphore(%arg14 : memref<!tpu.dma_semaphore, #tpu.memory_space<semaphore_mem>>)
    %dma_start3A_44 = arith.constant 0 : i32
    %dma_start3A_45 = arith.constant 0 : i32
    %dma_start3A_46 = arith.constant 0 : i32
    %dma_start3A_47 = tpu.memref_slice %arg10[%dma_start3A_44, %dma_start3A_45, %dma_start3A_46] : memref<2x80x16xf32, #tpu.memory_space<vmem>> -> memref<1x80x16xf32, #tpu.memory_space<vmem>>
    %dma_start3A_48 = tpu.memref_squeeze %dma_start3A_47 : memref<1x80x16xf32, #tpu.memory_space<vmem>> -> memref<80x16xf32, #tpu.memory_space<vmem>>
    %dma_start3A_49 = arith.constant 0 : i32
    %dma_start3A_50 = tpu.memref_slice %arg5[%mul3A_26, %dma_start3A_49] : memref<320000x16xf32, #tpu.memory_space<hbm>> -> memref<80x16xf32, #tpu.memory_space<hbm>>
    %dma_start3A_51 = arith.constant 0 : i32
    %dma_start3A_52 = arith.constant 0 : i32
    %dma_start3A_53 = tpu.memref_slice %arg10[%dma_start3A_44, %dma_start3A_51, %dma_start3A_52] : memref<2x80x16xf32, #tpu.memory_space<vmem>> -> memref<1x80x16xf32, #tpu.memory_space<vmem>>
    %dma_start3A_54 = tpu.memref_squeeze %dma_start3A_53 : memref<1x80x16xf32, #tpu.memory_space<vmem>> -> memref<80x16xf32, #tpu.memory_space<vmem>>
    %dma_start3A_55 = arith.constant 0 : i32
    %dma_start3A_56 = tpu.memref_slice %arg5[%mul3A_26, %dma_start3A_55] : memref<320000x16xf32, #tpu.memory_space<hbm>> -> memref<80x16xf32, #tpu.memory_space<hbm>>
    tpu.enqueue_dma source(%dma_start3A_56 : memref<80x16xf32, #tpu.memory_space<hbm>>) target(%dma_start3A_54 : memref<80x16xf32, #tpu.memory_space<vmem>>) target_semaphore(%arg14 : memref<!tpu.dma_semaphore, #tpu.memory_space<semaphore_mem>>)
    %add3A_57 = arith.constant 0 : i32
    %add3A_58 = arith.addi %mul3A_2, %add3A_57 : i32
    %mul3A_59 = arith.constant 80 : i32
    %mul3A_60 = arith.muli %add3A_58, %mul3A_59 : i32
    %mul3A_61 = arith.constant 80 : i32
    %mul3A_62 = arith.muli %add3A_58, %mul3A_61 : i32
    %mul3A_63 = arith.constant 80 : i32
    %mul3A_64 = arith.muli %add3A_58, %mul3A_63 : i32
    %dma_wait3A = arith.constant 0 : i32
    %dma_wait3A_65 = arith.constant 0 : i32
    %dma_wait3A_66 = tpu.memref_slice %arg8[%dma_wait3A, %dma_wait3A_65] : memref<2x80xi32, #tpu.memory_space<vmem>> -> memref<1x80xi32, #tpu.memory_space<vmem>>
    %dma_wait3A_67 = tpu.memref_squeeze %dma_wait3A_66 : memref<1x80xi32, #tpu.memory_space<vmem>> -> memref<80xi32, #tpu.memory_space<vmem>>
    %dma_wait3A_68 = tpu.memref_slice %arg3[%mul3A_60] : memref<320000xi32, #tpu.memory_space<hbm>> -> memref<80xi32, #tpu.memory_space<hbm>>
    %dma_wait3A_69 = arith.constant 0 : i32
    %dma_wait3A_70 = tpu.memref_slice %arg8[%dma_wait3A, %dma_wait3A_69] : memref<2x80xi32, #tpu.memory_space<vmem>> -> memref<1x80xi32, #tpu.memory_space<vmem>>
    %dma_wait3A_71 = tpu.memref_squeeze %dma_wait3A_70 : memref<1x80xi32, #tpu.memory_space<vmem>> -> memref<80xi32, #tpu.memory_space<vmem>>
    %dma_wait3A_72 = tpu.memref_slice %arg3[%mul3A_60] : memref<320000xi32, #tpu.memory_space<hbm>> -> memref<80xi32, #tpu.memory_space<hbm>>
    tpu.wait_dma2 semaphore(%arg14 : memref<!tpu.dma_semaphore, #tpu.memory_space<semaphore_mem>>) src(%dma_wait3A_72 : memref<80xi32, #tpu.memory_space<hbm>>) dst(%dma_wait3A_71 : memref<80xi32, #tpu.memory_space<vmem>>)
    %dma_wait3A_73 = arith.constant 0 : i32
    %dma_wait3A_74 = arith.constant 0 : i32
    %dma_wait3A_75 = tpu.memref_slice %arg9[%dma_wait3A_73, %dma_wait3A_74] : memref<2x80xi32, #tpu.memory_space<vmem>> -> memref<1x80xi32, #tpu.memory_space<vmem>>
    %dma_wait3A_76 = tpu.memref_squeeze %dma_wait3A_75 : memref<1x80xi32, #tpu.memory_space<vmem>> -> memref<80xi32, #tpu.memory_space<vmem>>
    %dma_wait3A_77 = tpu.memref_slice %arg4[%mul3A_62] : memref<320000xi32, #tpu.memory_space<hbm>> -> memref<80xi32, #tpu.memory_space<hbm>>
    %dma_wait3A_78 = arith.constant 0 : i32
    %dma_wait3A_79 = tpu.memref_slice %arg9[%dma_wait3A_73, %dma_wait3A_78] : memref<2x80xi32, #tpu.memory_space<vmem>> -> memref<1x80xi32, #tpu.memory_space<vmem>>
    %dma_wait3A_80 = tpu.memref_squeeze %dma_wait3A_79 : memref<1x80xi32, #tpu.memory_space<vmem>> -> memref<80xi32, #tpu.memory_space<vmem>>
    %dma_wait3A_81 = tpu.memref_slice %arg4[%mul3A_62] : memref<320000xi32, #tpu.memory_space<hbm>> -> memref<80xi32, #tpu.memory_space<hbm>>
    tpu.wait_dma2 semaphore(%arg14 : memref<!tpu.dma_semaphore, #tpu.memory_space<semaphore_mem>>) src(%dma_wait3A_81 : memref<80xi32, #tpu.memory_space<hbm>>) dst(%dma_wait3A_80 : memref<80xi32, #tpu.memory_space<vmem>>)
    %dma_wait3A_82 = arith.constant 0 : i32
    %dma_wait3A_83 = arith.constant 0 : i32
    %dma_wait3A_84 = arith.constant 0 : i32
    %dma_wait3A_85 = tpu.memref_slice %arg10[%dma_wait3A_82, %dma_wait3A_83, %dma_wait3A_84] : memref<2x80x16xf32, #tpu.memory_space<vmem>> -> memref<1x80x16xf32, #tpu.memory_space<vmem>>
    %dma_wait3A_86 = tpu.memref_squeeze %dma_wait3A_85 : memref<1x80x16xf32, #tpu.memory_space<vmem>> -> memref<80x16xf32, #tpu.memory_space<vmem>>
    %dma_wait3A_87 = arith.constant 0 : i32
    %dma_wait3A_88 = tpu.memref_slice %arg5[%mul3A_64, %dma_wait3A_87] : memref<320000x16xf32, #tpu.memory_space<hbm>> -> memref<80x16xf32, #tpu.memory_space<hbm>>
    %dma_wait3A_89 = arith.constant 0 : i32
    %dma_wait3A_90 = arith.constant 0 : i32
    %dma_wait3A_91 = tpu.memref_slice %arg10[%dma_wait3A_82, %dma_wait3A_89, %dma_wait3A_90] : memref<2x80x16xf32, #tpu.memory_space<vmem>> -> memref<1x80x16xf32, #tpu.memory_space<vmem>>
    %dma_wait3A_92 = tpu.memref_squeeze %dma_wait3A_91 : memref<1x80x16xf32, #tpu.memory_space<vmem>> -> memref<80x16xf32, #tpu.memory_space<vmem>>
    %dma_wait3A_93 = arith.constant 0 : i32
    %dma_wait3A_94 = tpu.memref_slice %arg5[%mul3A_64, %dma_wait3A_93] : memref<320000x16xf32, #tpu.memory_space<hbm>> -> memref<80x16xf32, #tpu.memory_space<hbm>>
    tpu.wait_dma2 semaphore(%arg14 : memref<!tpu.dma_semaphore, #tpu.memory_space<semaphore_mem>>) src(%dma_wait3A_94 : memref<80x16xf32, #tpu.memory_space<hbm>>) dst(%dma_wait3A_92 : memref<80x16xf32, #tpu.memory_space<vmem>>)
    %dma_start3A_95 = arith.constant 0 : i32
    %dma_start3A_96 = arith.constant 0 : i32
    %dma_start3A_97 = arith.constant 0 : i32
    %dma_start3A_98 = arith.constant 0 : i32
    %dma_start3A_99 = tpu.memref_slice %arg11[%dma_start3A_96, %dma_start3A_97, %dma_start3A_98] : memref<2x80x576xbf16, #tpu.memory_space<vmem>> -> memref<1x80x576xbf16, #tpu.memory_space<vmem>>
    %dma_start3A_100 = tpu.memref_squeeze %dma_start3A_99 : memref<1x80x576xbf16, #tpu.memory_space<vmem>> -> memref<80x576xbf16, #tpu.memory_space<vmem>>
    %dma_start3A_101 = arith.constant 0 : i32
    %dma_start3A_102 = tpu.memref_slice %arg8[%dma_start3A_95, %dma_start3A_101] : memref<2x80xi32, #tpu.memory_space<vmem>> -> memref<1x80xi32, #tpu.memory_space<vmem>>
    %dma_start3A_103 = tpu.memref_squeeze %dma_start3A_102 : memref<1x80xi32, #tpu.memory_space<vmem>> -> memref<80xi32, #tpu.memory_space<vmem>>
    %dma_start3A_104 = arith.constant 0 : i32
    %dma_start3A_105 = arith.constant 0 : i32
    %dma_start3A_106 = tpu.memref_slice %arg2[%dma_start3A_104, %dma_start3A_105] : memref<10000x576xbf16, #tpu.memory_space<hbm>> -> memref<10000x576xbf16, #tpu.memory_space<hbm>>
    tpu.enqueue_indirect_dma source(%dma_start3A_106 : memref<10000x576xbf16, #tpu.memory_space<hbm>>) target(%dma_start3A_100 : memref<80x576xbf16, #tpu.memory_space<vmem>>) offsets(%dma_start3A_103 : memref<80xi32, #tpu.memory_space<vmem>>) semaphore(%arg16 : memref<!tpu.dma_semaphore, #tpu.memory_space<semaphore_mem>>)
    %add3A_107 = arith.constant 1 : i32
    %add3A_108 = arith.addi %mul3A_2, %add3A_107 : i32
    %mul3A_109 = arith.constant 80 : i32
    %mul3A_110 = arith.muli %add3A_108, %mul3A_109 : i32
    %mul3A_111 = arith.constant 80 : i32
    %mul3A_112 = arith.muli %add3A_108, %mul3A_111 : i32
    %mul3A_113 = arith.constant 80 : i32
    %mul3A_114 = arith.muli %add3A_108, %mul3A_113 : i32
    %dma_start3A_115 = arith.constant 1 : i32
    %dma_start3A_116 = arith.constant 0 : i32
    %dma_start3A_117 = tpu.memref_slice %arg8[%dma_start3A_115, %dma_start3A_116] : memref<2x80xi32, #tpu.memory_space<vmem>> -> memref<1x80xi32, #tpu.memory_space<vmem>>
    %dma_start3A_118 = tpu.memref_squeeze %dma_start3A_117 : memref<1x80xi32, #tpu.memory_space<vmem>> -> memref<80xi32, #tpu.memory_space<vmem>>
    %dma_start3A_119 = tpu.memref_slice %arg3[%mul3A_110] : memref<320000xi32, #tpu.memory_space<hbm>> -> memref<80xi32, #tpu.memory_space<hbm>>
    %dma_start3A_120 = arith.constant 0 : i32
    %dma_start3A_121 = tpu.memref_slice %arg8[%dma_start3A_115, %dma_start3A_120] : memref<2x80xi32, #tpu.memory_space<vmem>> -> memref<1x80xi32, #tpu.memory_space<vmem>>
    %dma_start3A_122 = tpu.memref_squeeze %dma_start3A_121 : memref<1x80xi32, #tpu.memory_space<vmem>> -> memref<80xi32, #tpu.memory_space<vmem>>
    %dma_start3A_123 = tpu.memref_slice %arg3[%mul3A_110] : memref<320000xi32, #tpu.memory_space<hbm>> -> memref<80xi32, #tpu.memory_space<hbm>>
    tpu.enqueue_dma source(%dma_start3A_123 : memref<80xi32, #tpu.memory_space<hbm>>) target(%dma_start3A_122 : memref<80xi32, #tpu.memory_space<vmem>>) target_semaphore(%arg15 : memref<!tpu.dma_semaphore, #tpu.memory_space<semaphore_mem>>)
    %dma_start3A_124 = arith.constant 1 : i32
    %dma_start3A_125 = arith.constant 0 : i32
    %dma_start3A_126 = tpu.memref_slice %arg9[%dma_start3A_124, %dma_start3A_125] : memref<2x80xi32, #tpu.memory_space<vmem>> -> memref<1x80xi32, #tpu.memory_space<vmem>>
    %dma_start3A_127 = tpu.memref_squeeze %dma_start3A_126 : memref<1x80xi32, #tpu.memory_space<vmem>> -> memref<80xi32, #tpu.memory_space<vmem>>
    %dma_start3A_128 = tpu.memref_slice %arg4[%mul3A_112] : memref<320000xi32, #tpu.memory_space<hbm>> -> memref<80xi32, #tpu.memory_space<hbm>>
    %dma_start3A_129 = arith.constant 0 : i32
    %dma_start3A_130 = tpu.memref_slice %arg9[%dma_start3A_124, %dma_start3A_129] : memref<2x80xi32, #tpu.memory_space<vmem>> -> memref<1x80xi32, #tpu.memory_space<vmem>>
    %dma_start3A_131 = tpu.memref_squeeze %dma_start3A_130 : memref<1x80xi32, #tpu.memory_space<vmem>> -> memref<80xi32, #tpu.memory_space<vmem>>
    %dma_start3A_132 = tpu.memref_slice %arg4[%mul3A_112] : memref<320000xi32, #tpu.memory_space<hbm>> -> memref<80xi32, #tpu.memory_space<hbm>>
    tpu.enqueue_dma source(%dma_start3A_132 : memref<80xi32, #tpu.memory_space<hbm>>) target(%dma_start3A_131 : memref<80xi32, #tpu.memory_space<vmem>>) target_semaphore(%arg15 : memref<!tpu.dma_semaphore, #tpu.memory_space<semaphore_mem>>)
    %dma_start3A_133 = arith.constant 1 : i32
    %dma_start3A_134 = arith.constant 0 : i32
    %dma_start3A_135 = arith.constant 0 : i32
    %dma_start3A_136 = tpu.memref_slice %arg10[%dma_start3A_133, %dma_start3A_134, %dma_start3A_135] : memref<2x80x16xf32, #tpu.memory_space<vmem>> -> memref<1x80x16xf32, #tpu.memory_space<vmem>>
    %dma_start3A_137 = tpu.memref_squeeze %dma_start3A_136 : memref<1x80x16xf32, #tpu.memory_space<vmem>> -> memref<80x16xf32, #tpu.memory_space<vmem>>
    %dma_start3A_138 = arith.constant 0 : i32
    %dma_start3A_139 = tpu.memref_slice %arg5[%mul3A_114, %dma_start3A_138] : memref<320000x16xf32, #tpu.memory_space<hbm>> -> memref<80x16xf32, #tpu.memory_space<hbm>>
    %dma_start3A_140 = arith.constant 0 : i32
    %dma_start3A_141 = arith.constant 0 : i32
    %dma_start3A_142 = tpu.memref_slice %arg10[%dma_start3A_133, %dma_start3A_140, %dma_start3A_141] : memref<2x80x16xf32, #tpu.memory_space<vmem>> -> memref<1x80x16xf32, #tpu.memory_space<vmem>>
    %dma_start3A_143 = tpu.memref_squeeze %dma_start3A_142 : memref<1x80x16xf32, #tpu.memory_space<vmem>> -> memref<80x16xf32, #tpu.memory_space<vmem>>
    %dma_start3A_144 = arith.constant 0 : i32
    %dma_start3A_145 = tpu.memref_slice %arg5[%mul3A_114, %dma_start3A_144] : memref<320000x16xf32, #tpu.memory_space<hbm>> -> memref<80x16xf32, #tpu.memory_space<hbm>>
    tpu.enqueue_dma source(%dma_start3A_145 : memref<80x16xf32, #tpu.memory_space<hbm>>) target(%dma_start3A_143 : memref<80x16xf32, #tpu.memory_space<vmem>>) target_semaphore(%arg15 : memref<!tpu.dma_semaphore, #tpu.memory_space<semaphore_mem>>)
    %scan3A = arith.constant 0 : i32
    %scan3A_146 = arith.constant 0 : i32
    %scan3A_147 = arith.constant 62 : i32
    %scan3A_148 = arith.addi %scan3A_146, %scan3A_147 : i32
    %scan3A_149 = arith.constant 1 : i32
    scf.for %scan3A_170 = %scan3A_146 to %scan3A_148 step %scan3A_149  : i32 {
      %mul3A_171 = arith.constant 2 : i32
      %mul3A_172 = arith.muli %mul3A_171, %scan3A_170 : i32
      %add3A_173 = arith.constant 0 : i32
      %add3A_174 = arith.addi %mul3A_172, %add3A_173 : i32
      %add3A_175 = arith.constant 1 : i32
      %add3A_176 = arith.addi %add3A_174, %add3A_175 : i32
      %lt3A = arith.constant 125 : i32
      %lt3A_177 = arith.cmpi slt, %add3A_176, %lt3A : i32
      %convert_element_type3A = arith.extui %lt3A_177 : i1 to i32
      %cond3A = arith.constant 0 : i32
      %cond3A_178 = arith.cmpi ne, %convert_element_type3A, %cond3A : i32
      scf.if %cond3A_178 {
        %add3A_236 = arith.constant 1 : i32
        %add3A_237 = arith.addi %add3A_174, %add3A_236 : i32
        %add3A_238 = arith.addi %mul3A_2, %add3A_237 : i32
        %mul3A_239 = arith.constant 80 : i32
        %mul3A_240 = arith.muli %add3A_238, %mul3A_239 : i32
        %mul3A_241 = arith.constant 80 : i32
        %mul3A_242 = arith.muli %add3A_238, %mul3A_241 : i32
        %mul3A_243 = arith.constant 80 : i32
        %mul3A_244 = arith.muli %add3A_238, %mul3A_243 : i32
        %dma_wait3A_245 = arith.constant 1 : i32
        %dma_wait3A_246 = arith.constant 0 : i32
        %dma_wait3A_247 = tpu.memref_slice %arg8[%dma_wait3A_245, %dma_wait3A_246] : memref<2x80xi32, #tpu.memory_space<vmem>> -> memref<1x80xi32, #tpu.memory_space<vmem>>
        %dma_wait3A_248 = tpu.memref_squeeze %dma_wait3A_247 : memref<1x80xi32, #tpu.memory_space<vmem>> -> memref<80xi32, #tpu.memory_space<vmem>>
        %dma_wait3A_249 = tpu.memref_slice %arg3[%mul3A_240] : memref<320000xi32, #tpu.memory_space<hbm>> -> memref<80xi32, #tpu.memory_space<hbm>>
        %dma_wait3A_250 = arith.constant 0 : i32
        %dma_wait3A_251 = tpu.memref_slice %arg8[%dma_wait3A_245, %dma_wait3A_250] : memref<2x80xi32, #tpu.memory_space<vmem>> -> memref<1x80xi32, #tpu.memory_space<vmem>>
        %dma_wait3A_252 = tpu.memref_squeeze %dma_wait3A_251 : memref<1x80xi32, #tpu.memory_space<vmem>> -> memref<80xi32, #tpu.memory_space<vmem>>
        %dma_wait3A_253 = tpu.memref_slice %arg3[%mul3A_240] : memref<320000xi32, #tpu.memory_space<hbm>> -> memref<80xi32, #tpu.memory_space<hbm>>
        tpu.wait_dma2 semaphore(%arg15 : memref<!tpu.dma_semaphore, #tpu.memory_space<semaphore_mem>>) src(%dma_wait3A_253 : memref<80xi32, #tpu.memory_space<hbm>>) dst(%dma_wait3A_252 : memref<80xi32, #tpu.memory_space<vmem>>)
        %dma_wait3A_254 = arith.constant 1 : i32
        %dma_wait3A_255 = arith.constant 0 : i32
        %dma_wait3A_256 = tpu.memref_slice %arg9[%dma_wait3A_254, %dma_wait3A_255] : memref<2x80xi32, #tpu.memory_space<vmem>> -> memref<1x80xi32, #tpu.memory_space<vmem>>
        %dma_wait3A_257 = tpu.memref_squeeze %dma_wait3A_256 : memref<1x80xi32, #tpu.memory_space<vmem>> -> memref<80xi32, #tpu.memory_space<vmem>>
        %dma_wait3A_258 = tpu.memref_slice %arg4[%mul3A_242] : memref<320000xi32, #tpu.memory_space<hbm>> -> memref<80xi32, #tpu.memory_space<hbm>>
        %dma_wait3A_259 = arith.constant 0 : i32
        %dma_wait3A_260 = tpu.memref_slice %arg9[%dma_wait3A_254, %dma_wait3A_259] : memref<2x80xi32, #tpu.memory_space<vmem>> -> memref<1x80xi32, #tpu.memory_space<vmem>>
        %dma_wait3A_261 = tpu.memref_squeeze %dma_wait3A_260 : memref<1x80xi32, #tpu.memory_space<vmem>> -> memref<80xi32, #tpu.memory_space<vmem>>
        %dma_wait3A_262 = tpu.memref_slice %arg4[%mul3A_242] : memref<320000xi32, #tpu.memory_space<hbm>> -> memref<80xi32, #tpu.memory_space<hbm>>
        tpu.wait_dma2 semaphore(%arg15 : memref<!tpu.dma_semaphore, #tpu.memory_space<semaphore_mem>>) src(%dma_wait3A_262 : memref<80xi32, #tpu.memory_space<hbm>>) dst(%dma_wait3A_261 : memref<80xi32, #tpu.memory_space<vmem>>)
        %dma_wait3A_263 = arith.constant 1 : i32
        %dma_wait3A_264 = arith.constant 0 : i32
        %dma_wait3A_265 = arith.constant 0 : i32
        %dma_wait3A_266 = tpu.memref_slice %arg10[%dma_wait3A_263, %dma_wait3A_264, %dma_wait3A_265] : memref<2x80x16xf32, #tpu.memory_space<vmem>> -> memref<1x80x16xf32, #tpu.memory_space<vmem>>
        %dma_wait3A_267 = tpu.memref_squeeze %dma_wait3A_266 : memref<1x80x16xf32, #tpu.memory_space<vmem>> -> memref<80x16xf32, #tpu.memory_space<vmem>>
        %dma_wait3A_268 = arith.constant 0 : i32
        %dma_wait3A_269 = tpu.memref_slice %arg5[%mul3A_244, %dma_wait3A_268] : memref<320000x16xf32, #tpu.memory_space<hbm>> -> memref<80x16xf32, #tpu.memory_space<hbm>>
        %dma_wait3A_270 = arith.constant 0 : i32
        %dma_wait3A_271 = arith.constant 0 : i32
        %dma_wait3A_272 = tpu.memref_slice %arg10[%dma_wait3A_263, %dma_wait3A_270, %dma_wait3A_271] : memref<2x80x16xf32, #tpu.memory_space<vmem>> -> memref<1x80x16xf32, #tpu.memory_space<vmem>>
        %dma_wait3A_273 = tpu.memref_squeeze %dma_wait3A_272 : memref<1x80x16xf32, #tpu.memory_space<vmem>> -> memref<80x16xf32, #tpu.memory_space<vmem>>
        %dma_wait3A_274 = arith.constant 0 : i32
        %dma_wait3A_275 = tpu.memref_slice %arg5[%mul3A_244, %dma_wait3A_274] : memref<320000x16xf32, #tpu.memory_space<hbm>> -> memref<80x16xf32, #tpu.memory_space<hbm>>
        tpu.wait_dma2 semaphore(%arg15 : memref<!tpu.dma_semaphore, #tpu.memory_space<semaphore_mem>>) src(%dma_wait3A_275 : memref<80x16xf32, #tpu.memory_space<hbm>>) dst(%dma_wait3A_273 : memref<80x16xf32, #tpu.memory_space<vmem>>)
        %dma_start3A_276 = arith.constant 1 : i32
        %dma_start3A_277 = arith.constant 1 : i32
        %dma_start3A_278 = arith.constant 0 : i32
        %dma_start3A_279 = arith.constant 0 : i32
        %dma_start3A_280 = tpu.memref_slice %arg11[%dma_start3A_277, %dma_start3A_278, %dma_start3A_279] : memref<2x80x576xbf16, #tpu.memory_space<vmem>> -> memref<1x80x576xbf16, #tpu.memory_space<vmem>>
        %dma_start3A_281 = tpu.memref_squeeze %dma_start3A_280 : memref<1x80x576xbf16, #tpu.memory_space<vmem>> -> memref<80x576xbf16, #tpu.memory_space<vmem>>
        %dma_start3A_282 = arith.constant 0 : i32
        %dma_start3A_283 = tpu.memref_slice %arg8[%dma_start3A_276, %dma_start3A_282] : memref<2x80xi32, #tpu.memory_space<vmem>> -> memref<1x80xi32, #tpu.memory_space<vmem>>
        %dma_start3A_284 = tpu.memref_squeeze %dma_start3A_283 : memref<1x80xi32, #tpu.memory_space<vmem>> -> memref<80xi32, #tpu.memory_space<vmem>>
        %dma_start3A_285 = arith.constant 0 : i32
        %dma_start3A_286 = arith.constant 0 : i32
        %dma_start3A_287 = tpu.memref_slice %arg2[%dma_start3A_285, %dma_start3A_286] : memref<10000x576xbf16, #tpu.memory_space<hbm>> -> memref<10000x576xbf16, #tpu.memory_space<hbm>>
        tpu.enqueue_indirect_dma source(%dma_start3A_287 : memref<10000x576xbf16, #tpu.memory_space<hbm>>) target(%dma_start3A_281 : memref<80x576xbf16, #tpu.memory_space<vmem>>) offsets(%dma_start3A_284 : memref<80xi32, #tpu.memory_space<vmem>>) semaphore(%arg17 : memref<!tpu.dma_semaphore, #tpu.memory_space<semaphore_mem>>)
      } else {
      }
      %dma_wait3A_179 = arith.constant 0 : i32
      %dma_wait3A_180 = arith.constant 0 : i32
      %dma_wait3A_181 = arith.constant 0 : i32
      %dma_wait3A_182 = arith.constant 0 : i32
      %dma_wait3A_183 = tpu.memref_slice %arg11[%dma_wait3A_180, %dma_wait3A_181, %dma_wait3A_182] : memref<2x80x576xbf16, #tpu.memory_space<vmem>> -> memref<1x80x576xbf16, #tpu.memory_space<vmem>>
      %dma_wait3A_184 = tpu.memref_squeeze %dma_wait3A_183 : memref<1x80x576xbf16, #tpu.memory_space<vmem>> -> memref<80x576xbf16, #tpu.memory_space<vmem>>
      %dma_wait3A_185 = arith.constant 0 : i32
      %dma_wait3A_186 = tpu.memref_slice %arg8[%dma_wait3A_179, %dma_wait3A_185] : memref<2x80xi32, #tpu.memory_space<vmem>> -> memref<1x80xi32, #tpu.memory_space<vmem>>
      %dma_wait3A_187 = tpu.memref_squeeze %dma_wait3A_186 : memref<1x80xi32, #tpu.memory_space<vmem>> -> memref<80xi32, #tpu.memory_space<vmem>>
      %dma_wait3A_188 = arith.constant 0 : i32
      %dma_wait3A_189 = arith.constant 0 : i32
      %dma_wait3A_190 = tpu.memref_slice %arg2[%dma_wait3A_188, %dma_wait3A_189] : memref<10000x576xbf16, #tpu.memory_space<hbm>> -> memref<10000x576xbf16, #tpu.memory_space<hbm>>
      tpu.wait_indirect_dma semaphore(%arg16 : memref<!tpu.dma_semaphore, #tpu.memory_space<semaphore_mem>>) src(%dma_wait3A_190 : memref<10000x576xbf16, #tpu.memory_space<hbm>>) dst(%dma_wait3A_184 : memref<80x576xbf16, #tpu.memory_space<vmem>>)
      %parallel_loop3A_191 = arith.constant 0 : i32
      %parallel_loop3A_192 = arith.constant 80 : i32
      %parallel_loop3A_193 = arith.constant 1 : i32
      scf.for %parallel_loop3A_236 = %parallel_loop3A_191 to %parallel_loop3A_192 step %parallel_loop3A_193  : i32 {
        %parallel_loop3A_237 = arith.constant 0 : i32
        %parallel_loop3A_238 = arith.index_cast %parallel_loop3A_237 : i32 to index
        %parallel_loop3A_239 = arith.index_cast %parallel_loop3A_236 : i32 to index
        %parallel_loop3A_240 = arith.constant 0 : index
        %parallel_loop3A_241 = tpu.vector_load %arg10[%parallel_loop3A_238, %parallel_loop3A_239, %parallel_loop3A_240] {strides = array<i32>} : memref<2x80x16xf32, #tpu.memory_space<vmem>>, vector<16xf32>,
        %parallel_loop3A_242 = vector.shape_cast %min3A_9 : vector<16xi32> to vector<16x1xi32>
        %parallel_loop3A_243 = vector.shape_cast %parallel_loop3A_242 : vector<16x1xi32> to vector<16xi32>
        %parallel_loop3A_244 = tpu.dynamic_gather %parallel_loop3A_241[%parallel_loop3A_243] in [0] : vector<16xf32>, vector<16xi32> -> vector<16xf32>
        %parallel_loop3A_245 = vector.shape_cast %min3A_18 : vector<16xi32> to vector<16x1xi32>
        %parallel_loop3A_246 = vector.shape_cast %parallel_loop3A_245 : vector<16x1xi32> to vector<16xi32>
        %parallel_loop3A_247 = tpu.dynamic_gather %parallel_loop3A_241[%parallel_loop3A_246] in [0] : vector<16xf32>, vector<16xi32> -> vector<16xf32>
        %parallel_loop3A_248 = tpu.pack_subelements %parallel_loop3A_244, %parallel_loop3A_247 {pack_format = #tpu.pack_format<interleaved>, positions = array<i32: 0, 1>} : vector<16xf32>, vector<16xf32> -> vector<32xbf16>
        %parallel_loop3A_249 = vector.bitcast %parallel_loop3A_248 : vector<32xbf16> to vector<16xi32>
        %parallel_loop3A_250 = arith.constant 0 : i32
        %parallel_loop3A_251 = arith.index_cast %parallel_loop3A_250 : i32 to index
        %parallel_loop3A_252 = arith.index_cast %parallel_loop3A_236 : i32 to index
        %parallel_loop3A_253 = arith.constant 512 : index
        %parallel_loop3A_254 = tpu.vector_load %arg11[%parallel_loop3A_251, %parallel_loop3A_252, %parallel_loop3A_253] {strides = array<i32>} : memref<2x80x576xbf16, #tpu.memory_space<vmem>>, vector<32xbf16>,
        %parallel_loop3A_255 = arith.constant 0 : i32
        %parallel_loop3A_256 = arith.index_cast %parallel_loop3A_255 : i32 to index
        %parallel_loop3A_257 = arith.index_cast %parallel_loop3A_236 : i32 to index
        %parallel_loop3A_258 = arith.constant 544 : index
        %parallel_loop3A_259 = tpu.vector_load %arg11[%parallel_loop3A_256, %parallel_loop3A_257, %parallel_loop3A_258] {strides = array<i32>} : memref<2x80x576xbf16, #tpu.memory_space<vmem>>, vector<32xbf16>,
        %parallel_loop3A_260 = vector.extract_strided_slice %parallel_loop3A_249 {offsets = [0], sizes = [1], strides = [1]} : vector<16xi32> to vector<1xi32>
        %parallel_loop3A_261 = vector.extract %parallel_loop3A_260[0] : i32 from vector<1xi32>
        %parallel_loop3A_262 = vector.broadcast %parallel_loop3A_261 : i32 to vector<16xi32>
        %parallel_loop3A_263 = vector.bitcast %parallel_loop3A_262 : vector<16xi32> to vector<32xbf16>
        %parallel_loop3A_264 = arith.constant 0 : i32
        %parallel_loop3A_265 = arith.index_cast %parallel_loop3A_264 : i32 to index
        %parallel_loop3A_266 = arith.index_cast %parallel_loop3A_236 : i32 to index
        %parallel_loop3A_267 = arith.constant 0 : index
        %parallel_loop3A_268 = tpu.vector_load %arg11[%parallel_loop3A_265, %parallel_loop3A_266, %parallel_loop3A_267] {strides = array<i32>} : memref<2x80x576xbf16, #tpu.memory_space<vmem>>, vector<32xbf16>,
        %parallel_loop3A_269 = arith.mulf %parallel_loop3A_263, %parallel_loop3A_268 : vector<32xbf16>
        %parallel_loop3A_270 = arith.addf %parallel_loop3A_254, %parallel_loop3A_269 : vector<32xbf16>
        %parallel_loop3A_271 = arith.constant 0 : i32
        %parallel_loop3A_272 = arith.index_cast %parallel_loop3A_271 : i32 to index
        %parallel_loop3A_273 = arith.index_cast %parallel_loop3A_236 : i32 to index
        %parallel_loop3A_274 = arith.constant 32 : index
        %parallel_loop3A_275 = tpu.vector_load %arg11[%parallel_loop3A_272, %parallel_loop3A_273, %parallel_loop3A_274] {strides = array<i32>} : memref<2x80x576xbf16, #tpu.memory_space<vmem>>, vector<32xbf16>,
        %parallel_loop3A_276 = arith.mulf %parallel_loop3A_263, %parallel_loop3A_275 : vector<32xbf16>
        %parallel_loop3A_277 = arith.addf %parallel_loop3A_259, %parallel_loop3A_276 : vector<32xbf16>
        %parallel_loop3A_278 = vector.extract_strided_slice %parallel_loop3A_249 {offsets = [1], sizes = [1], strides = [1]} : vector<16xi32> to vector<1xi32>
        %parallel_loop3A_279 = vector.extract %parallel_loop3A_278[0] : i32 from vector<1xi32>
        %parallel_loop3A_280 = vector.broadcast %parallel_loop3A_279 : i32 to vector<16xi32>
        %parallel_loop3A_281 = vector.bitcast %parallel_loop3A_280 : vector<16xi32> to vector<32xbf16>
        %parallel_loop3A_282 = arith.constant 0 : i32
        %parallel_loop3A_283 = arith.index_cast %parallel_loop3A_282 : i32 to index
        %parallel_loop3A_284 = arith.index_cast %parallel_loop3A_236 : i32 to index
        %parallel_loop3A_285 = arith.constant 64 : index
        %parallel_loop3A_286 = tpu.vector_load %arg11[%parallel_loop3A_283, %parallel_loop3A_284, %parallel_loop3A_285] {strides = array<i32>} : memref<2x80x576xbf16, #tpu.memory_space<vmem>>, vector<32xbf16>,
        %parallel_loop3A_287 = arith.mulf %parallel_loop3A_281, %parallel_loop3A_286 : vector<32xbf16>
        %parallel_loop3A_288 = arith.addf %parallel_loop3A_270, %parallel_loop3A_287 : vector<32xbf16>
        %parallel_loop3A_289 = arith.constant 0 : i32
        %parallel_loop3A_290 = arith.index_cast %parallel_loop3A_289 : i32 to index
        %parallel_loop3A_291 = arith.index_cast %parallel_loop3A_236 : i32 to index
        %parallel_loop3A_292 = arith.constant 96 : index
        %parallel_loop3A_293 = tpu.vector_load %arg11[%parallel_loop3A_290, %parallel_loop3A_291, %parallel_loop3A_292] {strides = array<i32>} : memref<2x80x576xbf16, #tpu.memory_space<vmem>>, vector<32xbf16>,
        %parallel_loop3A_294 = arith.mulf %parallel_loop3A_281, %parallel_loop3A_293 : vector<32xbf16>
        %parallel_loop3A_295 = arith.addf %parallel_loop3A_277, %parallel_loop3A_294 : vector<32xbf16>
        %parallel_loop3A_296 = vector.extract_strided_slice %parallel_loop3A_249 {offsets = [2], sizes = [1], strides = [1]} : vector<16xi32> to vector<1xi32>
        %parallel_loop3A_297 = vector.extract %parallel_loop3A_296[0] : i32 from vector<1xi32>
        %parallel_loop3A_298 = vector.broadcast %parallel_loop3A_297 : i32 to vector<16xi32>
        %parallel_loop3A_299 = vector.bitcast %parallel_loop3A_298 : vector<16xi32> to vector<32xbf16>
        %parallel_loop3A_300 = arith.constant 0 : i32
        %parallel_loop3A_301 = arith.index_cast %parallel_loop3A_300 : i32 to index
        %parallel_loop3A_302 = arith.index_cast %parallel_loop3A_236 : i32 to index
        %parallel_loop3A_303 = arith.constant 128 : index
        %parallel_loop3A_304 = tpu.vector_load %arg11[%parallel_loop3A_301, %parallel_loop3A_302, %parallel_loop3A_303] {strides = array<i32>} : memref<2x80x576xbf16, #tpu.memory_space<vmem>>, vector<32xbf16>,
        %parallel_loop3A_305 = arith.mulf %parallel_loop3A_299, %parallel_loop3A_304 : vector<32xbf16>
        %parallel_loop3A_306 = arith.addf %parallel_loop3A_288, %parallel_loop3A_305 : vector<32xbf16>
        %parallel_loop3A_307 = arith.constant 0 : i32
        %parallel_loop3A_308 = arith.index_cast %parallel_loop3A_307 : i32 to index
        %parallel_loop3A_309 = arith.index_cast %parallel_loop3A_236 : i32 to index
        %parallel_loop3A_310 = arith.constant 160 : index
        %parallel_loop3A_311 = tpu.vector_load %arg11[%parallel_loop3A_308, %parallel_loop3A_309, %parallel_loop3A_310] {strides = array<i32>} : memref<2x80x576xbf16, #tpu.memory_space<vmem>>, vector<32xbf16>,
        %parallel_loop3A_312 = arith.mulf %parallel_loop3A_299, %parallel_loop3A_311 : vector<32xbf16>
        %parallel_loop3A_313 = arith.addf %parallel_loop3A_295, %parallel_loop3A_312 : vector<32xbf16>
        %parallel_loop3A_314 = vector.extract_strided_slice %parallel_loop3A_249 {offsets = [3], sizes = [1], strides = [1]} : vector<16xi32> to vector<1xi32>
        %parallel_loop3A_315 = vector.extract %parallel_loop3A_314[0] : i32 from vector<1xi32>
        %parallel_loop3A_316 = vector.broadcast %parallel_loop3A_315 : i32 to vector<16xi32>
        %parallel_loop3A_317 = vector.bitcast %parallel_loop3A_316 : vector<16xi32> to vector<32xbf16>
        %parallel_loop3A_318 = arith.constant 0 : i32
        %parallel_loop3A_319 = arith.index_cast %parallel_loop3A_318 : i32 to index
        %parallel_loop3A_320 = arith.index_cast %parallel_loop3A_236 : i32 to index
        %parallel_loop3A_321 = arith.constant 192 : index
        %parallel_loop3A_322 = tpu.vector_load %arg11[%parallel_loop3A_319, %parallel_loop3A_320, %parallel_loop3A_321] {strides = array<i32>} : memref<2x80x576xbf16, #tpu.memory_space<vmem>>, vector<32xbf16>,
        %parallel_loop3A_323 = arith.mulf %parallel_loop3A_317, %parallel_loop3A_322 : vector<32xbf16>
        %parallel_loop3A_324 = arith.addf %parallel_loop3A_306, %parallel_loop3A_323 : vector<32xbf16>
        %parallel_loop3A_325 = arith.constant 0 : i32
        %parallel_loop3A_326 = arith.index_cast %parallel_loop3A_325 : i32 to index
        %parallel_loop3A_327 = arith.index_cast %parallel_loop3A_236 : i32 to index
        %parallel_loop3A_328 = arith.constant 224 : index
        %parallel_loop3A_329 = tpu.vector_load %arg11[%parallel_loop3A_326, %parallel_loop3A_327, %parallel_loop3A_328] {strides = array<i32>} : memref<2x80x576xbf16, #tpu.memory_space<vmem>>, vector<32xbf16>,
        %parallel_loop3A_330 = arith.mulf %parallel_loop3A_317, %parallel_loop3A_329 : vector<32xbf16>
        %parallel_loop3A_331 = arith.addf %parallel_loop3A_313, %parallel_loop3A_330 : vector<32xbf16>
        %parallel_loop3A_332 = vector.extract_strided_slice %parallel_loop3A_249 {offsets = [4], sizes = [1], strides = [1]} : vector<16xi32> to vector<1xi32>
        %parallel_loop3A_333 = vector.extract %parallel_loop3A_332[0] : i32 from vector<1xi32>
        %parallel_loop3A_334 = vector.broadcast %parallel_loop3A_333 : i32 to vector<16xi32>
        %parallel_loop3A_335 = vector.bitcast %parallel_loop3A_334 : vector<16xi32> to vector<32xbf16>
        %parallel_loop3A_336 = arith.constant 0 : i32
        %parallel_loop3A_337 = arith.index_cast %parallel_loop3A_336 : i32 to index
        %parallel_loop3A_338 = arith.index_cast %parallel_loop3A_236 : i32 to index
        %parallel_loop3A_339 = arith.constant 256 : index
        %parallel_loop3A_340 = tpu.vector_load %arg11[%parallel_loop3A_337, %parallel_loop3A_338, %parallel_loop3A_339] {strides = array<i32>} : memref<2x80x576xbf16, #tpu.memory_space<vmem>>, vector<32xbf16>,
        %parallel_loop3A_341 = arith.mulf %parallel_loop3A_335, %parallel_loop3A_340 : vector<32xbf16>
        %parallel_loop3A_342 = arith.addf %parallel_loop3A_324, %parallel_loop3A_341 : vector<32xbf16>
        %parallel_loop3A_343 = arith.constant 0 : i32
        %parallel_loop3A_344 = arith.index_cast %parallel_loop3A_343 : i32 to index
        %parallel_loop3A_345 = arith.index_cast %parallel_loop3A_236 : i32 to index
        %parallel_loop3A_346 = arith.constant 288 : index
        %parallel_loop3A_347 = tpu.vector_load %arg11[%parallel_loop3A_344, %parallel_loop3A_345, %parallel_loop3A_346] {strides = array<i32>} : memref<2x80x576xbf16, #tpu.memory_space<vmem>>, vector<32xbf16>,
        %parallel_loop3A_348 = arith.mulf %parallel_loop3A_335, %parallel_loop3A_347 : vector<32xbf16>
        %parallel_loop3A_349 = arith.addf %parallel_loop3A_331, %parallel_loop3A_348 : vector<32xbf16>
        %parallel_loop3A_350 = vector.extract_strided_slice %parallel_loop3A_249 {offsets = [5], sizes = [1], strides = [1]} : vector<16xi32> to vector<1xi32>
        %parallel_loop3A_351 = vector.extract %parallel_loop3A_350[0] : i32 from vector<1xi32>
        %parallel_loop3A_352 = vector.broadcast %parallel_loop3A_351 : i32 to vector<16xi32>
        %parallel_loop3A_353 = vector.bitcast %parallel_loop3A_352 : vector<16xi32> to vector<32xbf16>
        %parallel_loop3A_354 = arith.constant 0 : i32
        %parallel_loop3A_355 = arith.index_cast %parallel_loop3A_354 : i32 to index
        %parallel_loop3A_356 = arith.index_cast %parallel_loop3A_236 : i32 to index
        %parallel_loop3A_357 = arith.constant 320 : index
        %parallel_loop3A_358 = tpu.vector_load %arg11[%parallel_loop3A_355, %parallel_loop3A_356, %parallel_loop3A_357] {strides = array<i32>} : memref<2x80x576xbf16, #tpu.memory_space<vmem>>, vector<32xbf16>,
        %parallel_loop3A_359 = arith.mulf %parallel_loop3A_353, %parallel_loop3A_358 : vector<32xbf16>
        %parallel_loop3A_360 = arith.addf %parallel_loop3A_342, %parallel_loop3A_359 : vector<32xbf16>
        %parallel_loop3A_361 = arith.constant 0 : i32
        %parallel_loop3A_362 = arith.index_cast %parallel_loop3A_361 : i32 to index
        %parallel_loop3A_363 = arith.index_cast %parallel_loop3A_236 : i32 to index
        %parallel_loop3A_364 = arith.constant 352 : index
        %parallel_loop3A_365 = tpu.vector_load %arg11[%parallel_loop3A_362, %parallel_loop3A_363, %parallel_loop3A_364] {strides = array<i32>} : memref<2x80x576xbf16, #tpu.memory_space<vmem>>, vector<32xbf16>,
        %parallel_loop3A_366 = arith.mulf %parallel_loop3A_353, %parallel_loop3A_365 : vector<32xbf16>
        %parallel_loop3A_367 = arith.addf %parallel_loop3A_349, %parallel_loop3A_366 : vector<32xbf16>
        %parallel_loop3A_368 = vector.extract_strided_slice %parallel_loop3A_249 {offsets = [6], sizes = [1], strides = [1]} : vector<16xi32> to vector<1xi32>
        %parallel_loop3A_369 = vector.extract %parallel_loop3A_368[0] : i32 from vector<1xi32>
        %parallel_loop3A_370 = vector.broadcast %parallel_loop3A_369 : i32 to vector<16xi32>
        %parallel_loop3A_371 = vector.bitcast %parallel_loop3A_370 : vector<16xi32> to vector<32xbf16>
        %parallel_loop3A_372 = arith.constant 0 : i32
        %parallel_loop3A_373 = arith.index_cast %parallel_loop3A_372 : i32 to index
        %parallel_loop3A_374 = arith.index_cast %parallel_loop3A_236 : i32 to index
        %parallel_loop3A_375 = arith.constant 384 : index
        %parallel_loop3A_376 = tpu.vector_load %arg11[%parallel_loop3A_373, %parallel_loop3A_374, %parallel_loop3A_375] {strides = array<i32>} : memref<2x80x576xbf16, #tpu.memory_space<vmem>>, vector<32xbf16>,
        %parallel_loop3A_377 = arith.mulf %parallel_loop3A_371, %parallel_loop3A_376 : vector<32xbf16>
        %parallel_loop3A_378 = arith.addf %parallel_loop3A_360, %parallel_loop3A_377 : vector<32xbf16>
        %parallel_loop3A_379 = arith.constant 0 : i32
        %parallel_loop3A_380 = arith.index_cast %parallel_loop3A_379 : i32 to index
        %parallel_loop3A_381 = arith.index_cast %parallel_loop3A_236 : i32 to index
        %parallel_loop3A_382 = arith.constant 416 : index
        %parallel_loop3A_383 = tpu.vector_load %arg11[%parallel_loop3A_380, %parallel_loop3A_381, %parallel_loop3A_382] {strides = array<i32>} : memref<2x80x576xbf16, #tpu.memory_space<vmem>>, vector<32xbf16>,
        %parallel_loop3A_384 = arith.mulf %parallel_loop3A_371, %parallel_loop3A_383 : vector<32xbf16>
        %parallel_loop3A_385 = arith.addf %parallel_loop3A_367, %parallel_loop3A_384 : vector<32xbf16>
        %parallel_loop3A_386 = vector.extract_strided_slice %parallel_loop3A_249 {offsets = [7], sizes = [1], strides = [1]} : vector<16xi32> to vector<1xi32>
        %parallel_loop3A_387 = vector.extract %parallel_loop3A_386[0] : i32 from vector<1xi32>
        %parallel_loop3A_388 = vector.broadcast %parallel_loop3A_387 : i32 to vector<16xi32>
        %parallel_loop3A_389 = vector.bitcast %parallel_loop3A_388 : vector<16xi32> to vector<32xbf16>
        %parallel_loop3A_390 = arith.constant 0 : i32
        %parallel_loop3A_391 = arith.index_cast %parallel_loop3A_390 : i32 to index
        %parallel_loop3A_392 = arith.index_cast %parallel_loop3A_236 : i32 to index
        %parallel_loop3A_393 = arith.constant 448 : index
        %parallel_loop3A_394 = tpu.vector_load %arg11[%parallel_loop3A_391, %parallel_loop3A_392, %parallel_loop3A_393] {strides = array<i32>} : memref<2x80x576xbf16, #tpu.memory_space<vmem>>, vector<32xbf16>,
        %parallel_loop3A_395 = arith.mulf %parallel_loop3A_389, %parallel_loop3A_394 : vector<32xbf16>
        %parallel_loop3A_396 = arith.addf %parallel_loop3A_378, %parallel_loop3A_395 : vector<32xbf16>
        %parallel_loop3A_397 = arith.constant 0 : i32
        %parallel_loop3A_398 = arith.index_cast %parallel_loop3A_397 : i32 to index
        %parallel_loop3A_399 = arith.index_cast %parallel_loop3A_236 : i32 to index
        %parallel_loop3A_400 = arith.constant 480 : index
        %parallel_loop3A_401 = tpu.vector_load %arg11[%parallel_loop3A_398, %parallel_loop3A_399, %parallel_loop3A_400] {strides = array<i32>} : memref<2x80x576xbf16, #tpu.memory_space<vmem>>, vector<32xbf16>,
        %parallel_loop3A_402 = arith.mulf %parallel_loop3A_389, %parallel_loop3A_401 : vector<32xbf16>
        %parallel_loop3A_403 = arith.addf %parallel_loop3A_385, %parallel_loop3A_402 : vector<32xbf16>
        %parallel_loop3A_404 = tpu.unpack_subelements %parallel_loop3A_396, 0 {pack_format = #tpu.pack_format<interleaved>} : vector<32xbf16> -> vector<16xf32>
        %parallel_loop3A_405 = tpu.unpack_subelements %parallel_loop3A_396, 1 {pack_format = #tpu.pack_format<interleaved>} : vector<32xbf16> -> vector<16xf32>
        %parallel_loop3A_406 = tpu.unpack_subelements %parallel_loop3A_403, 0 {pack_format = #tpu.pack_format<interleaved>} : vector<32xbf16> -> vector<16xf32>
        %parallel_loop3A_407 = tpu.unpack_subelements %parallel_loop3A_403, 1 {pack_format = #tpu.pack_format<interleaved>} : vector<32xbf16> -> vector<16xf32>
        %parallel_loop3A_408 = arith.addf %parallel_loop3A_404, %parallel_loop3A_405 : vector<16xf32>
        %parallel_loop3A_409 = arith.index_cast %parallel_loop3A_236 : i32 to index
        %parallel_loop3A_410 = arith.constant 0 : index
        %parallel_loop3A_411 = tpu.vector_load %arg12[%parallel_loop3A_409, %parallel_loop3A_410] {strides = array<i32>} : memref<80x32xf32, #tpu.memory_space<vmem>>, vector<16xf32>,
        tpu.vector_store %arg12[%parallel_loop3A_409, %parallel_loop3A_410], %parallel_loop3A_408 {strides = array<i32>} : memref<80x32xf32, #tpu.memory_space<vmem>>, vector<16xf32>,
        %parallel_loop3A_412 = arith.addf %parallel_loop3A_406, %parallel_loop3A_407 : vector<16xf32>
        %parallel_loop3A_413 = arith.index_cast %parallel_loop3A_236 : i32 to index
        %parallel_loop3A_414 = arith.constant 16 : index
        %parallel_loop3A_415 = tpu.vector_load %arg12[%parallel_loop3A_413, %parallel_loop3A_414] {strides = array<i32>} : memref<80x32xf32, #tpu.memory_space<vmem>>, vector<16xf32>,
        tpu.vector_store %arg12[%parallel_loop3A_413, %parallel_loop3A_414], %parallel_loop3A_412 {strides = array<i32>} : memref<80x32xf32, #tpu.memory_space<vmem>>, vector<16xf32>,
      } {sc.loop_unroll_factor = 4 : i64, sc.parallel_access}
      %run_scoped3A_194 = arith.constant 0 : i32
      "tpu.region"() ({
        %run_scoped3A_236 = tpu.sem_alloc : memref<!tpu.dma_semaphore, #tpu.memory_space<semaphore_mem>>
        %dma_start3A_237 = arith.constant 0 : i32
        %dma_start3A_238 = tpu.memref_slice %arg9[%run_scoped3A_194, %dma_start3A_237] : memref<2x80xi32, #tpu.memory_space<vmem>> -> memref<1x80xi32, #tpu.memory_space<vmem>>
        %dma_start3A_239 = tpu.memref_squeeze %dma_start3A_238 : memref<1x80xi32, #tpu.memory_space<vmem>> -> memref<80xi32, #tpu.memory_space<vmem>>
        %dma_start3A_240 = arith.constant 0 : i32
        %dma_start3A_241 = arith.constant 0 : i32
        %dma_start3A_242 = tpu.memref_slice %arg13[%dma_start3A_240, %dma_start3A_241] : memref<10240x32xf32, #tpu.memory_space<vmem_shared>> -> memref<10240x32xf32, #tpu.memory_space<vmem_shared>>
        tpu.enqueue_indirect_dma source(%arg12 : memref<80x32xf32, #tpu.memory_space<vmem>>) target(%dma_start3A_242 : memref<10240x32xf32, #tpu.memory_space<vmem_shared>>) offsets(%dma_start3A_239 : memref<80xi32, #tpu.memory_space<vmem>>) semaphore(%run_scoped3A_236 : memref<!tpu.dma_semaphore, #tpu.memory_space<semaphore_mem>>) {add = true}
        %dma_wait3A_243 = arith.constant 0 : i32
        %dma_wait3A_244 = tpu.memref_slice %arg9[%run_scoped3A_194, %dma_wait3A_243] : memref<2x80xi32, #tpu.memory_space<vmem>> -> memref<1x80xi32, #tpu.memory_space<vmem>>
        %dma_wait3A_245 = tpu.memref_squeeze %dma_wait3A_244 : memref<1x80xi32, #tpu.memory_space<vmem>> -> memref<80xi32, #tpu.memory_space<vmem>>
        %dma_wait3A_246 = arith.constant 0 : i32
        %dma_wait3A_247 = arith.constant 0 : i32
        %dma_wait3A_248 = tpu.memref_slice %arg13[%dma_wait3A_246, %dma_wait3A_247] : memref<10240x32xf32, #tpu.memory_space<vmem_shared>> -> memref<10240x32xf32, #tpu.memory_space<vmem_shared>>
        tpu.wait_indirect_dma semaphore(%run_scoped3A_236 : memref<!tpu.dma_semaphore, #tpu.memory_space<semaphore_mem>>) src(%arg12 : memref<80x32xf32, #tpu.memory_space<vmem>>) dst(%dma_wait3A_248 : memref<10240x32xf32, #tpu.memory_space<vmem_shared>>)
        tpu.yield
      }) : () -> ()
      %add3A_195 = arith.constant 2 : i32
      %add3A_196 = arith.addi %add3A_174, %add3A_195 : i32
      %lt3A_197 = arith.constant 125 : i32
      %lt3A_198 = arith.cmpi slt, %add3A_196, %lt3A_197 : i32
      %convert_element_type3A_199 = arith.extui %lt3A_198 : i1 to i32
      %cond3A_200 = arith.constant 0 : i32
      %cond3A_201 = arith.cmpi ne, %convert_element_type3A_199, %cond3A_200 : i32
      scf.if %cond3A_201 {
        %add3A_236 = arith.constant 2 : i32
        %add3A_237 = arith.addi %add3A_174, %add3A_236 : i32
        %add3A_238 = arith.addi %mul3A_2, %add3A_237 : i32
        %mul3A_239 = arith.constant 80 : i32
        %mul3A_240 = arith.muli %add3A_238, %mul3A_239 : i32
        %mul3A_241 = arith.constant 80 : i32
        %mul3A_242 = arith.muli %add3A_238, %mul3A_241 : i32
        %mul3A_243 = arith.constant 80 : i32
        %mul3A_244 = arith.muli %add3A_238, %mul3A_243 : i32
        %dma_start3A_245 = arith.constant 0 : i32
        %dma_start3A_246 = arith.constant 0 : i32
        %dma_start3A_247 = tpu.memref_slice %arg8[%dma_start3A_245, %dma_start3A_246] : memref<2x80xi32, #tpu.memory_space<vmem>> -> memref<1x80xi32, #tpu.memory_space<vmem>>
        %dma_start3A_248 = tpu.memref_squeeze %dma_start3A_247 : memref<1x80xi32, #tpu.memory_space<vmem>> -> memref<80xi32, #tpu.memory_space<vmem>>
        %dma_start3A_249 = tpu.memref_slice %arg3[%mul3A_240] : memref<320000xi32, #tpu.memory_space<hbm>> -> memref<80xi32, #tpu.memory_space<hbm>>
        %dma_start3A_250 = arith.constant 0 : i32
        %dma_start3A_251 = tpu.memref_slice %arg8[%dma_start3A_245, %dma_start3A_250] : memref<2x80xi32, #tpu.memory_space<vmem>> -> memref<1x80xi32, #tpu.memory_space<vmem>>
        %dma_start3A_252 = tpu.memref_squeeze %dma_start3A_251 : memref<1x80xi32, #tpu.memory_space<vmem>> -> memref<80xi32, #tpu.memory_space<vmem>>
        %dma_start3A_253 = tpu.memref_slice %arg3[%mul3A_240] : memref<320000xi32, #tpu.memory_space<hbm>> -> memref<80xi32, #tpu.memory_space<hbm>>
        tpu.enqueue_dma source(%dma_start3A_253 : memref<80xi32, #tpu.memory_space<hbm>>) target(%dma_start3A_252 : memref<80xi32, #tpu.memory_space<vmem>>) target_semaphore(%arg14 : memref<!tpu.dma_semaphore, #tpu.memory_space<semaphore_mem>>)
        %dma_start3A_254 = arith.constant 0 : i32
        %dma_start3A_255 = arith.constant 0 : i32
        %dma_start3A_256 = tpu.memref_slice %arg9[%dma_start3A_254, %dma_start3A_255] : memref<2x80xi32, #tpu.memory_space<vmem>> -> memref<1x80xi32, #tpu.memory_space<vmem>>
        %dma_start3A_257 = tpu.memref_squeeze %dma_start3A_256 : memref<1x80xi32, #tpu.memory_space<vmem>> -> memref<80xi32, #tpu.memory_space<vmem>>
        %dma_start3A_258 = tpu.memref_slice %arg4[%mul3A_242] : memref<320000xi32, #tpu.memory_space<hbm>> -> memref<80xi32, #tpu.memory_space<hbm>>
        %dma_start3A_259 = arith.constant 0 : i32
        %dma_start3A_260 = tpu.memref_slice %arg9[%dma_start3A_254, %dma_start3A_259] : memref<2x80xi32, #tpu.memory_space<vmem>> -> memref<1x80xi32, #tpu.memory_space<vmem>>
        %dma_start3A_261 = tpu.memref_squeeze %dma_start3A_260 : memref<1x80xi32, #tpu.memory_space<vmem>> -> memref<80xi32, #tpu.memory_space<vmem>>
        %dma_start3A_262 = tpu.memref_slice %arg4[%mul3A_242] : memref<320000xi32, #tpu.memory_space<hbm>> -> memref<80xi32, #tpu.memory_space<hbm>>
        tpu.enqueue_dma source(%dma_start3A_262 : memref<80xi32, #tpu.memory_space<hbm>>) target(%dma_start3A_261 : memref<80xi32, #tpu.memory_space<vmem>>) target_semaphore(%arg14 : memref<!tpu.dma_semaphore, #tpu.memory_space<semaphore_mem>>)
        %dma_start3A_263 = arith.constant 0 : i32
        %dma_start3A_264 = arith.constant 0 : i32
        %dma_start3A_265 = arith.constant 0 : i32
        %dma_start3A_266 = tpu.memref_slice %arg10[%dma_start3A_263, %dma_start3A_264, %dma_start3A_265] : memref<2x80x16xf32, #tpu.memory_space<vmem>> -> memref<1x80x16xf32, #tpu.memory_space<vmem>>
        %dma_start3A_267 = tpu.memref_squeeze %dma_start3A_266 : memref<1x80x16xf32, #tpu.memory_space<vmem>> -> memref<80x16xf32, #tpu.memory_space<vmem>>
        %dma_start3A_268 = arith.constant 0 : i32
        %dma_start3A_269 = tpu.memref_slice %arg5[%mul3A_244, %dma_start3A_268] : memref<320000x16xf32, #tpu.memory_space<hbm>> -> memref<80x16xf32, #tpu.memory_space<hbm>>
        %dma_start3A_270 = arith.constant 0 : i32
        %dma_start3A_271 = arith.constant 0 : i32
        %dma_start3A_272 = tpu.memref_slice %arg10[%dma_start3A_263, %dma_start3A_270, %dma_start3A_271] : memref<2x80x16xf32, #tpu.memory_space<vmem>> -> memref<1x80x16xf32, #tpu.memory_space<vmem>>
        %dma_start3A_273 = tpu.memref_squeeze %dma_start3A_272 : memref<1x80x16xf32, #tpu.memory_space<vmem>> -> memref<80x16xf32, #tpu.memory_space<vmem>>
        %dma_start3A_274 = arith.constant 0 : i32
        %dma_start3A_275 = tpu.memref_slice %arg5[%mul3A_244, %dma_start3A_274] : memref<320000x16xf32, #tpu.memory_space<hbm>> -> memref<80x16xf32, #tpu.memory_space<hbm>>
        tpu.enqueue_dma source(%dma_start3A_275 : memref<80x16xf32, #tpu.memory_space<hbm>>) target(%dma_start3A_273 : memref<80x16xf32, #tpu.memory_space<vmem>>) target_semaphore(%arg14 : memref<!tpu.dma_semaphore, #tpu.memory_space<semaphore_mem>>)
      } else {
      }
      %mul3A_202 = arith.constant 2 : i32
      %mul3A_203 = arith.muli %mul3A_202, %scan3A_170 : i32
      %add3A_204 = arith.constant 1 : i32
      %add3A_205 = arith.addi %mul3A_203, %add3A_204 : i32
      %add3A_206 = arith.constant 1 : i32
      %add3A_207 = arith.addi %add3A_205, %add3A_206 : i32
      %lt3A_208 = arith.constant 125 : i32
      %lt3A_209 = arith.cmpi slt, %add3A_207, %lt3A_208 : i32
      %convert_element_type3A_210 = arith.extui %lt3A_209 : i1 to i32
      %cond3A_211 = arith.constant 0 : i32
      %cond3A_212 = arith.cmpi ne, %convert_element_type3A_210, %cond3A_211 : i32
      scf.if %cond3A_212 {
        %add3A_236 = arith.constant 1 : i32
        %add3A_237 = arith.addi %add3A_205, %add3A_236 : i32
        %add3A_238 = arith.addi %mul3A_2, %add3A_237 : i32
        %mul3A_239 = arith.constant 80 : i32
        %mul3A_240 = arith.muli %add3A_238, %mul3A_239 : i32
        %mul3A_241 = arith.constant 80 : i32
        %mul3A_242 = arith.muli %add3A_238, %mul3A_241 : i32
        %mul3A_243 = arith.constant 80 : i32
        %mul3A_244 = arith.muli %add3A_238, %mul3A_243 : i32
        %dma_wait3A_245 = arith.constant 0 : i32
        %dma_wait3A_246 = arith.constant 0 : i32
        %dma_wait3A_247 = tpu.memref_slice %arg8[%dma_wait3A_245, %dma_wait3A_246] : memref<2x80xi32, #tpu.memory_space<vmem>> -> memref<1x80xi32, #tpu.memory_space<vmem>>
        %dma_wait3A_248 = tpu.memref_squeeze %dma_wait3A_247 : memref<1x80xi32, #tpu.memory_space<vmem>> -> memref<80xi32, #tpu.memory_space<vmem>>
        %dma_wait3A_249 = tpu.memref_slice %arg3[%mul3A_240] : memref<320000xi32, #tpu.memory_space<hbm>> -> memref<80xi32, #tpu.memory_space<hbm>>
        %dma_wait3A_250 = arith.constant 0 : i32
        %dma_wait3A_251 = tpu.memref_slice %arg8[%dma_wait3A_245, %dma_wait3A_250] : memref<2x80xi32, #tpu.memory_space<vmem>> -> memref<1x80xi32, #tpu.memory_space<vmem>>
        %dma_wait3A_252 = tpu.memref_squeeze %dma_wait3A_251 : memref<1x80xi32, #tpu.memory_space<vmem>> -> memref<80xi32, #tpu.memory_space<vmem>>
        %dma_wait3A_253 = tpu.memref_slice %arg3[%mul3A_240] : memref<320000xi32, #tpu.memory_space<hbm>> -> memref<80xi32, #tpu.memory_space<hbm>>
        tpu.wait_dma2 semaphore(%arg14 : memref<!tpu.dma_semaphore, #tpu.memory_space<semaphore_mem>>) src(%dma_wait3A_253 : memref<80xi32, #tpu.memory_space<hbm>>) dst(%dma_wait3A_252 : memref<80xi32, #tpu.memory_space<vmem>>)
        %dma_wait3A_254 = arith.constant 0 : i32
        %dma_wait3A_255 = arith.constant 0 : i32
        %dma_wait3A_256 = tpu.memref_slice %arg9[%dma_wait3A_254, %dma_wait3A_255] : memref<2x80xi32, #tpu.memory_space<vmem>> -> memref<1x80xi32, #tpu.memory_space<vmem>>
        %dma_wait3A_257 = tpu.memref_squeeze %dma_wait3A_256 : memref<1x80xi32, #tpu.memory_space<vmem>> -> memref<80xi32, #tpu.memory_space<vmem>>
        %dma_wait3A_258 = tpu.memref_slice %arg4[%mul3A_242] : memref<320000xi32, #tpu.memory_space<hbm>> -> memref<80xi32, #tpu.memory_space<hbm>>
        %dma_wait3A_259 = arith.constant 0 : i32
        %dma_wait3A_260 = tpu.memref_slice %arg9[%dma_wait3A_254, %dma_wait3A_259] : memref<2x80xi32, #tpu.memory_space<vmem>> -> memref<1x80xi32, #tpu.memory_space<vmem>>
        %dma_wait3A_261 = tpu.memref_squeeze %dma_wait3A_260 : memref<1x80xi32, #tpu.memory_space<vmem>> -> memref<80xi32, #tpu.memory_space<vmem>>
        %dma_wait3A_262 = tpu.memref_slice %arg4[%mul3A_242] : memref<320000xi32, #tpu.memory_space<hbm>> -> memref<80xi32, #tpu.memory_space<hbm>>
        tpu.wait_dma2 semaphore(%arg14 : memref<!tpu.dma_semaphore, #tpu.memory_space<semaphore_mem>>) src(%dma_wait3A_262 : memref<80xi32, #tpu.memory_space<hbm>>) dst(%dma_wait3A_261 : memref<80xi32, #tpu.memory_space<vmem>>)
        %dma_wait3A_263 = arith.constant 0 : i32
        %dma_wait3A_264 = arith.constant 0 : i32
        %dma_wait3A_265 = arith.constant 0 : i32
        %dma_wait3A_266 = tpu.memref_slice %arg10[%dma_wait3A_263, %dma_wait3A_264, %dma_wait3A_265] : memref<2x80x16xf32, #tpu.memory_space<vmem>> -> memref<1x80x16xf32, #tpu.memory_space<vmem>>
        %dma_wait3A_267 = tpu.memref_squeeze %dma_wait3A_266 : memref<1x80x16xf32, #tpu.memory_space<vmem>> -> memref<80x16xf32, #tpu.memory_space<vmem>>
        %dma_wait3A_268 = arith.constant 0 : i32
        %dma_wait3A_269 = tpu.memref_slice %arg5[%mul3A_244, %dma_wait3A_268] : memref<320000x16xf32, #tpu.memory_space<hbm>> -> memref<80x16xf32, #tpu.memory_space<hbm>>
        %dma_wait3A_270 = arith.constant 0 : i32
        %dma_wait3A_271 = arith.constant 0 : i32
        %dma_wait3A_272 = tpu.memref_slice %arg10[%dma_wait3A_263, %dma_wait3A_270, %dma_wait3A_271] : memref<2x80x16xf32, #tpu.memory_space<vmem>> -> memref<1x80x16xf32, #tpu.memory_space<vmem>>
        %dma_wait3A_273 = tpu.memref_squeeze %dma_wait3A_272 : memref<1x80x16xf32, #tpu.memory_space<vmem>> -> memref<80x16xf32, #tpu.memory_space<vmem>>
        %dma_wait3A_274 = arith.constant 0 : i32
        %dma_wait3A_275 = tpu.memref_slice %arg5[%mul3A_244, %dma_wait3A_274] : memref<320000x16xf32, #tpu.memory_space<hbm>> -> memref<80x16xf32, #tpu.memory_space<hbm>>
        tpu.wait_dma2 semaphore(%arg14 : memref<!tpu.dma_semaphore, #tpu.memory_space<semaphore_mem>>) src(%dma_wait3A_275 : memref<80x16xf32, #tpu.memory_space<hbm>>) dst(%dma_wait3A_273 : memref<80x16xf32, #tpu.memory_space<vmem>>)
        %dma_start3A_276 = arith.constant 0 : i32
        %dma_start3A_277 = arith.constant 0 : i32
        %dma_start3A_278 = arith.constant 0 : i32
        %dma_start3A_279 = arith.constant 0 : i32
        %dma_start3A_280 = tpu.memref_slice %arg11[%dma_start3A_277, %dma_start3A_278, %dma_start3A_279] : memref<2x80x576xbf16, #tpu.memory_space<vmem>> -> memref<1x80x576xbf16, #tpu.memory_space<vmem>>
        %dma_start3A_281 = tpu.memref_squeeze %dma_start3A_280 : memref<1x80x576xbf16, #tpu.memory_space<vmem>> -> memref<80x576xbf16, #tpu.memory_space<vmem>>
        %dma_start3A_282 = arith.constant 0 : i32
        %dma_start3A_283 = tpu.memref_slice %arg8[%dma_start3A_276, %dma_start3A_282] : memref<2x80xi32, #tpu.memory_space<vmem>> -> memref<1x80xi32, #tpu.memory_space<vmem>>
        %dma_start3A_284 = tpu.memref_squeeze %dma_start3A_283 : memref<1x80xi32, #tpu.memory_space<vmem>> -> memref<80xi32, #tpu.memory_space<vmem>>
        %dma_start3A_285 = arith.constant 0 : i32
        %dma_start3A_286 = arith.constant 0 : i32
        %dma_start3A_287 = tpu.memref_slice %arg2[%dma_start3A_285, %dma_start3A_286] : memref<10000x576xbf16, #tpu.memory_space<hbm>> -> memref<10000x576xbf16, #tpu.memory_space<hbm>>
        tpu.enqueue_indirect_dma source(%dma_start3A_287 : memref<10000x576xbf16, #tpu.memory_space<hbm>>) target(%dma_start3A_281 : memref<80x576xbf16, #tpu.memory_space<vmem>>) offsets(%dma_start3A_284 : memref<80xi32, #tpu.memory_space<vmem>>) semaphore(%arg16 : memref<!tpu.dma_semaphore, #tpu.memory_space<semaphore_mem>>)
      } else {
      }
      %dma_wait3A_213 = arith.constant 1 : i32
      %dma_wait3A_214 = arith.constant 1 : i32
      %dma_wait3A_215 = arith.constant 0 : i32
      %dma_wait3A_216 = arith.constant 0 : i32
      %dma_wait3A_217 = tpu.memref_slice %arg11[%dma_wait3A_214, %dma_wait3A_215, %dma_wait3A_216] : memref<2x80x576xbf16, #tpu.memory_space<vmem>> -> memref<1x80x576xbf16, #tpu.memory_space<vmem>>
      %dma_wait3A_218 = tpu.memref_squeeze %dma_wait3A_217 : memref<1x80x576xbf16, #tpu.memory_space<vmem>> -> memref<80x576xbf16, #tpu.memory_space<vmem>>
      %dma_wait3A_219 = arith.constant 0 : i32
      %dma_wait3A_220 = tpu.memref_slice %arg8[%dma_wait3A_213, %dma_wait3A_219] : memref<2x80xi32, #tpu.memory_space<vmem>> -> memref<1x80xi32, #tpu.memory_space<vmem>>
      %dma_wait3A_221 = tpu.memref_squeeze %dma_wait3A_220 : memref<1x80xi32, #tpu.memory_space<vmem>> -> memref<80xi32, #tpu.memory_space<vmem>>
      %dma_wait3A_222 = arith.constant 0 : i32
      %dma_wait3A_223 = arith.constant 0 : i32
      %dma_wait3A_224 = tpu.memref_slice %arg2[%dma_wait3A_222, %dma_wait3A_223] : memref<10000x576xbf16, #tpu.memory_space<hbm>> -> memref<10000x576xbf16, #tpu.memory_space<hbm>>
      tpu.wait_indirect_dma semaphore(%arg17 : memref<!tpu.dma_semaphore, #tpu.memory_space<semaphore_mem>>) src(%dma_wait3A_224 : memref<10000x576xbf16, #tpu.memory_space<hbm>>) dst(%dma_wait3A_218 : memref<80x576xbf16, #tpu.memory_space<vmem>>)
      %parallel_loop3A_225 = arith.constant 0 : i32
      %parallel_loop3A_226 = arith.constant 80 : i32
      %parallel_loop3A_227 = arith.constant 1 : i32
      scf.for %parallel_loop3A_236 = %parallel_loop3A_225 to %parallel_loop3A_226 step %parallel_loop3A_227  : i32 {
        %parallel_loop3A_237 = arith.constant 1 : i32
        %parallel_loop3A_238 = arith.index_cast %parallel_loop3A_237 : i32 to index
        %parallel_loop3A_239 = arith.index_cast %parallel_loop3A_236 : i32 to index
        %parallel_loop3A_240 = arith.constant 0 : index
        %parallel_loop3A_241 = tpu.vector_load %arg10[%parallel_loop3A_238, %parallel_loop3A_239, %parallel_loop3A_240] {strides = array<i32>} : memref<2x80x16xf32, #tpu.memory_space<vmem>>, vector<16xf32>,
        %parallel_loop3A_242 = vector.shape_cast %min3A_9 : vector<16xi32> to vector<16x1xi32>
        %parallel_loop3A_243 = vector.shape_cast %parallel_loop3A_242 : vector<16x1xi32> to vector<16xi32>
        %parallel_loop3A_244 = tpu.dynamic_gather %parallel_loop3A_241[%parallel_loop3A_243] in [0] : vector<16xf32>, vector<16xi32> -> vector<16xf32>
        %parallel_loop3A_245 = vector.shape_cast %min3A_18 : vector<16xi32> to vector<16x1xi32>
        %parallel_loop3A_246 = vector.shape_cast %parallel_loop3A_245 : vector<16x1xi32> to vector<16xi32>
        %parallel_loop3A_247 = tpu.dynamic_gather %parallel_loop3A_241[%parallel_loop3A_246] in [0] : vector<16xf32>, vector<16xi32> -> vector<16xf32>
        %parallel_loop3A_248 = tpu.pack_subelements %parallel_loop3A_244, %parallel_loop3A_247 {pack_format = #tpu.pack_format<interleaved>, positions = array<i32: 0, 1>} : vector<16xf32>, vector<16xf32> -> vector<32xbf16>
        %parallel_loop3A_249 = vector.bitcast %parallel_loop3A_248 : vector<32xbf16> to vector<16xi32>
        %parallel_loop3A_250 = arith.constant 1 : i32
        %parallel_loop3A_251 = arith.index_cast %parallel_loop3A_250 : i32 to index
        %parallel_loop3A_252 = arith.index_cast %parallel_loop3A_236 : i32 to index
        %parallel_loop3A_253 = arith.constant 512 : index
        %parallel_loop3A_254 = tpu.vector_load %arg11[%parallel_loop3A_251, %parallel_loop3A_252, %parallel_loop3A_253] {strides = array<i32>} : memref<2x80x576xbf16, #tpu.memory_space<vmem>>, vector<32xbf16>,
        %parallel_loop3A_255 = arith.constant 1 : i32
        %parallel_loop3A_256 = arith.index_cast %parallel_loop3A_255 : i32 to index
        %parallel_loop3A_257 = arith.index_cast %parallel_loop3A_236 : i32 to index
        %parallel_loop3A_258 = arith.constant 544 : index
        %parallel_loop3A_259 = tpu.vector_load %arg11[%parallel_loop3A_256, %parallel_loop3A_257, %parallel_loop3A_258] {strides = array<i32>} : memref<2x80x576xbf16, #tpu.memory_space<vmem>>, vector<32xbf16>,
        %parallel_loop3A_260 = vector.extract_strided_slice %parallel_loop3A_249 {offsets = [0], sizes = [1], strides = [1]} : vector<16xi32> to vector<1xi32>
        %parallel_loop3A_261 = vector.extract %parallel_loop3A_260[0] : i32 from vector<1xi32>
        %parallel_loop3A_262 = vector.broadcast %parallel_loop3A_261 : i32 to vector<16xi32>
        %parallel_loop3A_263 = vector.bitcast %parallel_loop3A_262 : vector<16xi32> to vector<32xbf16>
        %parallel_loop3A_264 = arith.constant 1 : i32
        %parallel_loop3A_265 = arith.index_cast %parallel_loop3A_264 : i32 to index
        %parallel_loop3A_266 = arith.index_cast %parallel_loop3A_236 : i32 to index
        %parallel_loop3A_267 = arith.constant 0 : index
        %parallel_loop3A_268 = tpu.vector_load %arg11[%parallel_loop3A_265, %parallel_loop3A_266, %parallel_loop3A_267] {strides = array<i32>} : memref<2x80x576xbf16, #tpu.memory_space<vmem>>, vector<32xbf16>,
        %parallel_loop3A_269 = arith.mulf %parallel_loop3A_263, %parallel_loop3A_268 : vector<32xbf16>
        %parallel_loop3A_270 = arith.addf %parallel_loop3A_254, %parallel_loop3A_269 : vector<32xbf16>
        %parallel_loop3A_271 = arith.constant 1 : i32
        %parallel_loop3A_272 = arith.index_cast %parallel_loop3A_271 : i32 to index
        %parallel_loop3A_273 = arith.index_cast %parallel_loop3A_236 : i32 to index
        %parallel_loop3A_274 = arith.constant 32 : index
        %parallel_loop3A_275 = tpu.vector_load %arg11[%parallel_loop3A_272, %parallel_loop3A_273, %parallel_loop3A_274] {strides = array<i32>} : memref<2x80x576xbf16, #tpu.memory_space<vmem>>, vector<32xbf16>,
        %parallel_loop3A_276 = arith.mulf %parallel_loop3A_263, %parallel_loop3A_275 : vector<32xbf16>
        %parallel_loop3A_277 = arith.addf %parallel_loop3A_259, %parallel_loop3A_276 : vector<32xbf16>
        %parallel_loop3A_278 = vector.extract_strided_slice %parallel_loop3A_249 {offsets = [1], sizes = [1], strides = [1]} : vector<16xi32> to vector<1xi32>
        %parallel_loop3A_279 = vector.extract %parallel_loop3A_278[0] : i32 from vector<1xi32>
        %parallel_loop3A_280 = vector.broadcast %parallel_loop3A_279 : i32 to vector<16xi32>
        %parallel_loop3A_281 = vector.bitcast %parallel_loop3A_280 : vector<16xi32> to vector<32xbf16>
        %parallel_loop3A_282 = arith.constant 1 : i32
        %parallel_loop3A_283 = arith.index_cast %parallel_loop3A_282 : i32 to index
        %parallel_loop3A_284 = arith.index_cast %parallel_loop3A_236 : i32 to index
        %parallel_loop3A_285 = arith.constant 64 : index
        %parallel_loop3A_286 = tpu.vector_load %arg11[%parallel_loop3A_283, %parallel_loop3A_284, %parallel_loop3A_285] {strides = array<i32>} : memref<2x80x576xbf16, #tpu.memory_space<vmem>>, vector<32xbf16>,
        %parallel_loop3A_287 = arith.mulf %parallel_loop3A_281, %parallel_loop3A_286 : vector<32xbf16>
        %parallel_loop3A_288 = arith.addf %parallel_loop3A_270, %parallel_loop3A_287 : vector<32xbf16>
        %parallel_loop3A_289 = arith.constant 1 : i32
        %parallel_loop3A_290 = arith.index_cast %parallel_loop3A_289 : i32 to index
        %parallel_loop3A_291 = arith.index_cast %parallel_loop3A_236 : i32 to index
        %parallel_loop3A_292 = arith.constant 96 : index
        %parallel_loop3A_293 = tpu.vector_load %arg11[%parallel_loop3A_290, %parallel_loop3A_291, %parallel_loop3A_292] {strides = array<i32>} : memref<2x80x576xbf16, #tpu.memory_space<vmem>>, vector<32xbf16>,
        %parallel_loop3A_294 = arith.mulf %parallel_loop3A_281, %parallel_loop3A_293 : vector<32xbf16>
        %parallel_loop3A_295 = arith.addf %parallel_loop3A_277, %parallel_loop3A_294 : vector<32xbf16>
        %parallel_loop3A_296 = vector.extract_strided_slice %parallel_loop3A_249 {offsets = [2], sizes = [1], strides = [1]} : vector<16xi32> to vector<1xi32>
        %parallel_loop3A_297 = vector.extract %parallel_loop3A_296[0] : i32 from vector<1xi32>
        %parallel_loop3A_298 = vector.broadcast %parallel_loop3A_297 : i32 to vector<16xi32>
        %parallel_loop3A_299 = vector.bitcast %parallel_loop3A_298 : vector<16xi32> to vector<32xbf16>
        %parallel_loop3A_300 = arith.constant 1 : i32
        %parallel_loop3A_301 = arith.index_cast %parallel_loop3A_300 : i32 to index
        %parallel_loop3A_302 = arith.index_cast %parallel_loop3A_236 : i32 to index
        %parallel_loop3A_303 = arith.constant 128 : index
        %parallel_loop3A_304 = tpu.vector_load %arg11[%parallel_loop3A_301, %parallel_loop3A_302, %parallel_loop3A_303] {strides = array<i32>} : memref<2x80x576xbf16, #tpu.memory_space<vmem>>, vector<32xbf16>,
        %parallel_loop3A_305 = arith.mulf %parallel_loop3A_299, %parallel_loop3A_304 : vector<32xbf16>
        %parallel_loop3A_306 = arith.addf %parallel_loop3A_288, %parallel_loop3A_305 : vector<32xbf16>
        %parallel_loop3A_307 = arith.constant 1 : i32
        %parallel_loop3A_308 = arith.index_cast %parallel_loop3A_307 : i32 to index
        %parallel_loop3A_309 = arith.index_cast %parallel_loop3A_236 : i32 to index
        %parallel_loop3A_310 = arith.constant 160 : index
        %parallel_loop3A_311 = tpu.vector_load %arg11[%parallel_loop3A_308, %parallel_loop3A_309, %parallel_loop3A_310] {strides = array<i32>} : memref<2x80x576xbf16, #tpu.memory_space<vmem>>, vector<32xbf16>,
        %parallel_loop3A_312 = arith.mulf %parallel_loop3A_299, %parallel_loop3A_311 : vector<32xbf16>
        %parallel_loop3A_313 = arith.addf %parallel_loop3A_295, %parallel_loop3A_312 : vector<32xbf16>
        %parallel_loop3A_314 = vector.extract_strided_slice %parallel_loop3A_249 {offsets = [3], sizes = [1], strides = [1]} : vector<16xi32> to vector<1xi32>
        %parallel_loop3A_315 = vector.extract %parallel_loop3A_314[0] : i32 from vector<1xi32>
        %parallel_loop3A_316 = vector.broadcast %parallel_loop3A_315 : i32 to vector<16xi32>
        %parallel_loop3A_317 = vector.bitcast %parallel_loop3A_316 : vector<16xi32> to vector<32xbf16>
        %parallel_loop3A_318 = arith.constant 1 : i32
        %parallel_loop3A_319 = arith.index_cast %parallel_loop3A_318 : i32 to index
        %parallel_loop3A_320 = arith.index_cast %parallel_loop3A_236 : i32 to index
        %parallel_loop3A_321 = arith.constant 192 : index
        %parallel_loop3A_322 = tpu.vector_load %arg11[%parallel_loop3A_319, %parallel_loop3A_320, %parallel_loop3A_321] {strides = array<i32>} : memref<2x80x576xbf16, #tpu.memory_space<vmem>>, vector<32xbf16>,
        %parallel_loop3A_323 = arith.mulf %parallel_loop3A_317, %parallel_loop3A_322 : vector<32xbf16>
        %parallel_loop3A_324 = arith.addf %parallel_loop3A_306, %parallel_loop3A_323 : vector<32xbf16>
        %parallel_loop3A_325 = arith.constant 1 : i32
        %parallel_loop3A_326 = arith.index_cast %parallel_loop3A_325 : i32 to index
        %parallel_loop3A_327 = arith.index_cast %parallel_loop3A_236 : i32 to index
        %parallel_loop3A_328 = arith.constant 224 : index
        %parallel_loop3A_329 = tpu.vector_load %arg11[%parallel_loop3A_326, %parallel_loop3A_327, %parallel_loop3A_328] {strides = array<i32>} : memref<2x80x576xbf16, #tpu.memory_space<vmem>>, vector<32xbf16>,
        %parallel_loop3A_330 = arith.mulf %parallel_loop3A_317, %parallel_loop3A_329 : vector<32xbf16>
        %parallel_loop3A_331 = arith.addf %parallel_loop3A_313, %parallel_loop3A_330 : vector<32xbf16>
        %parallel_loop3A_332 = vector.extract_strided_slice %parallel_loop3A_249 {offsets = [4], sizes = [1], strides = [1]} : vector<16xi32> to vector<1xi32>
        %parallel_loop3A_333 = vector.extract %parallel_loop3A_332[0] : i32 from vector<1xi32>
        %parallel_loop3A_334 = vector.broadcast %parallel_loop3A_333 : i32 to vector<16xi32>
        %parallel_loop3A_335 = vector.bitcast %parallel_loop3A_334 : vector<16xi32> to vector<32xbf16>
        %parallel_loop3A_336 = arith.constant 1 : i32
        %parallel_loop3A_337 = arith.index_cast %parallel_loop3A_336 : i32 to index
        %parallel_loop3A_338 = arith.index_cast %parallel_loop3A_236 : i32 to index
        %parallel_loop3A_339 = arith.constant 256 : index
        %parallel_loop3A_340 = tpu.vector_load %arg11[%parallel_loop3A_337, %parallel_loop3A_338, %parallel_loop3A_339] {strides = array<i32>} : memref<2x80x576xbf16, #tpu.memory_space<vmem>>, vector<32xbf16>,
        %parallel_loop3A_341 = arith.mulf %parallel_loop3A_335, %parallel_loop3A_340 : vector<32xbf16>
        %parallel_loop3A_342 = arith.addf %parallel_loop3A_324, %parallel_loop3A_341 : vector<32xbf16>
        %parallel_loop3A_343 = arith.constant 1 : i32
        %parallel_loop3A_344 = arith.index_cast %parallel_loop3A_343 : i32 to index
        %parallel_loop3A_345 = arith.index_cast %parallel_loop3A_236 : i32 to index
        %parallel_loop3A_346 = arith.constant 288 : index
        %parallel_loop3A_347 = tpu.vector_load %arg11[%parallel_loop3A_344, %parallel_loop3A_345, %parallel_loop3A_346] {strides = array<i32>} : memref<2x80x576xbf16, #tpu.memory_space<vmem>>, vector<32xbf16>,
        %parallel_loop3A_348 = arith.mulf %parallel_loop3A_335, %parallel_loop3A_347 : vector<32xbf16>
        %parallel_loop3A_349 = arith.addf %parallel_loop3A_331, %parallel_loop3A_348 : vector<32xbf16>
        %parallel_loop3A_350 = vector.extract_strided_slice %parallel_loop3A_249 {offsets = [5], sizes = [1], strides = [1]} : vector<16xi32> to vector<1xi32>
        %parallel_loop3A_351 = vector.extract %parallel_loop3A_350[0] : i32 from vector<1xi32>
        %parallel_loop3A_352 = vector.broadcast %parallel_loop3A_351 : i32 to vector<16xi32>
        %parallel_loop3A_353 = vector.bitcast %parallel_loop3A_352 : vector<16xi32> to vector<32xbf16>
        %parallel_loop3A_354 = arith.constant 1 : i32
        %parallel_loop3A_355 = arith.index_cast %parallel_loop3A_354 : i32 to index
        %parallel_loop3A_356 = arith.index_cast %parallel_loop3A_236 : i32 to index
        %parallel_loop3A_357 = arith.constant 320 : index
        %parallel_loop3A_358 = tpu.vector_load %arg11[%parallel_loop3A_355, %parallel_loop3A_356, %parallel_loop3A_357] {strides = array<i32>} : memref<2x80x576xbf16, #tpu.memory_space<vmem>>, vector<32xbf16>,
        %parallel_loop3A_359 = arith.mulf %parallel_loop3A_353, %parallel_loop3A_358 : vector<32xbf16>
        %parallel_loop3A_360 = arith.addf %parallel_loop3A_342, %parallel_loop3A_359 : vector<32xbf16>
        %parallel_loop3A_361 = arith.constant 1 : i32
        %parallel_loop3A_362 = arith.index_cast %parallel_loop3A_361 : i32 to index
        %parallel_loop3A_363 = arith.index_cast %parallel_loop3A_236 : i32 to index
        %parallel_loop3A_364 = arith.constant 352 : index
        %parallel_loop3A_365 = tpu.vector_load %arg11[%parallel_loop3A_362, %parallel_loop3A_363, %parallel_loop3A_364] {strides = array<i32>} : memref<2x80x576xbf16, #tpu.memory_space<vmem>>, vector<32xbf16>,
        %parallel_loop3A_366 = arith.mulf %parallel_loop3A_353, %parallel_loop3A_365 : vector<32xbf16>
        %parallel_loop3A_367 = arith.addf %parallel_loop3A_349, %parallel_loop3A_366 : vector<32xbf16>
        %parallel_loop3A_368 = vector.extract_strided_slice %parallel_loop3A_249 {offsets = [6], sizes = [1], strides = [1]} : vector<16xi32> to vector<1xi32>
        %parallel_loop3A_369 = vector.extract %parallel_loop3A_368[0] : i32 from vector<1xi32>
        %parallel_loop3A_370 = vector.broadcast %parallel_loop3A_369 : i32 to vector<16xi32>
        %parallel_loop3A_371 = vector.bitcast %parallel_loop3A_370 : vector<16xi32> to vector<32xbf16>
        %parallel_loop3A_372 = arith.constant 1 : i32
        %parallel_loop3A_373 = arith.index_cast %parallel_loop3A_372 : i32 to index
        %parallel_loop3A_374 = arith.index_cast %parallel_loop3A_236 : i32 to index
        %parallel_loop3A_375 = arith.constant 384 : index
        %parallel_loop3A_376 = tpu.vector_load %arg11[%parallel_loop3A_373, %parallel_loop3A_374, %parallel_loop3A_375] {strides = array<i32>} : memref<2x80x576xbf16, #tpu.memory_space<vmem>>, vector<32xbf16>,
        %parallel_loop3A_377 = arith.mulf %parallel_loop3A_371, %parallel_loop3A_376 : vector<32xbf16>
        %parallel_loop3A_378 = arith.addf %parallel_loop3A_360, %parallel_loop3A_377 : vector<32xbf16>
        %parallel_loop3A_379 = arith.constant 1 : i32
        %parallel_loop3A_380 = arith.index_cast %parallel_loop3A_379 : i32 to index
        %parallel_loop3A_381 = arith.index_cast %parallel_loop3A_236 : i32 to index
        %parallel_loop3A_382 = arith.constant 416 : index
        %parallel_loop3A_383 = tpu.vector_load %arg11[%parallel_loop3A_380, %parallel_loop3A_381, %parallel_loop3A_382] {strides = array<i32>} : memref<2x80x576xbf16, #tpu.memory_space<vmem>>, vector<32xbf16>,
        %parallel_loop3A_384 = arith.mulf %parallel_loop3A_371, %parallel_loop3A_383 : vector<32xbf16>
        %parallel_loop3A_385 = arith.addf %parallel_loop3A_367, %parallel_loop3A_384 : vector<32xbf16>
        %parallel_loop3A_386 = vector.extract_strided_slice %parallel_loop3A_249 {offsets = [7], sizes = [1], strides = [1]} : vector<16xi32> to vector<1xi32>
        %parallel_loop3A_387 = vector.extract %parallel_loop3A_386[0] : i32 from vector<1xi32>
        %parallel_loop3A_388 = vector.broadcast %parallel_loop3A_387 : i32 to vector<16xi32>
        %parallel_loop3A_389 = vector.bitcast %parallel_loop3A_388 : vector<16xi32> to vector<32xbf16>
        %parallel_loop3A_390 = arith.constant 1 : i32
        %parallel_loop3A_391 = arith.index_cast %parallel_loop3A_390 : i32 to index
        %parallel_loop3A_392 = arith.index_cast %parallel_loop3A_236 : i32 to index
        %parallel_loop3A_393 = arith.constant 448 : index
        %parallel_loop3A_394 = tpu.vector_load %arg11[%parallel_loop3A_391, %parallel_loop3A_392, %parallel_loop3A_393] {strides = array<i32>} : memref<2x80x576xbf16, #tpu.memory_space<vmem>>, vector<32xbf16>,
        %parallel_loop3A_395 = arith.mulf %parallel_loop3A_389, %parallel_loop3A_394 : vector<32xbf16>
        %parallel_loop3A_396 = arith.addf %parallel_loop3A_378, %parallel_loop3A_395 : vector<32xbf16>
        %parallel_loop3A_397 = arith.constant 1 : i32
        %parallel_loop3A_398 = arith.index_cast %parallel_loop3A_397 : i32 to index
        %parallel_loop3A_399 = arith.index_cast %parallel_loop3A_236 : i32 to index
        %parallel_loop3A_400 = arith.constant 480 : index
        %parallel_loop3A_401 = tpu.vector_load %arg11[%parallel_loop3A_398, %parallel_loop3A_399, %parallel_loop3A_400] {strides = array<i32>} : memref<2x80x576xbf16, #tpu.memory_space<vmem>>, vector<32xbf16>,
        %parallel_loop3A_402 = arith.mulf %parallel_loop3A_389, %parallel_loop3A_401 : vector<32xbf16>
        %parallel_loop3A_403 = arith.addf %parallel_loop3A_385, %parallel_loop3A_402 : vector<32xbf16>
        %parallel_loop3A_404 = tpu.unpack_subelements %parallel_loop3A_396, 0 {pack_format = #tpu.pack_format<interleaved>} : vector<32xbf16> -> vector<16xf32>
        %parallel_loop3A_405 = tpu.unpack_subelements %parallel_loop3A_396, 1 {pack_format = #tpu.pack_format<interleaved>} : vector<32xbf16> -> vector<16xf32>
        %parallel_loop3A_406 = tpu.unpack_subelements %parallel_loop3A_403, 0 {pack_format = #tpu.pack_format<interleaved>} : vector<32xbf16> -> vector<16xf32>
        %parallel_loop3A_407 = tpu.unpack_subelements %parallel_loop3A_403, 1 {pack_format = #tpu.pack_format<interleaved>} : vector<32xbf16> -> vector<16xf32>
        %parallel_loop3A_408 = arith.addf %parallel_loop3A_404, %parallel_loop3A_405 : vector<16xf32>
        %parallel_loop3A_409 = arith.index_cast %parallel_loop3A_236 : i32 to index
        %parallel_loop3A_410 = arith.constant 0 : index
        %parallel_loop3A_411 = tpu.vector_load %arg12[%parallel_loop3A_409, %parallel_loop3A_410] {strides = array<i32>} : memref<80x32xf32, #tpu.memory_space<vmem>>, vector<16xf32>,
        tpu.vector_store %arg12[%parallel_loop3A_409, %parallel_loop3A_410], %parallel_loop3A_408 {strides = array<i32>} : memref<80x32xf32, #tpu.memory_space<vmem>>, vector<16xf32>,
        %parallel_loop3A_412 = arith.addf %parallel_loop3A_406, %parallel_loop3A_407 : vector<16xf32>
        %parallel_loop3A_413 = arith.index_cast %parallel_loop3A_236 : i32 to index
        %parallel_loop3A_414 = arith.constant 16 : index
        %parallel_loop3A_415 = tpu.vector_load %arg12[%parallel_loop3A_413, %parallel_loop3A_414] {strides = array<i32>} : memref<80x32xf32, #tpu.memory_space<vmem>>, vector<16xf32>,
        tpu.vector_store %arg12[%parallel_loop3A_413, %parallel_loop3A_414], %parallel_loop3A_412 {strides = array<i32>} : memref<80x32xf32, #tpu.memory_space<vmem>>, vector<16xf32>,
      } {sc.loop_unroll_factor = 4 : i64, sc.parallel_access}
      %run_scoped3A_228 = arith.constant 1 : i32
      "tpu.region"() ({
        %run_scoped3A_236 = tpu.sem_alloc : memref<!tpu.dma_semaphore, #tpu.memory_space<semaphore_mem>>
        %dma_start3A_237 = arith.constant 0 : i32
        %dma_start3A_238 = tpu.memref_slice %arg9[%run_scoped3A_228, %dma_start3A_237] : memref<2x80xi32, #tpu.memory_space<vmem>> -> memref<1x80xi32, #tpu.memory_space<vmem>>
        %dma_start3A_239 = tpu.memref_squeeze %dma_start3A_238 : memref<1x80xi32, #tpu.memory_space<vmem>> -> memref<80xi32, #tpu.memory_space<vmem>>
        %dma_start3A_240 = arith.constant 0 : i32
        %dma_start3A_241 = arith.constant 0 : i32
        %dma_start3A_242 = tpu.memref_slice %arg13[%dma_start3A_240, %dma_start3A_241] : memref<10240x32xf32, #tpu.memory_space<vmem_shared>> -> memref<10240x32xf32, #tpu.memory_space<vmem_shared>>
        tpu.enqueue_indirect_dma source(%arg12 : memref<80x32xf32, #tpu.memory_space<vmem>>) target(%dma_start3A_242 : memref<10240x32xf32, #tpu.memory_space<vmem_shared>>) offsets(%dma_start3A_239 : memref<80xi32, #tpu.memory_space<vmem>>) semaphore(%run_scoped3A_236 : memref<!tpu.dma_semaphore, #tpu.memory_space<semaphore_mem>>) {add = true}
        %dma_wait3A_243 = arith.constant 0 : i32
        %dma_wait3A_244 = tpu.memref_slice %arg9[%run_scoped3A_228, %dma_wait3A_243] : memref<2x80xi32, #tpu.memory_space<vmem>> -> memref<1x80xi32, #tpu.memory_space<vmem>>
        %dma_wait3A_245 = tpu.memref_squeeze %dma_wait3A_244 : memref<1x80xi32, #tpu.memory_space<vmem>> -> memref<80xi32, #tpu.memory_space<vmem>>
        %dma_wait3A_246 = arith.constant 0 : i32
        %dma_wait3A_247 = arith.constant 0 : i32
        %dma_wait3A_248 = tpu.memref_slice %arg13[%dma_wait3A_246, %dma_wait3A_247] : memref<10240x32xf32, #tpu.memory_space<vmem_shared>> -> memref<10240x32xf32, #tpu.memory_space<vmem_shared>>
        tpu.wait_indirect_dma semaphore(%run_scoped3A_236 : memref<!tpu.dma_semaphore, #tpu.memory_space<semaphore_mem>>) src(%arg12 : memref<80x32xf32, #tpu.memory_space<vmem>>) dst(%dma_wait3A_248 : memref<10240x32xf32, #tpu.memory_space<vmem_shared>>)
        tpu.yield
      }) : () -> ()
      %add3A_229 = arith.constant 2 : i32
      %add3A_230 = arith.addi %add3A_205, %add3A_229 : i32
      %lt3A_231 = arith.constant 125 : i32
      %lt3A_232 = arith.cmpi slt, %add3A_230, %lt3A_231 : i32
      %convert_element_type3A_233 = arith.extui %lt3A_232 : i1 to i32
      %cond3A_234 = arith.constant 0 : i32
      %cond3A_235 = arith.cmpi ne, %convert_element_type3A_233, %cond3A_234 : i32
      scf.if %cond3A_235 {
        %add3A_236 = arith.constant 2 : i32
        %add3A_237 = arith.addi %add3A_205, %add3A_236 : i32
        %add3A_238 = arith.addi %mul3A_2, %add3A_237 : i32
        %mul3A_239 = arith.constant 80 : i32
        %mul3A_240 = arith.muli %add3A_238, %mul3A_239 : i32
        %mul3A_241 = arith.constant 80 : i32
        %mul3A_242 = arith.muli %add3A_238, %mul3A_241 : i32
        %mul3A_243 = arith.constant 80 : i32
        %mul3A_244 = arith.muli %add3A_238, %mul3A_243 : i32
        %dma_start3A_245 = arith.constant 1 : i32
        %dma_start3A_246 = arith.constant 0 : i32
        %dma_start3A_247 = tpu.memref_slice %arg8[%dma_start3A_245, %dma_start3A_246] : memref<2x80xi32, #tpu.memory_space<vmem>> -> memref<1x80xi32, #tpu.memory_space<vmem>>
        %dma_start3A_248 = tpu.memref_squeeze %dma_start3A_247 : memref<1x80xi32, #tpu.memory_space<vmem>> -> memref<80xi32, #tpu.memory_space<vmem>>
        %dma_start3A_249 = tpu.memref_slice %arg3[%mul3A_240] : memref<320000xi32, #tpu.memory_space<hbm>> -> memref<80xi32, #tpu.memory_space<hbm>>
        %dma_start3A_250 = arith.constant 0 : i32
        %dma_start3A_251 = tpu.memref_slice %arg8[%dma_start3A_245, %dma_start3A_250] : memref<2x80xi32, #tpu.memory_space<vmem>> -> memref<1x80xi32, #tpu.memory_space<vmem>>
        %dma_start3A_252 = tpu.memref_squeeze %dma_start3A_251 : memref<1x80xi32, #tpu.memory_space<vmem>> -> memref<80xi32, #tpu.memory_space<vmem>>
        %dma_start3A_253 = tpu.memref_slice %arg3[%mul3A_240] : memref<320000xi32, #tpu.memory_space<hbm>> -> memref<80xi32, #tpu.memory_space<hbm>>
        tpu.enqueue_dma source(%dma_start3A_253 : memref<80xi32, #tpu.memory_space<hbm>>) target(%dma_start3A_252 : memref<80xi32, #tpu.memory_space<vmem>>) target_semaphore(%arg15 : memref<!tpu.dma_semaphore, #tpu.memory_space<semaphore_mem>>)
        %dma_start3A_254 = arith.constant 1 : i32
        %dma_start3A_255 = arith.constant 0 : i32
        %dma_start3A_256 = tpu.memref_slice %arg9[%dma_start3A_254, %dma_start3A_255] : memref<2x80xi32, #tpu.memory_space<vmem>> -> memref<1x80xi32, #tpu.memory_space<vmem>>
        %dma_start3A_257 = tpu.memref_squeeze %dma_start3A_256 : memref<1x80xi32, #tpu.memory_space<vmem>> -> memref<80xi32, #tpu.memory_space<vmem>>
        %dma_start3A_258 = tpu.memref_slice %arg4[%mul3A_242] : memref<320000xi32, #tpu.memory_space<hbm>> -> memref<80xi32, #tpu.memory_space<hbm>>
        %dma_start3A_259 = arith.constant 0 : i32
        %dma_start3A_260 = tpu.memref_slice %arg9[%dma_start3A_254, %dma_start3A_259] : memref<2x80xi32, #tpu.memory_space<vmem>> -> memref<1x80xi32, #tpu.memory_space<vmem>>
        %dma_start3A_261 = tpu.memref_squeeze %dma_start3A_260 : memref<1x80xi32, #tpu.memory_space<vmem>> -> memref<80xi32, #tpu.memory_space<vmem>>
        %dma_start3A_262 = tpu.memref_slice %arg4[%mul3A_242] : memref<320000xi32, #tpu.memory_space<hbm>> -> memref<80xi32, #tpu.memory_space<hbm>>
        tpu.enqueue_dma source(%dma_start3A_262 : memref<80xi32, #tpu.memory_space<hbm>>) target(%dma_start3A_261 : memref<80xi32, #tpu.memory_space<vmem>>) target_semaphore(%arg15 : memref<!tpu.dma_semaphore, #tpu.memory_space<semaphore_mem>>)
        %dma_start3A_263 = arith.constant 1 : i32
        %dma_start3A_264 = arith.constant 0 : i32
        %dma_start3A_265 = arith.constant 0 : i32
        %dma_start3A_266 = tpu.memref_slice %arg10[%dma_start3A_263, %dma_start3A_264, %dma_start3A_265] : memref<2x80x16xf32, #tpu.memory_space<vmem>> -> memref<1x80x16xf32, #tpu.memory_space<vmem>>
        %dma_start3A_267 = tpu.memref_squeeze %dma_start3A_266 : memref<1x80x16xf32, #tpu.memory_space<vmem>> -> memref<80x16xf32, #tpu.memory_space<vmem>>
        %dma_start3A_268 = arith.constant 0 : i32
        %dma_start3A_269 = tpu.memref_slice %arg5[%mul3A_244, %dma_start3A_268] : memref<320000x16xf32, #tpu.memory_space<hbm>> -> memref<80x16xf32, #tpu.memory_space<hbm>>
        %dma_start3A_270 = arith.constant 0 : i32
        %dma_start3A_271 = arith.constant 0 : i32
        %dma_start3A_272 = tpu.memref_slice %arg10[%dma_start3A_263, %dma_start3A_270, %dma_start3A_271] : memref<2x80x16xf32, #tpu.memory_space<vmem>> -> memref<1x80x16xf32, #tpu.memory_space<vmem>>
        %dma_start3A_273 = tpu.memref_squeeze %dma_start3A_272 : memref<1x80x16xf32, #tpu.memory_space<vmem>> -> memref<80x16xf32, #tpu.memory_space<vmem>>
        %dma_start3A_274 = arith.constant 0 : i32
        %dma_start3A_275 = tpu.memref_slice %arg5[%mul3A_244, %dma_start3A_274] : memref<320000x16xf32, #tpu.memory_space<hbm>> -> memref<80x16xf32, #tpu.memory_space<hbm>>
        tpu.enqueue_dma source(%dma_start3A_275 : memref<80x16xf32, #tpu.memory_space<hbm>>) target(%dma_start3A_273 : memref<80x16xf32, #tpu.memory_space<vmem>>) target_semaphore(%arg15 : memref<!tpu.dma_semaphore, #tpu.memory_space<semaphore_mem>>)
      } else {
      }
    }
    %scan3A_150 = arith.constant 62 : i32
    %dma_wait3A_151 = arith.constant 0 : i32
    %dma_wait3A_152 = arith.constant 0 : i32
    %dma_wait3A_153 = arith.constant 0 : i32
    %dma_wait3A_154 = arith.constant 0 : i32
    %dma_wait3A_155 = tpu.memref_slice %arg11[%dma_wait3A_152, %dma_wait3A_153, %dma_wait3A_154] : memref<2x80x576xbf16, #tpu.memory_space<vmem>> -> memref<1x80x576xbf16, #tpu.memory_space<vmem>>
    %dma_wait3A_156 = tpu.memref_squeeze %dma_wait3A_155 : memref<1x80x576xbf16, #tpu.memory_space<vmem>> -> memref<80x576xbf16, #tpu.memory_space<vmem>>
    %dma_wait3A_157 = arith.constant 0 : i32
    %dma_wait3A_158 = tpu.memref_slice %arg8[%dma_wait3A_151, %dma_wait3A_157] : memref<2x80xi32, #tpu.memory_space<vmem>> -> memref<1x80xi32, #tpu.memory_space<vmem>>
    %dma_wait3A_159 = tpu.memref_squeeze %dma_wait3A_158 : memref<1x80xi32, #tpu.memory_space<vmem>> -> memref<80xi32, #tpu.memory_space<vmem>>
    %dma_wait3A_160 = arith.constant 0 : i32
    %dma_wait3A_161 = arith.constant 0 : i32
    %dma_wait3A_162 = tpu.memref_slice %arg2[%dma_wait3A_160, %dma_wait3A_161] : memref<10000x576xbf16, #tpu.memory_space<hbm>> -> memref<10000x576xbf16, #tpu.memory_space<hbm>>
    tpu.wait_indirect_dma semaphore(%arg16 : memref<!tpu.dma_semaphore, #tpu.memory_space<semaphore_mem>>) src(%dma_wait3A_162 : memref<10000x576xbf16, #tpu.memory_space<hbm>>) dst(%dma_wait3A_156 : memref<80x576xbf16, #tpu.memory_space<vmem>>)
    %parallel_loop3A = arith.constant 0 : i32
    %parallel_loop3A_163 = arith.constant 80 : i32
    %parallel_loop3A_164 = arith.constant 1 : i32
    scf.for %parallel_loop3A_170 = %parallel_loop3A to %parallel_loop3A_163 step %parallel_loop3A_164  : i32 {
      %parallel_loop3A_171 = arith.constant 0 : i32
      %parallel_loop3A_172 = arith.index_cast %parallel_loop3A_171 : i32 to index
      %parallel_loop3A_173 = arith.index_cast %parallel_loop3A_170 : i32 to index
      %parallel_loop3A_174 = arith.constant 0 : index
      %parallel_loop3A_175 = tpu.vector_load %arg10[%parallel_loop3A_172, %parallel_loop3A_173, %parallel_loop3A_174] {strides = array<i32>} : memref<2x80x16xf32, #tpu.memory_space<vmem>>, vector<16xf32>,
      %parallel_loop3A_176 = vector.shape_cast %min3A_9 : vector<16xi32> to vector<16x1xi32>
      %parallel_loop3A_177 = vector.shape_cast %parallel_loop3A_176 : vector<16x1xi32> to vector<16xi32>
      %parallel_loop3A_178 = tpu.dynamic_gather %parallel_loop3A_175[%parallel_loop3A_177] in [0] : vector<16xf32>, vector<16xi32> -> vector<16xf32>
      %parallel_loop3A_179 = vector.shape_cast %min3A_18 : vector<16xi32> to vector<16x1xi32>
      %parallel_loop3A_180 = vector.shape_cast %parallel_loop3A_179 : vector<16x1xi32> to vector<16xi32>
      %parallel_loop3A_181 = tpu.dynamic_gather %parallel_loop3A_175[%parallel_loop3A_180] in [0] : vector<16xf32>, vector<16xi32> -> vector<16xf32>
      %parallel_loop3A_182 = tpu.pack_subelements %parallel_loop3A_178, %parallel_loop3A_181 {pack_format = #tpu.pack_format<interleaved>, positions = array<i32: 0, 1>} : vector<16xf32>, vector<16xf32> -> vector<32xbf16>
      %parallel_loop3A_183 = vector.bitcast %parallel_loop3A_182 : vector<32xbf16> to vector<16xi32>
      %parallel_loop3A_184 = arith.constant 0 : i32
      %parallel_loop3A_185 = arith.index_cast %parallel_loop3A_184 : i32 to index
      %parallel_loop3A_186 = arith.index_cast %parallel_loop3A_170 : i32 to index
      %parallel_loop3A_187 = arith.constant 512 : index
      %parallel_loop3A_188 = tpu.vector_load %arg11[%parallel_loop3A_185, %parallel_loop3A_186, %parallel_loop3A_187] {strides = array<i32>} : memref<2x80x576xbf16, #tpu.memory_space<vmem>>, vector<32xbf16>,
      %parallel_loop3A_189 = arith.constant 0 : i32
      %parallel_loop3A_190 = arith.index_cast %parallel_loop3A_189 : i32 to index
      %parallel_loop3A_191 = arith.index_cast %parallel_loop3A_170 : i32 to index
      %parallel_loop3A_192 = arith.constant 544 : index
      %parallel_loop3A_193 = tpu.vector_load %arg11[%parallel_loop3A_190, %parallel_loop3A_191, %parallel_loop3A_192] {strides = array<i32>} : memref<2x80x576xbf16, #tpu.memory_space<vmem>>, vector<32xbf16>,
      %parallel_loop3A_194 = vector.extract_strided_slice %parallel_loop3A_183 {offsets = [0], sizes = [1], strides = [1]} : vector<16xi32> to vector<1xi32>
      %parallel_loop3A_195 = vector.extract %parallel_loop3A_194[0] : i32 from vector<1xi32>
      %parallel_loop3A_196 = vector.broadcast %parallel_loop3A_195 : i32 to vector<16xi32>
      %parallel_loop3A_197 = vector.bitcast %parallel_loop3A_196 : vector<16xi32> to vector<32xbf16>
      %parallel_loop3A_198 = arith.constant 0 : i32
      %parallel_loop3A_199 = arith.index_cast %parallel_loop3A_198 : i32 to index
      %parallel_loop3A_200 = arith.index_cast %parallel_loop3A_170 : i32 to index
      %parallel_loop3A_201 = arith.constant 0 : index
      %parallel_loop3A_202 = tpu.vector_load %arg11[%parallel_loop3A_199, %parallel_loop3A_200, %parallel_loop3A_201] {strides = array<i32>} : memref<2x80x576xbf16, #tpu.memory_space<vmem>>, vector<32xbf16>,
      %parallel_loop3A_203 = arith.mulf %parallel_loop3A_197, %parallel_loop3A_202 : vector<32xbf16>
      %parallel_loop3A_204 = arith.addf %parallel_loop3A_188, %parallel_loop3A_203 : vector<32xbf16>
      %parallel_loop3A_205 = arith.constant 0 : i32
      %parallel_loop3A_206 = arith.index_cast %parallel_loop3A_205 : i32 to index
      %parallel_loop3A_207 = arith.index_cast %parallel_loop3A_170 : i32 to index
      %parallel_loop3A_208 = arith.constant 32 : index
      %parallel_loop3A_209 = tpu.vector_load %arg11[%parallel_loop3A_206, %parallel_loop3A_207, %parallel_loop3A_208] {strides = array<i32>} : memref<2x80x576xbf16, #tpu.memory_space<vmem>>, vector<32xbf16>,
      %parallel_loop3A_210 = arith.mulf %parallel_loop3A_197, %parallel_loop3A_209 : vector<32xbf16>
      %parallel_loop3A_211 = arith.addf %parallel_loop3A_193, %parallel_loop3A_210 : vector<32xbf16>
      %parallel_loop3A_212 = vector.extract_strided_slice %parallel_loop3A_183 {offsets = [1], sizes = [1], strides = [1]} : vector<16xi32> to vector<1xi32>
      %parallel_loop3A_213 = vector.extract %parallel_loop3A_212[0] : i32 from vector<1xi32>
      %parallel_loop3A_214 = vector.broadcast %parallel_loop3A_213 : i32 to vector<16xi32>
      %parallel_loop3A_215 = vector.bitcast %parallel_loop3A_214 : vector<16xi32> to vector<32xbf16>
      %parallel_loop3A_216 = arith.constant 0 : i32
      %parallel_loop3A_217 = arith.index_cast %parallel_loop3A_216 : i32 to index
      %parallel_loop3A_218 = arith.index_cast %parallel_loop3A_170 : i32 to index
      %parallel_loop3A_219 = arith.constant 64 : index
      %parallel_loop3A_220 = tpu.vector_load %arg11[%parallel_loop3A_217, %parallel_loop3A_218, %parallel_loop3A_219] {strides = array<i32>} : memref<2x80x576xbf16, #tpu.memory_space<vmem>>, vector<32xbf16>,
      %parallel_loop3A_221 = arith.mulf %parallel_loop3A_215, %parallel_loop3A_220 : vector<32xbf16>
      %parallel_loop3A_222 = arith.addf %parallel_loop3A_204, %parallel_loop3A_221 : vector<32xbf16>
      %parallel_loop3A_223 = arith.constant 0 : i32
      %parallel_loop3A_224 = arith.index_cast %parallel_loop3A_223 : i32 to index
      %parallel_loop3A_225 = arith.index_cast %parallel_loop3A_170 : i32 to index
      %parallel_loop3A_226 = arith.constant 96 : index
      %parallel_loop3A_227 = tpu.vector_load %arg11[%parallel_loop3A_224, %parallel_loop3A_225, %parallel_loop3A_226] {strides = array<i32>} : memref<2x80x576xbf16, #tpu.memory_space<vmem>>, vector<32xbf16>,
      %parallel_loop3A_228 = arith.mulf %parallel_loop3A_215, %parallel_loop3A_227 : vector<32xbf16>
      %parallel_loop3A_229 = arith.addf %parallel_loop3A_211, %parallel_loop3A_228 : vector<32xbf16>
      %parallel_loop3A_230 = vector.extract_strided_slice %parallel_loop3A_183 {offsets = [2], sizes = [1], strides = [1]} : vector<16xi32> to vector<1xi32>
      %parallel_loop3A_231 = vector.extract %parallel_loop3A_230[0] : i32 from vector<1xi32>
      %parallel_loop3A_232 = vector.broadcast %parallel_loop3A_231 : i32 to vector<16xi32>
      %parallel_loop3A_233 = vector.bitcast %parallel_loop3A_232 : vector<16xi32> to vector<32xbf16>
      %parallel_loop3A_234 = arith.constant 0 : i32
      %parallel_loop3A_235 = arith.index_cast %parallel_loop3A_234 : i32 to index
      %parallel_loop3A_236 = arith.index_cast %parallel_loop3A_170 : i32 to index
      %parallel_loop3A_237 = arith.constant 128 : index
      %parallel_loop3A_238 = tpu.vector_load %arg11[%parallel_loop3A_235, %parallel_loop3A_236, %parallel_loop3A_237] {strides = array<i32>} : memref<2x80x576xbf16, #tpu.memory_space<vmem>>, vector<32xbf16>,
      %parallel_loop3A_239 = arith.mulf %parallel_loop3A_233, %parallel_loop3A_238 : vector<32xbf16>
      %parallel_loop3A_240 = arith.addf %parallel_loop3A_222, %parallel_loop3A_239 : vector<32xbf16>
      %parallel_loop3A_241 = arith.constant 0 : i32
      %parallel_loop3A_242 = arith.index_cast %parallel_loop3A_241 : i32 to index
      %parallel_loop3A_243 = arith.index_cast %parallel_loop3A_170 : i32 to index
      %parallel_loop3A_244 = arith.constant 160 : index
      %parallel_loop3A_245 = tpu.vector_load %arg11[%parallel_loop3A_242, %parallel_loop3A_243, %parallel_loop3A_244] {strides = array<i32>} : memref<2x80x576xbf16, #tpu.memory_space<vmem>>, vector<32xbf16>,
      %parallel_loop3A_246 = arith.mulf %parallel_loop3A_233, %parallel_loop3A_245 : vector<32xbf16>
      %parallel_loop3A_247 = arith.addf %parallel_loop3A_229, %parallel_loop3A_246 : vector<32xbf16>
      %parallel_loop3A_248 = vector.extract_strided_slice %parallel_loop3A_183 {offsets = [3], sizes = [1], strides = [1]} : vector<16xi32> to vector<1xi32>
      %parallel_loop3A_249 = vector.extract %parallel_loop3A_248[0] : i32 from vector<1xi32>
      %parallel_loop3A_250 = vector.broadcast %parallel_loop3A_249 : i32 to vector<16xi32>
      %parallel_loop3A_251 = vector.bitcast %parallel_loop3A_250 : vector<16xi32> to vector<32xbf16>
      %parallel_loop3A_252 = arith.constant 0 : i32
      %parallel_loop3A_253 = arith.index_cast %parallel_loop3A_252 : i32 to index
      %parallel_loop3A_254 = arith.index_cast %parallel_loop3A_170 : i32 to index
      %parallel_loop3A_255 = arith.constant 192 : index
      %parallel_loop3A_256 = tpu.vector_load %arg11[%parallel_loop3A_253, %parallel_loop3A_254, %parallel_loop3A_255] {strides = array<i32>} : memref<2x80x576xbf16, #tpu.memory_space<vmem>>, vector<32xbf16>,
      %parallel_loop3A_257 = arith.mulf %parallel_loop3A_251, %parallel_loop3A_256 : vector<32xbf16>
      %parallel_loop3A_258 = arith.addf %parallel_loop3A_240, %parallel_loop3A_257 : vector<32xbf16>
      %parallel_loop3A_259 = arith.constant 0 : i32
      %parallel_loop3A_260 = arith.index_cast %parallel_loop3A_259 : i32 to index
      %parallel_loop3A_261 = arith.index_cast %parallel_loop3A_170 : i32 to index
      %parallel_loop3A_262 = arith.constant 224 : index
      %parallel_loop3A_263 = tpu.vector_load %arg11[%parallel_loop3A_260, %parallel_loop3A_261, %parallel_loop3A_262] {strides = array<i32>} : memref<2x80x576xbf16, #tpu.memory_space<vmem>>, vector<32xbf16>,
      %parallel_loop3A_264 = arith.mulf %parallel_loop3A_251, %parallel_loop3A_263 : vector<32xbf16>
      %parallel_loop3A_265 = arith.addf %parallel_loop3A_247, %parallel_loop3A_264 : vector<32xbf16>
      %parallel_loop3A_266 = vector.extract_strided_slice %parallel_loop3A_183 {offsets = [4], sizes = [1], strides = [1]} : vector<16xi32> to vector<1xi32>
      %parallel_loop3A_267 = vector.extract %parallel_loop3A_266[0] : i32 from vector<1xi32>
      %parallel_loop3A_268 = vector.broadcast %parallel_loop3A_267 : i32 to vector<16xi32>
      %parallel_loop3A_269 = vector.bitcast %parallel_loop3A_268 : vector<16xi32> to vector<32xbf16>
      %parallel_loop3A_270 = arith.constant 0 : i32
      %parallel_loop3A_271 = arith.index_cast %parallel_loop3A_270 : i32 to index
      %parallel_loop3A_272 = arith.index_cast %parallel_loop3A_170 : i32 to index
      %parallel_loop3A_273 = arith.constant 256 : index
      %parallel_loop3A_274 = tpu.vector_load %arg11[%parallel_loop3A_271, %parallel_loop3A_272, %parallel_loop3A_273] {strides = array<i32>} : memref<2x80x576xbf16, #tpu.memory_space<vmem>>, vector<32xbf16>,
      %parallel_loop3A_275 = arith.mulf %parallel_loop3A_269, %parallel_loop3A_274 : vector<32xbf16>
      %parallel_loop3A_276 = arith.addf %parallel_loop3A_258, %parallel_loop3A_275 : vector<32xbf16>
      %parallel_loop3A_277 = arith.constant 0 : i32
      %parallel_loop3A_278 = arith.index_cast %parallel_loop3A_277 : i32 to index
      %parallel_loop3A_279 = arith.index_cast %parallel_loop3A_170 : i32 to index
      %parallel_loop3A_280 = arith.constant 288 : index
      %parallel_loop3A_281 = tpu.vector_load %arg11[%parallel_loop3A_278, %parallel_loop3A_279, %parallel_loop3A_280] {strides = array<i32>} : memref<2x80x576xbf16, #tpu.memory_space<vmem>>, vector<32xbf16>,
      %parallel_loop3A_282 = arith.mulf %parallel_loop3A_269, %parallel_loop3A_281 : vector<32xbf16>
      %parallel_loop3A_283 = arith.addf %parallel_loop3A_265, %parallel_loop3A_282 : vector<32xbf16>
      %parallel_loop3A_284 = vector.extract_strided_slice %parallel_loop3A_183 {offsets = [5], sizes = [1], strides = [1]} : vector<16xi32> to vector<1xi32>
      %parallel_loop3A_285 = vector.extract %parallel_loop3A_284[0] : i32 from vector<1xi32>
      %parallel_loop3A_286 = vector.broadcast %parallel_loop3A_285 : i32 to vector<16xi32>
      %parallel_loop3A_287 = vector.bitcast %parallel_loop3A_286 : vector<16xi32> to vector<32xbf16>
      %parallel_loop3A_288 = arith.constant 0 : i32
      %parallel_loop3A_289 = arith.index_cast %parallel_loop3A_288 : i32 to index
      %parallel_loop3A_290 = arith.index_cast %parallel_loop3A_170 : i32 to index
      %parallel_loop3A_291 = arith.constant 320 : index
      %parallel_loop3A_292 = tpu.vector_load %arg11[%parallel_loop3A_289, %parallel_loop3A_290, %parallel_loop3A_291] {strides = array<i32>} : memref<2x80x576xbf16, #tpu.memory_space<vmem>>, vector<32xbf16>,
      %parallel_loop3A_293 = arith.mulf %parallel_loop3A_287, %parallel_loop3A_292 : vector<32xbf16>
      %parallel_loop3A_294 = arith.addf %parallel_loop3A_276, %parallel_loop3A_293 : vector<32xbf16>
      %parallel_loop3A_295 = arith.constant 0 : i32
      %parallel_loop3A_296 = arith.index_cast %parallel_loop3A_295 : i32 to index
      %parallel_loop3A_297 = arith.index_cast %parallel_loop3A_170 : i32 to index
      %parallel_loop3A_298 = arith.constant 352 : index
      %parallel_loop3A_299 = tpu.vector_load %arg11[%parallel_loop3A_296, %parallel_loop3A_297, %parallel_loop3A_298] {strides = array<i32>} : memref<2x80x576xbf16, #tpu.memory_space<vmem>>, vector<32xbf16>,
      %parallel_loop3A_300 = arith.mulf %parallel_loop3A_287, %parallel_loop3A_299 : vector<32xbf16>
      %parallel_loop3A_301 = arith.addf %parallel_loop3A_283, %parallel_loop3A_300 : vector<32xbf16>
      %parallel_loop3A_302 = vector.extract_strided_slice %parallel_loop3A_183 {offsets = [6], sizes = [1], strides = [1]} : vector<16xi32> to vector<1xi32>
      %parallel_loop3A_303 = vector.extract %parallel_loop3A_302[0] : i32 from vector<1xi32>
      %parallel_loop3A_304 = vector.broadcast %parallel_loop3A_303 : i32 to vector<16xi32>
      %parallel_loop3A_305 = vector.bitcast %parallel_loop3A_304 : vector<16xi32> to vector<32xbf16>
      %parallel_loop3A_306 = arith.constant 0 : i32
      %parallel_loop3A_307 = arith.index_cast %parallel_loop3A_306 : i32 to index
      %parallel_loop3A_308 = arith.index_cast %parallel_loop3A_170 : i32 to index
      %parallel_loop3A_309 = arith.constant 384 : index
      %parallel_loop3A_310 = tpu.vector_load %arg11[%parallel_loop3A_307, %parallel_loop3A_308, %parallel_loop3A_309] {strides = array<i32>} : memref<2x80x576xbf16, #tpu.memory_space<vmem>>, vector<32xbf16>,
      %parallel_loop3A_311 = arith.mulf %parallel_loop3A_305, %parallel_loop3A_310 : vector<32xbf16>
      %parallel_loop3A_312 = arith.addf %parallel_loop3A_294, %parallel_loop3A_311 : vector<32xbf16>
      %parallel_loop3A_313 = arith.constant 0 : i32
      %parallel_loop3A_314 = arith.index_cast %parallel_loop3A_313 : i32 to index
      %parallel_loop3A_315 = arith.index_cast %parallel_loop3A_170 : i32 to index
      %parallel_loop3A_316 = arith.constant 416 : index
      %parallel_loop3A_317 = tpu.vector_load %arg11[%parallel_loop3A_314, %parallel_loop3A_315, %parallel_loop3A_316] {strides = array<i32>} : memref<2x80x576xbf16, #tpu.memory_space<vmem>>, vector<32xbf16>,
      %parallel_loop3A_318 = arith.mulf %parallel_loop3A_305, %parallel_loop3A_317 : vector<32xbf16>
      %parallel_loop3A_319 = arith.addf %parallel_loop3A_301, %parallel_loop3A_318 : vector<32xbf16>
      %parallel_loop3A_320 = vector.extract_strided_slice %parallel_loop3A_183 {offsets = [7], sizes = [1], strides = [1]} : vector<16xi32> to vector<1xi32>
      %parallel_loop3A_321 = vector.extract %parallel_loop3A_320[0] : i32 from vector<1xi32>
      %parallel_loop3A_322 = vector.broadcast %parallel_loop3A_321 : i32 to vector<16xi32>
      %parallel_loop3A_323 = vector.bitcast %parallel_loop3A_322 : vector<16xi32> to vector<32xbf16>
      %parallel_loop3A_324 = arith.constant 0 : i32
      %parallel_loop3A_325 = arith.index_cast %parallel_loop3A_324 : i32 to index
      %parallel_loop3A_326 = arith.index_cast %parallel_loop3A_170 : i32 to index
      %parallel_loop3A_327 = arith.constant 448 : index
      %parallel_loop3A_328 = tpu.vector_load %arg11[%parallel_loop3A_325, %parallel_loop3A_326, %parallel_loop3A_327] {strides = array<i32>} : memref<2x80x576xbf16, #tpu.memory_space<vmem>>, vector<32xbf16>,
      %parallel_loop3A_329 = arith.mulf %parallel_loop3A_323, %parallel_loop3A_328 : vector<32xbf16>
      %parallel_loop3A_330 = arith.addf %parallel_loop3A_312, %parallel_loop3A_329 : vector<32xbf16>
      %parallel_loop3A_331 = arith.constant 0 : i32
      %parallel_loop3A_332 = arith.index_cast %parallel_loop3A_331 : i32 to index
      %parallel_loop3A_333 = arith.index_cast %parallel_loop3A_170 : i32 to index
      %parallel_loop3A_334 = arith.constant 480 : index
      %parallel_loop3A_335 = tpu.vector_load %arg11[%parallel_loop3A_332, %parallel_loop3A_333, %parallel_loop3A_334] {strides = array<i32>} : memref<2x80x576xbf16, #tpu.memory_space<vmem>>, vector<32xbf16>,
      %parallel_loop3A_336 = arith.mulf %parallel_loop3A_323, %parallel_loop3A_335 : vector<32xbf16>
      %parallel_loop3A_337 = arith.addf %parallel_loop3A_319, %parallel_loop3A_336 : vector<32xbf16>
      %parallel_loop3A_338 = tpu.unpack_subelements %parallel_loop3A_330, 0 {pack_format = #tpu.pack_format<interleaved>} : vector<32xbf16> -> vector<16xf32>
      %parallel_loop3A_339 = tpu.unpack_subelements %parallel_loop3A_330, 1 {pack_format = #tpu.pack_format<interleaved>} : vector<32xbf16> -> vector<16xf32>
      %parallel_loop3A_340 = tpu.unpack_subelements %parallel_loop3A_337, 0 {pack_format = #tpu.pack_format<interleaved>} : vector<32xbf16> -> vector<16xf32>
      %parallel_loop3A_341 = tpu.unpack_subelements %parallel_loop3A_337, 1 {pack_format = #tpu.pack_format<interleaved>} : vector<32xbf16> -> vector<16xf32>
      %parallel_loop3A_342 = arith.addf %parallel_loop3A_338, %parallel_loop3A_339 : vector<16xf32>
      %parallel_loop3A_343 = arith.index_cast %parallel_loop3A_170 : i32 to index
      %parallel_loop3A_344 = arith.constant 0 : index
      %parallel_loop3A_345 = tpu.vector_load %arg12[%parallel_loop3A_343, %parallel_loop3A_344] {strides = array<i32>} : memref<80x32xf32, #tpu.memory_space<vmem>>, vector<16xf32>,
      tpu.vector_store %arg12[%parallel_loop3A_343, %parallel_loop3A_344], %parallel_loop3A_342 {strides = array<i32>} : memref<80x32xf32, #tpu.memory_space<vmem>>, vector<16xf32>,
      %parallel_loop3A_346 = arith.addf %parallel_loop3A_340, %parallel_loop3A_341 : vector<16xf32>
      %parallel_loop3A_347 = arith.index_cast %parallel_loop3A_170 : i32 to index
      %parallel_loop3A_348 = arith.constant 16 : index
      %parallel_loop3A_349 = tpu.vector_load %arg12[%parallel_loop3A_347, %parallel_loop3A_348] {strides = array<i32>} : memref<80x32xf32, #tpu.memory_space<vmem>>, vector<16xf32>,
      tpu.vector_store %arg12[%parallel_loop3A_347, %parallel_loop3A_348], %parallel_loop3A_346 {strides = array<i32>} : memref<80x32xf32, #tpu.memory_space<vmem>>, vector<16xf32>,
    } {sc.loop_unroll_factor = 4 : i64, sc.parallel_access}
    %run_scoped3A = arith.constant 0 : i32
    "tpu.region"() ({
      %run_scoped3A_170 = tpu.sem_alloc : memref<!tpu.dma_semaphore, #tpu.memory_space<semaphore_mem>>
      %dma_start3A_171 = arith.constant 0 : i32
      %dma_start3A_172 = tpu.memref_slice %arg9[%run_scoped3A, %dma_start3A_171] : memref<2x80xi32, #tpu.memory_space<vmem>> -> memref<1x80xi32, #tpu.memory_space<vmem>>
      %dma_start3A_173 = tpu.memref_squeeze %dma_start3A_172 : memref<1x80xi32, #tpu.memory_space<vmem>> -> memref<80xi32, #tpu.memory_space<vmem>>
      %dma_start3A_174 = arith.constant 0 : i32
      %dma_start3A_175 = arith.constant 0 : i32
      %dma_start3A_176 = tpu.memref_slice %arg13[%dma_start3A_174, %dma_start3A_175] : memref<10240x32xf32, #tpu.memory_space<vmem_shared>> -> memref<10240x32xf32, #tpu.memory_space<vmem_shared>>
      tpu.enqueue_indirect_dma source(%arg12 : memref<80x32xf32, #tpu.memory_space<vmem>>) target(%dma_start3A_176 : memref<10240x32xf32, #tpu.memory_space<vmem_shared>>) offsets(%dma_start3A_173 : memref<80xi32, #tpu.memory_space<vmem>>) semaphore(%run_scoped3A_170 : memref<!tpu.dma_semaphore, #tpu.memory_space<semaphore_mem>>) {add = true}
      %dma_wait3A_177 = arith.constant 0 : i32
      %dma_wait3A_178 = tpu.memref_slice %arg9[%run_scoped3A, %dma_wait3A_177] : memref<2x80xi32, #tpu.memory_space<vmem>> -> memref<1x80xi32, #tpu.memory_space<vmem>>
      %dma_wait3A_179 = tpu.memref_squeeze %dma_wait3A_178 : memref<1x80xi32, #tpu.memory_space<vmem>> -> memref<80xi32, #tpu.memory_space<vmem>>
      %dma_wait3A_180 = arith.constant 0 : i32
      %dma_wait3A_181 = arith.constant 0 : i32
      %dma_wait3A_182 = tpu.memref_slice %arg13[%dma_wait3A_180, %dma_wait3A_181] : memref<10240x32xf32, #tpu.memory_space<vmem_shared>> -> memref<10240x32xf32, #tpu.memory_space<vmem_shared>>
      tpu.wait_indirect_dma semaphore(%run_scoped3A_170 : memref<!tpu.dma_semaphore, #tpu.memory_space<semaphore_mem>>) src(%arg12 : memref<80x32xf32, #tpu.memory_space<vmem>>) dst(%dma_wait3A_182 : memref<10240x32xf32, #tpu.memory_space<vmem_shared>>)
      tpu.yield
    }) : () -> ()
    %barrier3A_165 = arith.constant 0 : index
    tpu.barrier barrier_id(%barrier3A_165)
    %mul3A_166 = arith.constant 640 : i32
    %mul3A_167 = arith.muli %arg1, %mul3A_166 : i32
    %mul3A_168 = arith.constant 640 : i32
    %mul3A_169 = arith.muli %arg1, %mul3A_168 : i32
    "tpu.region"() ({
      %run_scoped3A_170 = tpu.sem_alloc : memref<!tpu.dma_semaphore, #tpu.memory_space<semaphore_mem>>
      %dma_start3A_171 = arith.constant 0 : i32
      %dma_start3A_172 = tpu.memref_slice %arg7[%arg0, %mul3A_169, %dma_start3A_171] : memref<2x10240x32xf32, #tpu.memory_space<hbm>> -> memref<1x640x32xf32, #tpu.memory_space<hbm>>
      %dma_start3A_173 = tpu.memref_squeeze %dma_start3A_172 : memref<1x640x32xf32, #tpu.memory_space<hbm>> -> memref<640x32xf32, #tpu.memory_space<hbm>>
      %dma_start3A_174 = arith.constant 0 : i32
      %dma_start3A_175 = tpu.memref_slice %arg13[%mul3A_167, %dma_start3A_174] : memref<10240x32xf32, #tpu.memory_space<vmem_shared>> -> memref<640x32xf32, #tpu.memory_space<vmem_shared>>
      tpu.enqueue_dma source(%dma_start3A_175 : memref<640x32xf32, #tpu.memory_space<vmem_shared>>) target(%dma_start3A_173 : memref<640x32xf32, #tpu.memory_space<hbm>>) target_semaphore(%run_scoped3A_170 : memref<!tpu.dma_semaphore, #tpu.memory_space<semaphore_mem>>)
      %dma_wait3A_176 = arith.constant 0 : i32
      %dma_wait3A_177 = tpu.memref_slice %arg7[%arg0, %mul3A_169, %dma_wait3A_176] : memref<2x10240x32xf32, #tpu.memory_space<hbm>> -> memref<1x640x32xf32, #tpu.memory_space<hbm>>
      %dma_wait3A_178 = tpu.memref_squeeze %dma_wait3A_177 : memref<1x640x32xf32, #tpu.memory_space<hbm>> -> memref<640x32xf32, #tpu.memory_space<hbm>>
      %dma_wait3A_179 = arith.constant 0 : i32
      %dma_wait3A_180 = tpu.memref_slice %arg13[%mul3A_167, %dma_wait3A_179] : memref<10240x32xf32, #tpu.memory_space<vmem_shared>> -> memref<640x32xf32, #tpu.memory_space<vmem_shared>>
      tpu.wait_dma2 semaphore(%run_scoped3A_170 : memref<!tpu.dma_semaphore, #tpu.memory_space<semaphore_mem>>) src(%dma_wait3A_180 : memref<640x32xf32, #tpu.memory_space<vmem_shared>>) dst(%dma_wait3A_178 : memref<640x32xf32, #tpu.memory_space<hbm>>)
      tpu.yield
    }) : () -> ()
    return
  }
}

module attributes {stable_mosaic.version = 14 : i64} {
  func.func @_table_body(%arg0: i32, %arg1: memref<2000x128xf32, #tpu.memory_space<vmem>>, %arg2: memref<128x576xf32, #tpu.memory_space<vmem>>, %arg3: memref<2000x576xbf16, #tpu.memory_space<vmem>>) attributes {dimension_semantics = [#tpu.dimension_semantics<arbitrary>], iteration_bounds = array<i64: 5>, scalar_prefetch = 0 : i64, scratch_operands = 0 : i64, tpu.core_type = #tpu.core_type<tc>, window_params = [{transform_indices = @transform_0, window_bounds = array<i64: 2000, 128>}, {pipeline_mode = #tpu.pipeline_mode<synchronous>, transform_indices = @transform_1, window_bounds = array<i64: 128, 576>}, {transform_indices = @transform_2, window_bounds = array<i64: 2000, 576>}]} {
    %get3A = arith.constant 0 : index
    %get3A_0 = arith.constant 0 : index
    %get3A_1 = vector.load %arg1[%get3A, %get3A_0] : memref<2000x128xf32, #tpu.memory_space<vmem>>, vector<2000x128xf32>
    %get3A_2 = arith.constant 0 : index
    %get3A_3 = arith.constant 0 : index
    %get3A_4 = vector.load %arg2[%get3A_2, %get3A_3] : memref<128x576xf32, #tpu.memory_space<vmem>>, vector<128x576xf32>
    %dot_general3A = arith.constant dense<0.000000e+00> : vector<2000x576xf32>
    %dot_general3A_5 = tpu.matmul %get3A_1, %get3A_4, %dot_general3A {dimension_numbers = #tpu.dot_dimension_numbers<[1], [0], [0], [1], [0, 0, 1, 1], [], []>, transpose_lhs_hint = false} : vector<2000x128xf32>, vector<128x576xf32>, vector<2000x576xf32> -> vector<2000x576xf32>
    %convert_element_type3A = arith.truncf %dot_general3A_5 : vector<2000x576xf32> to vector<2000x576xbf16>
    %swap3A = arith.constant 0 : index
    %swap3A_6 = arith.constant 0 : index
    %swap3A_7 = vector.load %arg3[%swap3A, %swap3A_6] : memref<2000x576xbf16, #tpu.memory_space<vmem>>, vector<2000x576xbf16>
    tpu.vector_store %arg3[%swap3A, %swap3A_6], %convert_element_type3A {strides = array<i32>} : memref<2000x576xbf16, #tpu.memory_space<vmem>>, vector<2000x576xbf16>,
    return
  }
  func.func @transform_0(%arg0: i32) -> (i32, i32) {
    %c0_i32 = arith.constant 0 : i32
    %c0_i32_0 = arith.constant 0 : i32
    return %arg0, %c0_i32 : i32, i32
  }
  func.func @transform_1(%arg0: i32) -> (i32, i32) {
    %c0_i32 = arith.constant 0 : i32
    %c0_i32_0 = arith.constant 0 : i32
    %c0_i32_1 = arith.constant 0 : i32
    return %c0_i32, %c0_i32_0 : i32, i32
  }
  func.func @transform_2(%arg0: i32) -> (i32, i32) {
    %c0_i32 = arith.constant 0 : i32
    %c0_i32_0 = arith.constant 0 : i32
    return %arg0, %c0_i32 : i32, i32
  }
}

module attributes {stable_mosaic.version = 14 : i64} {
  func.func @_tail_body(%arg0: i32, %arg1: memref<2x2000x32xf32, #tpu.memory_space<vmem>>, %arg2: memref<2000x128xf32, #tpu.memory_space<vmem>>, %arg3: memref<128x32xf32, #tpu.memory_space<vmem>>, %arg4: memref<1x32xf32, #tpu.memory_space<vmem>>, %arg5: memref<1x32xf32, #tpu.memory_space<vmem>>, %arg6: memref<1x32xf32, #tpu.memory_space<vmem>>, %arg7: memref<1x32xf32, #tpu.memory_space<vmem>>, %arg8: memref<1x32xf32, #tpu.memory_space<vmem>>, %arg9: memref<32x128xf32, #tpu.memory_space<vmem>>, %arg10: memref<1x128xf32, #tpu.memory_space<vmem>>, %arg11: memref<8x128xf32, #tpu.memory_space<vmem>>, %arg12: memref<1x32xf32, #tpu.memory_space<vmem>>) attributes {dimension_semantics = [#tpu.dimension_semantics<arbitrary>], iteration_bounds = array<i64: 5>, scalar_prefetch = 0 : i64, scratch_operands = 1 : i64, tpu.core_type = #tpu.core_type<tc>, window_params = [{transform_indices = @transform_0, window_bounds = array<i64: 2, 2000, 32>}, {transform_indices = @transform_1, window_bounds = array<i64: 2000, 128>}, {pipeline_mode = #tpu.pipeline_mode<synchronous>, transform_indices = @transform_2, window_bounds = array<i64: 128, 32>}, {pipeline_mode = #tpu.pipeline_mode<synchronous>, transform_indices = @transform_3, window_bounds = array<i64: 1, 32>}, {pipeline_mode = #tpu.pipeline_mode<synchronous>, transform_indices = @transform_4, window_bounds = array<i64: 1, 32>}, {pipeline_mode = #tpu.pipeline_mode<synchronous>, transform_indices = @transform_5, window_bounds = array<i64: 1, 32>}, {pipeline_mode = #tpu.pipeline_mode<synchronous>, transform_indices = @transform_6, window_bounds = array<i64: 1, 32>}, {pipeline_mode = #tpu.pipeline_mode<synchronous>, transform_indices = @transform_7, window_bounds = array<i64: 1, 32>}, {pipeline_mode = #tpu.pipeline_mode<synchronous>, transform_indices = @transform_8, window_bounds = array<i64: 32, 128>}, {pipeline_mode = #tpu.pipeline_mode<synchronous>, transform_indices = @transform_9, window_bounds = array<i64: 1, 128>}, {pipeline_mode = #tpu.pipeline_mode<synchronous>, transform_indices = @transform_10, window_bounds = array<i64: 8, 128>}]} {
    %eq3A = arith.constant 0 : i32
    %eq3A_0 = arith.cmpi eq, %arg0, %eq3A : i32
    %convert_element_type3A = arith.extui %eq3A_0 : i1 to i32
    %cond3A = arith.constant 0 : i32
    %cond3A_1 = arith.cmpi ne, %convert_element_type3A, %cond3A : i32
    scf.if %cond3A_1 {
      %broadcast_in_dim3A_38 = arith.constant 0.000000e+00 : f32
      %broadcast_in_dim3A_39 = vector.broadcast %broadcast_in_dim3A_38 : f32 to vector<1x32xf32>
      %swap3A_40 = arith.constant 0 : index
      %swap3A_41 = arith.constant 0 : index
      %swap3A_42 = vector.load %arg12[%swap3A_40, %swap3A_41] : memref<1x32xf32, #tpu.memory_space<vmem>>, vector<1x32xf32>
      tpu.vector_store %arg12[%swap3A_40, %swap3A_41], %broadcast_in_dim3A_39 {strides = array<i32>} : memref<1x32xf32, #tpu.memory_space<vmem>>, vector<1x32xf32>,
    } else {
    }
    %get3A = arith.constant 0 : index
    %get3A_2 = arith.constant 0 : index
    %get3A_3 = arith.constant 0 : index
    %get3A_4 = vector.load %arg1[%get3A, %get3A_2, %get3A_3] : memref<2x2000x32xf32, #tpu.memory_space<vmem>>, vector<1x2000x32xf32>
    %get3A_5 = vector.shape_cast %get3A_4 : vector<1x2000x32xf32> to vector<2000x32xf32>
    %get3A_6 = arith.constant 1 : index
    %get3A_7 = arith.constant 0 : index
    %get3A_8 = arith.constant 0 : index
    %get3A_9 = vector.load %arg1[%get3A_6, %get3A_7, %get3A_8] : memref<2x2000x32xf32, #tpu.memory_space<vmem>>, vector<1x2000x32xf32>
    %get3A_10 = vector.shape_cast %get3A_9 : vector<1x2000x32xf32> to vector<2000x32xf32>
    %add3A = arith.addf %get3A_5, %get3A_10 : vector<2000x32xf32>
    %get3A_11 = arith.constant 0 : index
    %get3A_12 = arith.constant 0 : index
    %get3A_13 = vector.load %arg2[%get3A_11, %get3A_12] : memref<2000x128xf32, #tpu.memory_space<vmem>>, vector<2000x128xf32>
    %get3A_14 = arith.constant 0 : index
    %get3A_15 = arith.constant 0 : index
    %get3A_16 = vector.load %arg3[%get3A_14, %get3A_15] : memref<128x32xf32, #tpu.memory_space<vmem>>, vector<128x32xf32>
    %dot_general3A = arith.constant dense<0.000000e+00> : vector<2000x32xf32>
    %dot_general3A_17 = tpu.matmul %get3A_13, %get3A_16, %dot_general3A {dimension_numbers = #tpu.dot_dimension_numbers<[1], [0], [0], [1], [0, 0, 1, 1], [], []>, transpose_lhs_hint = false} : vector<2000x128xf32>, vector<128x32xf32>, vector<2000x32xf32> -> vector<2000x32xf32>
    %add3A_18 = arith.addf %add3A, %dot_general3A_17 : vector<2000x32xf32>
    %get3A_19 = arith.constant 0 : index
    %get3A_20 = arith.constant 0 : index
    %get3A_21 = vector.load %arg4[%get3A_19, %get3A_20] : memref<1x32xf32, #tpu.memory_space<vmem>>, vector<1x32xf32>
    %add3A_22 = vector.broadcast %get3A_21 : vector<1x32xf32> to vector<2000x32xf32>
    %add3A_23 = arith.addf %add3A_18, %add3A_22 : vector<2000x32xf32>
    %max3A = arith.constant 0.000000e+00 : f32
    %max3A_24 = vector.broadcast %max3A : f32 to vector<2000x32xf32>
    %max3A_25 = arith.maximumf %add3A_23, %max3A_24 : vector<2000x32xf32>
    %get3A_26 = arith.constant 0 : index
    %get3A_27 = arith.constant 0 : index
    %get3A_28 = vector.load %arg12[%get3A_26, %get3A_27] : memref<1x32xf32, #tpu.memory_space<vmem>>, vector<1x32xf32>
    %reduce_sum3A = arith.constant dense<0.000000e+00> : vector<32xf32>
    %reduce_sum3A_29 = vector.multi_reduction <add>, %max3A_25, %reduce_sum3A [0] : vector<2000x32xf32> to vector<32xf32>
    %broadcast_in_dim3A = vector.shape_cast %reduce_sum3A_29 : vector<32xf32> to vector<1x32xf32>
    %add3A_30 = arith.addf %get3A_28, %broadcast_in_dim3A : vector<1x32xf32>
    %swap3A = arith.constant 0 : index
    %swap3A_31 = arith.constant 0 : index
    %swap3A_32 = vector.load %arg12[%swap3A, %swap3A_31] : memref<1x32xf32, #tpu.memory_space<vmem>>, vector<1x32xf32>
    tpu.vector_store %arg12[%swap3A, %swap3A_31], %add3A_30 {strides = array<i32>} : memref<1x32xf32, #tpu.memory_space<vmem>>, vector<1x32xf32>,
    %eq3A_33 = arith.constant 4 : i32
    %eq3A_34 = arith.cmpi eq, %arg0, %eq3A_33 : i32
    %convert_element_type3A_35 = arith.extui %eq3A_34 : i1 to i32
    %cond3A_36 = arith.constant 0 : i32
    %cond3A_37 = arith.cmpi ne, %convert_element_type3A_35, %cond3A_36 : i32
    scf.if %cond3A_37 {
      %get3A_38 = arith.constant 0 : index
      %get3A_39 = arith.constant 0 : index
      %get3A_40 = vector.load %arg5[%get3A_38, %get3A_39] : memref<1x32xf32, #tpu.memory_space<vmem>>, vector<1x32xf32>
      %get3A_41 = arith.constant 0 : index
      %get3A_42 = arith.constant 0 : index
      %get3A_43 = vector.load %arg8[%get3A_41, %get3A_42] : memref<1x32xf32, #tpu.memory_space<vmem>>, vector<1x32xf32>
      %add3A_44 = arith.constant 1.000000e-03 : f32
      %add3A_45 = vector.broadcast %add3A_44 : f32 to vector<1x32xf32>
      %add3A_46 = arith.addf %get3A_43, %add3A_45 : vector<1x32xf32>
      %rsqrt3A = math.rsqrt %add3A_46 : vector<1x32xf32>
      %mul3A = arith.mulf %get3A_40, %rsqrt3A : vector<1x32xf32>
      %get3A_47 = arith.constant 0 : index
      %get3A_48 = arith.constant 0 : index
      %get3A_49 = vector.load %arg12[%get3A_47, %get3A_48] : memref<1x32xf32, #tpu.memory_space<vmem>>, vector<1x32xf32>
      %mul3A_50 = arith.mulf %mul3A, %get3A_49 : vector<1x32xf32>
      %get3A_51 = arith.constant 0 : index
      %get3A_52 = arith.constant 0 : index
      %get3A_53 = vector.load %arg6[%get3A_51, %get3A_52] : memref<1x32xf32, #tpu.memory_space<vmem>>, vector<1x32xf32>
      %get3A_54 = arith.constant 0 : index
      %get3A_55 = arith.constant 0 : index
      %get3A_56 = vector.load %arg7[%get3A_54, %get3A_55] : memref<1x32xf32, #tpu.memory_space<vmem>>, vector<1x32xf32>
      %mul3A_57 = arith.mulf %mul3A, %get3A_56 : vector<1x32xf32>
      %sub3A = arith.subf %get3A_53, %mul3A_57 : vector<1x32xf32>
      %mul3A_58 = arith.constant 1.000000e+04 : f32
      %mul3A_59 = vector.broadcast %mul3A_58 : f32 to vector<1x32xf32>
      %mul3A_60 = arith.mulf %mul3A_59, %sub3A : vector<1x32xf32>
      %add3A_61 = arith.addf %mul3A_50, %mul3A_60 : vector<1x32xf32>
      %get3A_62 = arith.constant 0 : index
      %get3A_63 = arith.constant 0 : index
      %get3A_64 = vector.load %arg9[%get3A_62, %get3A_63] : memref<32x128xf32, #tpu.memory_space<vmem>>, vector<32x128xf32>
      %dot_general3A_65 = arith.constant dense<0.000000e+00> : vector<1x128xf32>
      %dot_general3A_66 = tpu.matmul %add3A_61, %get3A_64, %dot_general3A_65 {dimension_numbers = #tpu.dot_dimension_numbers<[1], [0], [0], [1], [0, 0, 1, 1], [], []>, transpose_lhs_hint = false} : vector<1x32xf32>, vector<32x128xf32>, vector<1x128xf32> -> vector<1x128xf32>
      %get3A_67 = arith.constant 0 : index
      %get3A_68 = arith.constant 0 : index
      %get3A_69 = vector.load %arg10[%get3A_67, %get3A_68] : memref<1x128xf32, #tpu.memory_space<vmem>>, vector<1x128xf32>
      %add3A_70 = arith.addf %dot_general3A_66, %get3A_69 : vector<1x128xf32>
      %broadcast_in_dim3A_71 = vector.shape_cast %add3A_70 : vector<1x128xf32> to vector<1x128xf32>
      %broadcast_in_dim3A_72 = vector.broadcast %broadcast_in_dim3A_71 : vector<1x128xf32> to vector<8x128xf32>
      %swap3A_73 = arith.constant 0 : index
      %swap3A_74 = arith.constant 0 : index
      %swap3A_75 = vector.load %arg11[%swap3A_73, %swap3A_74] : memref<8x128xf32, #tpu.memory_space<vmem>>, vector<8x128xf32>
      tpu.vector_store %arg11[%swap3A_73, %swap3A_74], %broadcast_in_dim3A_72 {strides = array<i32>} : memref<8x128xf32, #tpu.memory_space<vmem>>, vector<8x128xf32>,
    } else {
    }
    return
  }
  func.func @transform_0(%arg0: i32) -> (i32, i32, i32) {
    %c0_i32 = arith.constant 0 : i32
    %c0_i32_0 = arith.constant 0 : i32
    %c0_i32_1 = arith.constant 0 : i32
    return %c0_i32, %arg0, %c0_i32_0 : i32, i32, i32
  }
  func.func @transform_1(%arg0: i32) -> (i32, i32) {
    %c0_i32 = arith.constant 0 : i32
    %c0_i32_0 = arith.constant 0 : i32
    return %arg0, %c0_i32 : i32, i32
  }
  func.func @transform_2(%arg0: i32) -> (i32, i32) {
    %c0_i32 = arith.constant 0 : i32
    %c0_i32_0 = arith.constant 0 : i32
    %c0_i32_1 = arith.constant 0 : i32
    return %c0_i32, %c0_i32_0 : i32, i32
  }
  func.func @transform_3(%arg0: i32) -> (i32, i32) {
    %c0_i32 = arith.constant 0 : i32
    %c0_i32_0 = arith.constant 0 : i32
    %c0_i32_1 = arith.constant 0 : i32
    return %c0_i32, %c0_i32_0 : i32, i32
  }
  func.func @transform_4(%arg0: i32) -> (i32, i32) {
    %c0_i32 = arith.constant 0 : i32
    %c0_i32_0 = arith.constant 0 : i32
    %c0_i32_1 = arith.constant 0 : i32
    return %c0_i32, %c0_i32_0 : i32, i32
  }
  func.func @transform_5(%arg0: i32) -> (i32, i32) {
    %c0_i32 = arith.constant 0 : i32
    %c0_i32_0 = arith.constant 0 : i32
    %c0_i32_1 = arith.constant 0 : i32
    return %c0_i32, %c0_i32_0 : i32, i32
  }
  func.func @transform_6(%arg0: i32) -> (i32, i32) {
    %c0_i32 = arith.constant 0 : i32
    %c0_i32_0 = arith.constant 0 : i32
    %c0_i32_1 = arith.constant 0 : i32
    return %c0_i32, %c0_i32_0 : i32, i32
  }
  func.func @transform_7(%arg0: i32) -> (i32, i32) {
    %c0_i32 = arith.constant 0 : i32
    %c0_i32_0 = arith.constant 0 : i32
    %c0_i32_1 = arith.constant 0 : i32
    return %c0_i32, %c0_i32_0 : i32, i32
  }
  func.func @transform_8(%arg0: i32) -> (i32, i32) {
    %c0_i32 = arith.constant 0 : i32
    %c0_i32_0 = arith.constant 0 : i32
    %c0_i32_1 = arith.constant 0 : i32
    return %c0_i32, %c0_i32_0 : i32, i32
  }
  func.func @transform_9(%arg0: i32) -> (i32, i32) {
    %c0_i32 = arith.constant 0 : i32
    %c0_i32_0 = arith.constant 0 : i32
    %c0_i32_1 = arith.constant 0 : i32
    return %c0_i32, %c0_i32_0 : i32, i32
  }
  func.func @transform_10(%arg0: i32) -> (i32, i32) {
    %c0_i32 = arith.constant 0 : i32
    %c0_i32_0 = arith.constant 0 : i32
    %c0_i32_1 = arith.constant 0 : i32
    return %c0_i32, %c0_i32_0 : i32, i32
  }
}

</mosaic_0001>

<sc_bundles>
// kernel: kernel.5.cloned.1.call-start
scs
__scs_entry_jumppad:
0x0: {  	(pc) =	sbr.rel $0x88, $3  }
0x1: {  	(tag) =	ssettag $0x0;
	lr =	simm.s32 $0x1  }
0x2: {  	[smem:$0x3F94] =	sst lr;
	_ =	strace $0xD0000000  }
0x3: {  	_ = 	snop  }
0x4: {  	_ = 	snop  }
0x5: {  	_ = 	snop  }
0x6: {  	_ = 	snop  }
0x7: {  	_ = 	snop  }
__scs_overlays_trampoline_lowered:
0x8: {  	[smem:$0x3FA3] =	sst s0  }
0x9: {  	[smem:$0x3FA4] =	sst s1  }
0xa: {  	[smem:$0x3FA5] =	sst s2  }
0xb: {  	[smem:$0x3FA6] =	sst s3  }
0xc: {  	[smem:$0x3FA7] =	sst s4  }
0xd: {  	[smem:$0x3FA8] =	sst s5  }
0xe: {  	[smem:$0x3FA9] =	sst s6  }
0xf: {  	[smem:$0x3FAA] =	sst s7  }
0x10: {  	[smem:$0x3FAB] =	sst s8  }
0x11: {  	[smem:$0x3FAC] =	sst s9;
	s0 =	simm.s32 @!p0 $0x0  }
0x12: {  	s1 =	sld [smem:$0x3F92];
	s0 =	simm.s32 @p0 $0x1  }
0x13: {  	[smem:$0x3FAD] =	sst s0;
	s0 =	simm.s32 @!p1 $0x0  }
0x14: {  	s2 =	sld [smem:$0x3F91];
	s0 =	simm.s32 @p1 $0x1  }
0x15: {  	[smem:$0x3FAE] =	sst s0;
	s0 =	simm.s32 @!p2 $0x0  }
0x16: {  	s3 =	sld [smem:$0x3FDB];
	s0 =	simm.s32 @p2 $0x1  }
0x17: {  	s4 =	simm.s32 $0x1BF5;
	[smem:$0x3FB0] =	sst s0  }
0x18: {  	s0 =	sld [smem:$0x3F93];
	_ =	swait.ge [sflag:s4], $0x0  }
0x19: {  	s7 =	sld [smem:$0x3F94]  }
0x1a: {  	s8 =	sadd.s32 $0xFFFFE003, lr  }
0x1b: {  	s9 =	sadd.s32 $0xFFFFFEF7, lr;
	s5 =	simm.s32 $0xFFFFFFFF;
	p2 =	slt.u32 s8, $0xFFFFF086  }
0x1c: {  	p1 =	slt.u32 s9, $0xF7A;
	s5 =	simm.s32 @!p2 $0x0  }
0x1d: {  	s5 =	simm.s32 @p1 $0x1;
	p0 =	seq.s32 s7, s2  }
0x1e: {  	s7 =	smul.u32 @!p0 $0xF7A, s2;
	p2 =	seq.s32 @!p0 s5, $0x0  }
0x1f: {  	s9 =	smul.u32 $0xF7A, s1;
	s8 =	simm.s32 @!p0 $0x1BF5;
	p2 =	por !p2, p0  }
0x20: {  	[sflag:s8] =	ssyncset.s32 @!p0 $0xFFFFF086;
	s6 =	sadd.s32 @!p0 s3, s7;
	s7 =	simm.s32 @!p0 $0x108  }
0x21: {  	s3 =	sadd.s32 s3, s9;
	s6 =	sadd.s32 @!p0 $0x88, s6;
	s7 =	simm.s32 @p2 $0x1082  }
0x22: {  	[simem:s7], [sflag:s8] =	dma.local @!p0 [hbm:s6], $0xF7A  }
0x23: {  	s9 =	sor.u32 $0xD0000000, s2;
	s6 =	simm.s32 $0x108;
	_ =	swait.ge @!p0 [sflag:s8], $0x0  }
0x24: {  	s3 =	sadd.s32 $0x88, s3;
	s6 =	simm.s32 @!p1 $0x1082;
	[sflag:s4] =	ssyncset.s32 $0xFFFFF086  }
0x25: {  	[simem:s6], [sflag:s4] =	dma.local [hbm:s3], $0xF7A  }
0x26: {  	[smem:$0x3F94] =	sst s1;
	(tag) =	ssettag s2;
	_ =	strace s9  }
0x27: {  	s1 =	sld [smem:$0x3FA4]  }
0x28: {  	s2 =	sld [smem:$0x3FA5]  }
0x29: {  	s4 =	sld [smem:$0x3FA7]  }
0x2a: {  	p0 =	seq.s32 s5, $0x0;
	s5 =	sld [smem:$0x3FA8]  }
0x2b: {  	s6 =	sld [smem:$0x3FA9]  }
0x2c: {  	s7 =	sld [smem:$0x3FAA]  }
0x2d: {  	s3 =	simm.s32 $0x108;
	s8 =	sld [smem:$0x3FAB]  }
0x2e: {  	s3 =	simm.s32 @!p0 $0x1082;
	s9 =	sld [smem:$0x3FAC]  }
0x2f: {  	lr =	sadd.s32 s0, s3;
	s0 =	sld [smem:$0x3FA3]  }
0x30: {  	s3 =	sld [smem:$0x3FA6]  }
0x31: {  	[smem:$0x3FAF] =	sst s10  }
0x32: {  	s10 =	sld [smem:$0x3FAD];
	_ =	sdelay $0x3  }
0x33: {  	p0 =	seq.s32 s10, $0x1;
	s10 =	sld [smem:$0x3FAF];
	_ =	sdelay $0x3  }
0x34: {  	[smem:$0x3FAF] =	sst s10  }
0x35: {  	s10 =	sld [smem:$0x3FAE];
	_ =	sdelay $0x3  }
0x36: {  	p1 =	seq.s32 s10, $0x1;
	s10 =	sld [smem:$0x3FAF];
	_ =	sdelay $0x3  }
0x37: {  	[smem:$0x3FAF] =	sst s10  }
0x38: {  	s10 =	sld [smem:$0x3FB0]  }
0x39: {  	_ = 	snop;
	(pc) =	sbr.ind lr, $3  }
0x3a: {  	_ = 	snop  }
0x3b: {  	_ = 	snop  }
0x3c: {  	p2 =	seq.s32 s10, $0x1;
	s10 =	sld [smem:$0x3FAF]  }
0x3d: {  	_ =	shalt  }
0x3e: {  	_ =	shalt  }
0x3f: {  	_ =	shalt  }
0x40: {  	_ =	shalt  }
0x41: {  	_ =	shalt  }
0x42: {  	_ =	shalt  }
0x43: {  	_ =	shalt  }
0x44: {  	_ =	shalt  }
0x45: {  	_ =	shalt  }
0x46: {  	_ =	shalt  }
0x47: {  	_ =	shalt  }
0x48: {  	_ =	shalt  }
0x49: {  	_ =	shalt  }
0x4a: {  	_ =	shalt  }
0x4b: {  	_ =	shalt  }
0x4c: {  	_ =	shalt  }
0x4d: {  	_ =	shalt  }
0x4e: {  	_ =	shalt  }
0x4f: {  	_ =	shalt  }
0x50: {  	_ =	shalt  }
0x51: {  	_ =	shalt  }
0x52: {  	_ =	shalt  }
0x53: {  	_ =	shalt  }
0x54: {  	_ =	shalt  }
0x55: {  	_ =	shalt  }
0x56: {  	_ =	shalt  }
0x57: {  	_ =	shalt  }
0x58: {  	_ =	shalt  }
0x59: {  	_ =	shalt  }
0x5a: {  	_ =	shalt  }
0x5b: {  	_ =	shalt  }
0x5c: {  	_ =	shalt  }
0x5d: {  	_ =	shalt  }
0x5e: {  	_ =	shalt  }
0x5f: {  	_ =	shalt  }
0x60: {  	_ =	shalt  }
0x61: {  	_ =	shalt  }
0x62: {  	_ =	shalt  }
0x63: {  	_ =	shalt  }
0x64: {  	_ =	shalt  }
0x65: {  	_ =	shalt  }
0x66: {  	_ =	shalt  }
0x67: {  	_ =	shalt  }
0x68: {  	_ =	shalt  }
0x69: {  	_ =	shalt  }
0x6a: {  	_ =	shalt  }
0x6b: {  	_ =	shalt  }
0x6c: {  	_ =	shalt  }
0x6d: {  	_ =	shalt  }
0x6e: {  	_ =	shalt  }
0x6f: {  	_ =	shalt  }
0x70: {  	_ =	shalt  }
0x71: {  	_ =	shalt  }
0x72: {  	_ =	shalt  }
0x73: {  	_ =	shalt  }
0x74: {  	_ =	shalt  }
0x75: {  	_ =	shalt  }
0x76: {  	_ =	shalt  }
0x77: {  	_ =	shalt  }
0x78: {  	_ =	shalt  }
0x79: {  	_ =	shalt  }
0x7a: {  	_ =	shalt  }
0x7b: {  	_ =	shalt  }
0x7c: {  	_ =	shalt  }
0x7d: {  	_ =	shalt  }
0x7e: {  	_ =	shalt  }
0x7f: {  	_ =	shalt  }
0x80: {  	_ =	shalt  }
0x81: {  	_ =	shalt  }
0x82: {  	_ =	shalt  }
0x83: {  	_ =	shalt  }
0x84: {  	_ =	shalt  }
0x85: {  	_ =	shalt  }
0x86: {  	_ =	shalt  }
0x87: {  	_ =	shalt  }
.Lfunc_end0:
.L_simem_size_0:
called_computation_lowered:
.L_overlay_start_0:
0x88: {  	s2 =	sld [smem:$0x3FD9]  }
0x89: {  	s3 =	sld [smem:$0x3FFE];
	_ =	sdelay $0x1  }
0x8a: {  	s1 =	srdreg.scid  }
0x8b: {  	s0 =	sand.u32 $0x1, s1  }
0x8c: {  	s16 =	sshll.u32 s0, $0xA;
	s2 =	sadd.s32 s3, s2  }
0x8d: {  	s2 =	sadd.s32 s2, s16  }
0x8e: {  	[smem:$0x3FBB] =	sst s2  }
0x8f: {  	_ = 	snop  }
0x90: {  	(tm) =	ssettm $0x1  }
0x91: {  	s17 =	sld [smem:$0x3FFB];
	_ =	sdelay $0x3  }
0x92: {  	_ =	strace s17  }
0x93: {  	s2 =	sld [smem:$0x3FFC];
	_ =	sdelay $0x3  }
0x94: {  	_ =	strace s2  }
0x95: {  	s2 =	sld [smem:$0x3FFD];
	_ =	sdelay $0x3  }
0x96: {  	_ =	strace s2  }
0x97: {  	_ =	strace $0x8FFFFFFF  }
0x98: {  	s18 =	sld [smem:$0x3FDB];
	_ =	sdelay $0x1  }
0x99: {  	s19 =	simm.s32 $_scs_section_size  }
0x9a: {  	s4 =	simm.s32 $_size__tile_overlayer_lowered;
	s5 =	simm.s32 $_tile_overlayer_lowered  }
0x9b: {  	s22 =	simm.s32 $0x1BFF;
	s21 =	sshll.u32 s5, $0x1;
	s2 =	sadd.s32 s19, s18  }
0x9c: {  	s6 =	simm.s32 $0x0;
	s20 =	sshll.u32 s4, $0x1;
	s4 =	sadd.s32 s21, s2  }
0x9d: {  	[timem:s6], [sflag:s22] =	dma.local [hbm:s4], s20  }
0x9e: {  	_ =	swait.ge [sflag:s22], s20  }
0x9f: {  	s3 =	ssub.s32 $0x0, s20;
	[sflag:s22] =	ssyncset.done $0x0  }
0xa0: {  	[sflag:s22] =	ssyncadd.s32 s3;
	_ =	sdelay $0x1  }
0xa1: {  	s23 =	simm.s32 $0x1B8B  }
0xa2: {  	_ =	swait.ge [sflag:s23], $0x1  }
0xa3: {  	[sflag:s23] =	ssyncset.done $0x0  }
0xa4: {  	s25 =	simm.s32 $0x1B8E;
	s24 =	sld [smem:$0x3FFE];
	[sflag:s23] =	ssyncadd.s32 $0xFFFFFFFF  }
0xa5: {  	s26 =	simm.s32 $execute0_lowered;
	[smem:$0x3FD2] =	sst s25  }
0xa6: {  	s4 =	sshll.u32 s26, $0x1;
	_ =	strace $0x80000046;
	[dreg:$0x1] =	wrdreg $0xFFFFFFFF  }
0xa7: {  	s28 =	simm.s32 $_size_execute0_lowered;
	s2 =	sadd.s32 s2, s4;
	[dreg:$0x0] =	wrdreg $0x0  }
0xa8: {  	s4 =	sshll.u32 s28, $0x1;
	[dreg:$0x2] =	wrdreg s2  }
0xa9: {  	[dreg:$0x3] =	wrdreg s4  }
0xaa: {  	[dreg:$0x4] =	wrdreg $0xC0  }
0xab: {  	_ =	task [dreg:s6], $0x5FFFF  }
0xac: {  	[dreg:$0x1] =	wrdreg $0xFFFFFFFF  }
0xad: {  	[dreg:$0x0] =	wrdreg $0x60  }
0xae: {  	[dreg:$0x2] =	wrdreg s24  }
0xaf: {  	[dreg:$0x3] =	wrdreg $0xC9400  }
0xb0: {  	[dreg:$0x4] =	wrdreg $0x9  }
0xb1: {  	_ =	task.clear_ibuf [dreg:s6], $0x5FFFF;
	_ =	strace $0x90000046  }
0xb2: {  	s29 =	simm.s32 $0x9;
	_ =	strace $0x80000048  }
0xb3: {  	_ =	swait.ge [sflag:s29], $0x1  }
0xb4: {  	[sflag:s29] =	ssyncadd.s32 $0xFFFFFFFF  }
0xb5: {  	_ =	strace $0x90000048  }
0xb6: {  	_ =	sfence  }
0xb7: {  	s30 =	sld [smem:$0x0];
	_ =	sdelay $0x2  }
0xb8: {  	s31 =	sshll.u32 s1, $0xD;
	s1 =	sshrl.u32 s1, $0x2  }
0xb9: {  	s3 =	sand.u32 $0x4000, s31;
	s1 =	sadd.s32 s1, s30  }
0xba: {  	s0 =	sor.u32 s3, s0;
	s1 =	sshll.u32 s1, $0x11  }
0xbb: {  	s0 =	sor.u32 s1, s0  }
0xbc: {  	s0 =	sadd.s32 $0x8F2B, s0  }
0xbd: {  	[sflag:s0] =	ssyncadd.remote.s32 $0x1  }
0xbe: {  	_ =	sfence.sel $0xFFFF  }
0xbf: {  	[dreg:$0x0] =	wrdreg $0xFFFFFFFF;
	(pc) =	sbr.abs _section_cstart, $3  }
0xc0: {  	[dreg:$0x1] =	wrdreg $0xFFFFFFFF  }
0xc1: {  	_ =	task.clear_ibuf [dreg:s6], $0x2FFFF;
	_ =	strace $0x9FFFFFFF  }
0xc2: {  	(tm) =	ssettm $0x7FFFFFFF  }
0xc3: {  	_ =	shalt  }
tec
execute0_lowered:
.L_overlay_start_1:
0x0: {  	(tag) =	ssettag $0x1  }
0x1: {  	s0 =	rddreg [dreg:$0x0]  }
0x2: {  	s1 =	rddreg [dreg:$0x1];
	s3 =	simm.s32 $0x0;
	s2 =	srdreg.scid  }
0x3: {  	s13 =	stileid.u32;
	s28 =	simm.s32 $0xF0;
	s29 =	simm.s32 $0x640  }
0x4: {  	s30 =	simm.s32 $0x2;
	s31 =	simm.s32 $0x6540;
	[smem:$0x7FF] =	sst s3  }
0x5: {  	s4 =	sadd.s32 $0x14E00, s0;
	s2 =	sand.u32 $0x1, s2;
	s8 =	smul.u32 $0x5000, s13  }
0x6: {  	s5 =	sadd.s32 $0xB000, s0;
	s6 =	sadd.s32 $0x1200, s0;
	s7 =	sadd.s32 $0x4F6E00, s0  }
0x7: {  	s10 =	sadd.s32 $0x6CE00, s0;
	_ =	strace $0x80000047;
	s18 =	sshll.u32 s2, $0x4  }
0x8: {  	s9 =	smul.u32 $0x50000, s2;
	[dreg:$0x3] =	wrdreg s10;
	s10 =	sor.u32 s13, s18  }
0x9: {  	s20 =	sshll.u32 s13, $0x6;
	s2 =	ssub.s32 $0x2, s2;
	s12 =	smul.u32 $0x7D, s10  }
0xa: {  	s11 =	sshrl.u32 s2, $0x1;
	s9 =	sadd.s32 s8, s9;
	s19 =	smul.u32 $0x2710, s10  }
0xb: {  	s2 =	ssub.s32 s2, s11;
	s8 =	sadd.s32 s8, s1;
	s21 =	smul.u32 $0x4E2, s10  }
0xc: {  	s10 =	smul.u32 $0x4E20, s10;
	s9 =	sshrl.u32 s9, $0x3;
	s26 =	smax.u32 s2, $0x1  }
0xd: {  	s2 =	simm.s32 $0xBF40;
	s0 =	sadd.s32 s9, s0;
	s9 =	sor.u32 $0x1C05, s20  }
0xe: {  	v0 =	vimm.s32 $0xECA86420;
	s11 =	sadd.s32 $0x50, s19;
	s14 =	sadd.s32 s5, s21;
	s13 =	sadd.s32 s6, s21  }
0xf: {  	v1 =	vimm.s32 $0xFDB97531;
	v0 =	vunpack.c.l.s4.s8 v0;
	s10 =	sadd.s32 s7, s10;
	s16 =	sadd.s32 $0x2, s12;
	[dreg:$0xb] =	wrdreg s26  }
0x10: {  	v1 =	vunpack.c.l.s4.s8 v1;
	s17 =	sadd.s32 $0x3, s12;
	s20 =	sshrl.u32 s8, $0x3;
	[dreg:$0x4] =	wrdreg s14  }
0x11: {  	v0 =	vunpack.c.0.s8.s32 v0;
	s21 =	simm.s32 $0x5;
	s26 =	simm.s32 $0xB40;
	[dreg:$0x5] =	wrdreg s13  }
0x12: {  	v1 =	vunpack.c.0.s8.s32 v1;
	s22 =	sshrl.u32 s11, $0x3;
	[dreg:$0x6] =	wrdreg s10;
	s0 =	sadd.s32 $0x6D800, s0  }
0x13: {  	v2 =	vand.u32 $0xF, v0;
	v0 =	vlaneseq.c.b16;
	s8 =	simm.s32 $0x4;
	s23 =	sadd.s32 s5, s22;
	[dreg:$0xa] =	wrdreg s0  }
0x14: {  	vm0 =	vcmask $0x1F00;
	v3 =	vand.u32 $0xF, v1;
	v57 =	vand.u32 $0x10001, v0;
	s24 =	sshll.u32 s11, $0x1;
	s25 =	sadd.s32 s6, s22;
	[dreg:$0x7] =	wrdreg s23  }
0x15: {  	v58 =	vnsel vm0, $0xF, v2;
	v59 =	vnsel vm0, $0xF, v3;
	v3 =	vor.u32 $0x20002, v57;
	[tilespmem:$0x1FFD0] =	vst v57;
	s10 =	sadd.s32 s7, s24;
	s22 =	simm.s32 $0xA0;
	[dreg:$0x8] =	wrdreg s25  }
0x16: {  	v4 =	vor.u32 $0x40004, v57;
	v5 =	vor.u32 $0x60006, v57;
	v6 =	vor.u32 $0x80008, v57;
	[tilespmem:$0x1FFE0] =	vst v58;
	s24 =	simm.s32 $0x1;
	s0 =	simm.s32 $0x3;
	[dreg:$0x9] =	wrdreg s10  }
0x17: {  	v7 =	vor.u32 $0xA000A, v57;
	v8 =	vor.u32 $0xC000C, v57;
	v9 =	vor.u32 $0xE000E, v57;
	[tilespmem:$0x1FFF0] =	vst v59;
	s23 =	simm.s32 $0x140;
	s25 =	simm.s32 $0x50;
	s10 =	simm.s32 $0x0  }
.LBB2_1:
0x18: {  	s11 =	rddreg [dreg:$0x3]  }
0x19: {  	[spmem:s20], [sflag:s9] =	dma.local [hbm:s11], $0xA00  }
0x1a: {  	_ =	swait.ge [sflag:s21], $0xA00  }
0x1b: {  	[sflag:s21] =	ssyncset.done $0x0  }
0x1c: {  	[sflag:s21] =	ssyncadd.s32 $0xFFFFF600  }
0x1d: {  	[bflag:$0x0] =	sbarrier.arrive $0xFFFF  }
0x1e: {  	s12 =	rddreg [dreg:$0x4]  }
0x1f: {  	[tilespmem:s3], [sflag:$0x1] =	stream.linear.gather [hbm4b:s12+s3], $0x50, $0x38;
	[tilespmem:$0x11940] =	vst v63  }
0x20: {  	s13 =	rddreg [dreg:$0x5]  }
0x21: {  	[tilespmem:s22], [sflag:$0x1] =	stream.linear.gather [hbm4b:s13+s3], $0x50, $0x38;
	[tilespmem:$0x11940] =	vst v63  }
0x22: {  	s14 =	rddreg [dreg:$0x6]  }
0x23: {  	[tilespmem:s23], [sflag:$0x1] =	stream.linear.gather [hbm4b:s14+s3], $0x500, $0x38;
	[tilespmem:$0x11940] =	vst v63  }
0x24: {  	_ =	swait.ge [sflag:s24], $0x50  }
0x25: {  	[sflag:s24] =	ssyncset.done $0x0  }
0x26: {  	[sflag:s24] =	ssyncadd.s32 $0xFFFFFFB0  }
0x27: {  	_ =	swait.ge [sflag:s24], $0x50  }
0x28: {  	[sflag:s24] =	ssyncset.done $0x0  }
0x29: {  	[sflag:s24] =	ssyncadd.s32 $0xFFFFFFB0  }
0x2a: {  	_ =	swait.ge [sflag:s24], $0x500  }
0x2b: {  	[sflag:s24] =	ssyncset.done $0x0  }
0x2c: {  	[sflag:s24] =	ssyncadd.s32 $0xFFFFFB00  }
0x2d: {  	[tilespmem:s26], [sflag:$0x3] =	stream.indirect.gather [hbm4b:s4+s25], $0x120, s3, s25, $0xb8;
	[tilespmem:$0x11940] =	vst v63  }
0x2e: {  	s15 =	rddreg [dreg:$0x7]  }
0x2f: {  	[tilespmem:s25], [sflag:$0x2] =	stream.linear.gather [hbm4b:s15+s3], $0x50, $0x38;
	[tilespmem:$0x11940] =	vst v63  }
0x30: {  	s18 =	rddreg [dreg:$0x8]  }
0x31: {  	[tilespmem:s28], [sflag:$0x2] =	stream.linear.gather [hbm4b:s18+s3], $0x50, $0x38;
	[tilespmem:$0x11940] =	vst v63  }
0x32: {  	s11 =	simm.s32 $0x0;
	s19 =	rddreg [dreg:$0x9]  }
0x33: {  	[tilespmem:s29], [sflag:$0x2] =	stream.linear.gather [hbm4b:s19+s3], $0x500, $0x38;
	[tilespmem:$0x11940] =	vst v63  }
.LBB2_2:
0x34: {  	_ =	swait.ge [sflag:s30], $0x50  }
0x35: {  	[sflag:s30] =	ssyncset.done $0x0  }
0x36: {  	[sflag:s30] =	ssyncadd.s32 $0xFFFFFFB0  }
0x37: {  	_ =	swait.ge [sflag:s30], $0x50  }
0x38: {  	[sflag:s30] =	ssyncset.done $0x0  }
0x39: {  	[sflag:s30] =	ssyncadd.s32 $0xFFFFFFB0  }
0x3a: {  	_ =	swait.ge [sflag:s30], $0x500  }
0x3b: {  	[sflag:s30] =	ssyncset.done $0x0  }
0x3c: {  	[sflag:s30] =	ssyncadd.s32 $0xFFFFFB00  }
0x3d: {  	[tilespmem:s31], [sflag:$0x4] =	stream.indirect.gather [hbm4b:s4+s25], $0x120, s25, s25, $0xb8;
	[tilespmem:$0x11940] =	vst v63  }
0x3e: {  	_ =	swait.ge [sflag:s0], $0x5A00  }
0x3f: {  	[sflag:s0] =	ssyncset.done $0x0  }
0x40: {  	s13 =	simm.s32 $0x160;
	[sflag:s0] =	ssyncadd.s32 $0xFFFFA600  }
0x41: {  	v10 =	vld [tilespmem:s13+$0x10]  }
0x42: {  	v11 =	vld [tilespmem:s13+$0xFFFFFFF0]  }
0x43: {  	v12 =	vld [tilespmem:s13+$0x0]  }
0x44: {  	s12 =	simm.s32 $0xD80;
	v13 =	vld [tilespmem:s13+$0xFFFFFFE0]  }
0x45: {  	v14 =	vld [tilespmem:s12+$0x130]  }
0x46: {  	v15 =	vld [tilespmem:s12+$0x230]  }
0x47: {  	v16 =	vld [tilespmem:s12+$0x150]  }
0x48: {  	v17 =	vld [tilespmem:s12+$0xFFFFFDC0]  }
0x49: {  	v18 =	vld [tilespmem:s12+$0x170]  }
0x4a: {  	v19 =	vld [tilespmem:s12+$0xFFFFFDD0]  }
0x4b: {  	v20 =	vld [tilespmem:s12+$0x190]  }
0x4c: {  	v21 =	vld [tilespmem:s12+$0xFFFFFEE0]  }
0x4d: {  	v22 =	vld [tilespmem:s12+$0x1B0]  }
0x4e: {  	v23 =	vld [tilespmem:s12+$0xFFFFFEF0]  }
0x4f: {  	v24 =	vld [tilespmem:s12+$0x1D0]  }
0x50: {  	v25 =	vld [tilespmem:s12+$0x0]  }
0x51: {  	v26 =	vld [tilespmem:s12+$0x1F0];
	v27 =	vperm.xlane v10, v58  }
0x52: {  	v28 =	vld [tilespmem:s12+$0x10];
	v10 =	vperm.xlane v10, v59;
	v29 =	vperm.xlane v11, v58  }
0x53: {  	v30 =	vld [tilespmem:s12+$0x210];
	v11 =	vperm.xlane v11, v59;
	v31 =	vperm.xlane v12, v58  }
0x54: {  	v32 =	vld [tilespmem:s12+$0xFFFFFEC0];
	v12 =	vperm.xlane v12, v59;
	v33 =	vperm.xlane v13, v58;
	v27 =	vpack.i.f32.bf16 v10, v27  }
0x55: {  	v34 =	vld [tilespmem:s12+$0xFFFFFED0];
	v13 =	vperm.xlane v13, v59;
	v29 =	vpack.i.f32.bf16 v11, v29;
	v11 =	vperm.xlane.b16 v27, v57  }
0x56: {  	v36 =	vld [tilespmem:s12+$0xFFFFFDE0];
	v10 =	vpack.i.f32.bf16 v12, v31;
	v35 =	vperm.xlane.b16 v29, v57;
	v37 =	vperm.xlane.b16 v29, v3  }
0x57: {  	v39 =	vld [tilespmem:s12+$0x1E0];
	v13 =	vpack.i.f32.bf16 v13, v33;
	v38 =	vperm.xlane.b16 v10, v57;
	v63 =	vperm.xlane.b16 v27, v4  }
0x58: {  	v40 =	vld [tilespmem:s12+$0x1C0];
	v41 =	vperm.xlane.b16 v13, v3;
	v43 =	vperm.xlane.b16 v27, v5  }
0x59: {  	v42 =	vld [tilespmem:s12+$0x1A0];
	v47 =	vperm.xlane.b16 v27, v7;
	v49 =	vperm.xlane.b16 v27, v8  }
0x5a: {  	v44 =	vld [tilespmem:s12+$0x180];
	v53 =	vperm.xlane.b16 v13, v5;
	v55 =	vperm.xlane.b16 v10, v5  }
0x5b: {  	v45 =	vld [tilespmem:s12+$0x220];
	v12 =	vmul.bf16 v11, v14;
	v14 =	vperm.xlane.b16 v27, v3  }
0x5c: {  	v46 =	vld [tilespmem:s12+$0x140];
	v18 =	vmul.bf16 v63, v18;
	v23 =	vmul.bf16 v35, v23  }
0x5d: {  	v48 =	vld [tilespmem:s12+$0x120];
	v24 =	vmul.bf16 v47, v24;
	v16 =	vmul.bf16 v14, v16;
	v12 =	vadd.bf16 v12, v15  }
0x5e: {  	v50 =	vld [tilespmem:s12+$0xFFFFFFE0];
	v25 =	vmul.bf16 v38, v25;
	v15 =	vperm.xlane.b16 v13, v57  }
0x5f: {  	v51 =	vld [tilespmem:s12+$0xFFFFFFF0];
	v26 =	vmul.bf16 v49, v26;
	v60 =	vmul.bf16 v41, v36;
	v12 =	vadd.bf16 v16, v12  }
0x60: {  	v52 =	vld [tilespmem:s12+$0xFFFFFF00];
	v16 =	vmul.bf16 v15, v17;
	v15 =	vmul.bf16 v15, v19  }
0x61: {  	v54 =	vld [tilespmem:s12+$0x100];
	v19 =	vmul.bf16 v43, v20;
	v20 =	vperm.xlane.b16 v27, v6;
	v12 =	vadd.bf16 v18, v12  }
0x62: {  	v56 =	vld [tilespmem:s12+$0x110];
	v36 =	vmul.bf16 v47, v40;
	v11 =	vmul.bf16 v11, v48  }
0x63: {  	v61 =	vld [tilespmem:s12+$0x30];
	v33 =	vmul.bf16 v49, v39;
	v22 =	vmul.bf16 v20, v22;
	v12 =	vadd.bf16 v19, v12  }
0x64: {  	v62 =	vld [tilespmem:s12+$0xFFFFFE00];
	v48 =	vperm.xlane.b16 v10, v6;
	v14 =	vmul.bf16 v14, v46;
	v11 =	vadd.bf16 v11, v45  }
0x65: {  	v45 =	vperm.xlane.b16 v29, v7;
	v17 =	vld [tilespmem:s12+$0x160];
	v27 =	vperm.xlane.b16 v27, v9;
	v12 =	vadd.bf16 v22, v12  }
0x66: {  	v31 =	vld [tilespmem:s12+$0x200];
	v43 =	vmul.bf16 v43, v44;
	v11 =	vadd.bf16 v14, v11;
	v14 =	vperm.xlane.b16 v10, v7  }
0x67: {  	v47 =	vld [tilespmem:s12+$0xFFFFFF20];
	v18 =	vmul.bf16 v35, v21;
	v21 =	vperm.xlane.b16 v10, v3;
	v12 =	vadd.bf16 v24, v12  }
0x68: {  	v25 =	vadd.bf16 v25, v54;
	v30 =	vmul.bf16 v27, v30;
	v20 =	vmul.bf16 v20, v42;
	v42 =	vld [tilespmem:s12+$0x20]  }
0x69: {  	v35 =	vld [tilespmem:s12+$0xFFFFFDF0];
	v16 =	vadd.bf16 v16, v32;
	v32 =	vperm.xlane.b16 v13, v6;
	v12 =	vadd.bf16 v26, v12  }
0x6a: {  	v15 =	vadd.bf16 v15, v34;
	v19 =	vperm.xlane.b16 v13, v4;
	v17 =	vmul.bf16 v63, v17;
	v63 =	vld [tilespmem:s12+$0xFFFFFE10]  }
0x6b: {  	v46 =	vld [tilespmem:s12+$0x40];
	v16 =	vadd.bf16 v60, v16;
	v22 =	vperm.xlane.b16 v29, v4;
	v12 =	vadd.bf16 v30, v12  }
0x6c: {  	v18 =	vadd.bf16 v18, v50;
	v62 =	vmul.bf16 v19, v62;
	v24 =	vmul.bf16 v38, v28;
	v38 =	vld [tilespmem:s12+$0xFFFFFF10]  }
0x6d: {  	v54 =	vld [tilespmem:s12+$0xB0];
	v42 =	vmul.bf16 v21, v42;
	v49 =	vunpack.i.u.bf16.f32 v12;
	v12 =	vunpack.i.l.bf16.f32 v12  }
0x6e: {  	v44 =	vld [tilespmem:s12+$0xFFFFFF70];
	v21 =	vmul.bf16 v21, v61;
	v39 =	vadd.f32 v12, v49;
	v12 =	vmul.bf16 v41, v35  }
0x6f: {  	v50 =	vld [tilespmem:s12+$0xFFFFFF40];
	v28 =	vperm.xlane.b16 v10, v4;
	v24 =	vadd.bf16 v24, v56;
	v19 =	vmul.bf16 v19, v63  }
0x70: {  	v60 =	vld [tilespmem:s12+$0x60];
	v15 =	vadd.bf16 v12, v15;
	v12 =	vadd.bf16 v23, v51;
	v23 =	vmul.bf16 v27, v31  }
0x71: {  	v63 =	vld [tilespmem:s12+$0xFFFFFE40];
	v27 =	vmul.bf16 v37, v52;
	v37 =	vmul.bf16 v37, v38  }
0x72: {  	v16 =	vadd.bf16 v62, v16;
	v26 =	vperm.xlane.b16 v29, v5;
	v21 =	vadd.bf16 v21, v24;
	v35 =	vld [tilespmem:s12+$0xFFFFFF30]  }
0x73: {  	v30 =	vperm.xlane.b16 v29, v6;
	v49 =	vld [tilespmem:s12+$0x50];
	v37 =	vadd.bf16 v37, v12;
	v12 =	vadd.bf16 v17, v11  }
0x74: {  	v24 =	vmul.bf16 v22, v47;
	v41 =	vperm.xlane.b16 v13, v7;
	v31 =	vld [tilespmem:s12+$0xFFFFFE20];
	v18 =	vadd.bf16 v27, v18  }
0x75: {  	v38 =	vld [tilespmem:s12+$0xFFFFFE30];
	v27 =	vperm.xlane.b16 v13, v8;
	v11 =	vperm.xlane.b16 v13, v9;
	v13 =	vadd.bf16 v43, v12  }
0x76: {  	v61 =	vld [tilespmem:s12+$0x70];
	v25 =	vadd.bf16 v42, v25;
	v34 =	vmul.bf16 v32, v63;
	v51 =	vperm.xlane.b16 v29, v8  }
0x77: {  	v17 =	vld [tilespmem:s12+$0xFFFFFF50];
	v15 =	vadd.bf16 v19, v15;
	v19 =	vmul.bf16 v28, v46;
	v13 =	vadd.bf16 v20, v13  }
0x78: {  	v42 =	vld [tilespmem:s12+$0xFFFFFF60];
	v52 =	vperm.xlane.b16 v10, v8;
	v22 =	vmul.bf16 v22, v35;
	v18 =	vadd.bf16 v24, v18  }
0x79: {  	v56 =	vld [tilespmem:s12+$0xFFFFFE90];
	v24 =	vmul.bf16 v28, v49;
	v19 =	vadd.bf16 v19, v25;
	v13 =	vadd.bf16 v36, v13  }
0x7a: {  	v46 =	vld [tilespmem:s12+$0x80];
	v22 =	vadd.bf16 v22, v37;
	v31 =	vmul.bf16 v53, v31;
	v47 =	vmul.bf16 v53, v38  }
0x7b: {  	v20 =	vld [tilespmem:s12+$0xFFFFFE50];
	v21 =	vadd.bf16 v24, v21;
	v24 =	vmul.bf16 v26, v50;
	v13 =	vadd.bf16 v33, v13  }
0x7c: {  	v25 =	vld [tilespmem:s12+$0x90];
	v16 =	vadd.bf16 v31, v16;
	v17 =	vmul.bf16 v26, v17;
	v15 =	vadd.bf16 v47, v15  }
0x7d: {  	v10 =	vperm.xlane.b16 v10, v9;
	v49 =	vld [tilespmem:s12+$0xFFFFFE60];
	v18 =	vadd.bf16 v24, v18;
	v13 =	vadd.bf16 v23, v13  }
0x7e: {  	v26 =	vld [tilespmem:s12+$0xFFFFFF80];
	v24 =	vmul.bf16 v55, v60;
	v17 =	vadd.bf16 v17, v22;
	v22 =	vmul.bf16 v55, v61  }
0x7f: {  	v16 =	vadd.bf16 v34, v16;
	v23 =	vld [tilespmem:s12+$0xFFFFFE70];
	v50 =	vunpack.i.u.bf16.f32 v13;
	v13 =	vunpack.i.l.bf16.f32 v13  }
0x80: {  	v53 =	vld [tilespmem:s12+$0xFFFFFF90];
	v31 =	vadd.f32 v13, v50;
	v13 =	vmul.bf16 v32, v20;
	v20 =	vmul.bf16 v30, v42  }
0x81: {  	v19 =	vadd.bf16 v24, v19;
	v24 =	vld [tilespmem:s12+$0xA0];
	v21 =	vadd.bf16 v22, v21;
	v22 =	vmul.bf16 v30, v44  }
0x82: {  	v55 =	vld [tilespmem:s12+$0xFFFFFE80];
	v13 =	vadd.bf16 v13, v15;
	v15 =	vadd.bf16 v20, v18;
	v18 =	vmul.bf16 v48, v46  }
0x83: {  	v17 =	vadd.bf16 v22, v17;
	v22 =	vmul.bf16 v41, v49;
	v20 =	vmul.bf16 v48, v25;
	v25 =	vld [tilespmem:s12+$0xFFFFFFA0]  }
0x84: {  	v18 =	vadd.bf16 v18, v19;
	v19 =	vmul.bf16 v41, v23;
	v23 =	vmul.bf16 v45, v26;
	v26 =	vld [tilespmem:s12+$0xFFFFFFB0]  }
0x85: {  	v61 =	vld [tilespmem:s12+$0xC0];
	v16 =	vadd.bf16 v22, v16;
	v60 =	vadd.bf16 v20, v21;
	v20 =	vmul.bf16 v45, v53  }
0x86: {  	v62 =	vadd.bf16 v19, v13;
	v23 =	vadd.bf16 v23, v15;
	v13 =	vmul.bf16 v14, v24;
	v24 =	vld [tilespmem:s12+$0xD0]  }
0x87: {  	v22 =	vld [tilespmem:s12+$0xFFFFFFC0];
	v63 =	vadd.bf16 v20, v17;
	v14 =	vmul.bf16 v14, v54;
	v15 =	vmul.bf16 v27, v55  }
0x88: {  	v20 =	vld [tilespmem:s12+$0xFFFFFEA0];
	v17 =	vmul.bf16 v27, v56;
	v13 =	vadd.bf16 v13, v18;
	v18 =	vmul.bf16 v51, v25  }
0x89: {  	s14 =	simm.s32 $0xBF80;
	v21 =	vld [tilespmem:s12+$0xFFFFFEB0];
	v19 =	vadd.bf16 v14, v60;
	v15 =	vadd.bf16 v15, v16;
	v14 =	vmul.bf16 v51, v26  }
0x8a: {  	[tilespmem:s14+$0x30] =	vst v39;
	v12 =	vperm.xlane.b16 v29, v9;
	v17 =	vadd.bf16 v17, v62;
	v18 =	vadd.bf16 v18, v23;
	v23 =	vld [tilespmem:s12+$0xFFFFFFD0]  }
0x8b: {  	s15 =	simm.s32 $0x0;
	s18 =	simm.s32 $0x1A0;
	s13 =	simm.s32 $0xBF80;
	[tilespmem:s14+$0x20] =	vst v31;
	v25 =	vmul.bf16 v52, v61;
	v16 =	vadd.bf16 v14, v63;
	v24 =	vmul.bf16 v52, v24;
	v14 =	vld [tilespmem:s12+$0xE0]  }
.LBB2_3:
0x8c: {  	v26 =	vld [tilespmem:s18+$0x10]  }
0x8d: {  	v27 =	vld [tilespmem:s18+$0xFFFFFFF0];
	v25 =	vadd.bf16 v25, v13;
	v20 =	vmul.bf16 v11, v20  }
0x8e: {  	v13 =	vadd.bf16 v24, v19;
	v11 =	vmul.bf16 v11, v21;
	v21 =	vld [tilespmem:s18+$0x0];
	v19 =	vmul.bf16 v12, v22  }
0x8f: {  	v15 =	vadd.bf16 v20, v15;
	v20 =	vld [tilespmem:s18+$0xFFFFFFE0]  }
0x90: {  	v12 =	vmul.bf16 v12, v23;
	v18 =	vadd.bf16 v19, v18;
	v19 =	vld [tilespmem:s12+$0xF0];
	s12 =	sadd.s32 $0x480, s12  }
0x91: {  	v22 =	vperm.xlane v26, v58;
	v23 =	vperm.xlane v26, v59;
	v24 =	vld [tilespmem:s12+$0x130]  }
0x92: {  	v26 =	vperm.xlane v27, v59;
	v16 =	vadd.bf16 v12, v16;
	v12 =	vperm.xlane v27, v58;
	v27 =	vld [tilespmem:s12+$0x230]  }
0x93: {  	v22 =	vpack.i.f32.bf16 v23, v22;
	v23 =	vld [tilespmem:s12+$0x150]  }
0x94: {  	v31 =	vld [tilespmem:s12+$0xFFFFFDC0]  }
0x95: {  	v32 =	vld [tilespmem:s12+$0xFFFFFDD0]  }
0x96: {  	v50 =	vld [tilespmem:s12+$0xFFFFFEE0]  }
0x97: {  	v33 =	vld [tilespmem:s12+$0x1B0]  }
0x98: {  	v40 =	vld [tilespmem:s12+$0xFFFFFEF0]  }
0x99: {  	v47 =	vld [tilespmem:s12+$0x10]  }
0x9a: {  	v14 =	vmul.bf16 v10, v14;
	v51 =	vld [tilespmem:s12+$0xFFFFFED0]  }
0x9b: {  	v55 =	vld [tilespmem:s12+$0x200]  }
0x9c: {  	v17 =	vadd.bf16 v11, v17;
	v14 =	vadd.bf16 v14, v25;
	v61 =	vld [tilespmem:s12+$0x160];
	v11 =	vunpack.i.u.bf16.f32 v15  }
0x9d: {  	v63 =	vld [tilespmem:s12+$0x220];
	v12 =	vpack.i.f32.bf16 v26, v12;
	v30 =	vperm.xlane.b16 v22, v57;
	v34 =	vperm.xlane.b16 v22, v3  }
0x9e: {  	v0 =	vld [tilespmem:s12+$0x140];
	v35 =	vunpack.i.l.bf16.f32 v15;
	v37 =	vperm.xlane.b16 v22, v4;
	v39 =	vunpack.i.u.bf16.f32 v17  }
0x9f: {  	v2 =	vld [tilespmem:s12+$0x120];
	v41 =	vperm.xlane.b16 v22, v5;
	v43 =	vunpack.i.l.bf16.f32 v17;
	v44 =	vperm.xlane.b16 v22, v6  }
0xa0: {  	v17 =	vld [tilespmem:s12+$0x0];
	v46 =	vunpack.i.u.bf16.f32 v18;
	v48 =	vperm.xlane.b16 v22, v7;
	v54 =	vperm.xlane.b16 v22, v9  }
0xa1: {  	v49 =	vunpack.i.l.bf16.f32 v18;
	v18 =	vld [tilespmem:s12+$0xFFFFFEC0];
	v25 =	vperm.xlane v21, v58;
	v21 =	vperm.xlane v21, v59  }
0xa2: {  	v26 =	vperm.xlane.b16 v12, v57;
	v11 =	vadd.f32 v35, v11;
	v35 =	vld [tilespmem:s12+$0xFFFFFDF0];
	v39 =	vadd.f32 v43, v39  }
0xa3: {  	v43 =	vld [tilespmem:s12+$0xFFFFFFE0];
	v46 =	vadd.f32 v49, v46;
	v29 =	vperm.xlane v20, v58;
	v20 =	vperm.xlane v20, v59  }
0xa4: {  	v49 =	vld [tilespmem:s12+$0xFFFFFFF0];
	v28 =	vpack.i.f32.bf16 v21, v25;
	v25 =	vperm.xlane.b16 v12, v3;
	v19 =	vmul.bf16 v10, v19  }
0xa5: {  	v53 =	vunpack.i.u.bf16.f32 v16;
	v21 =	vld [tilespmem:s12+$0x170];
	v24 =	vmul.bf16 v30, v24;
	v15 =	vperm.xlane.b16 v28, v57  }
0xa6: {  	v60 =	vunpack.i.u.bf16.f32 v14;
	v58 =	vld [tilespmem:s12+$0x1C0];
	v23 =	vmul.bf16 v34, v23;
	v45 =	vmul.bf16 v26, v50  }
0xa7: {  	v1 =	vunpack.i.l.bf16.f32 v14;
	v59 =	vld [tilespmem:s12+$0x180];
	v40 =	vmul.bf16 v26, v40;
	v50 =	vperm.xlane.b16 v22, v8  }
0xa8: {  	v14 =	vperm.xlane.b16 v28, v8;
	v0 =	vmul.bf16 v34, v0;
	v36 =	vpack.i.f32.bf16 v20, v29;
	v20 =	vld [tilespmem:s12+$0x190]  }
0xa9: {  	v26 =	vld [tilespmem:s12+$0x210];
	v2 =	vmul.bf16 v30, v2;
	v24 =	vadd.bf16 v24, v27;
	v27 =	vperm.xlane.b16 v36, v57  }
0xaa: {  	v56 =	vunpack.i.l.bf16.f32 v16;
	v38 =	vperm.xlane.b16 v36, v3;
	v52 =	vmul.bf16 v15, v17;
	v17 =	vld [tilespmem:s12+$0xFFFFFDE0]  }
0xab: {  	v57 =	vld [tilespmem:s12+$0x1E0];
	v23 =	vadd.bf16 v23, v24;
	v21 =	vmul.bf16 v37, v21;
	v42 =	vmul.bf16 v27, v32  }
0xac: {  	v1 =	vadd.f32 v1, v60;
	v47 =	vmul.bf16 v15, v47;
	v24 =	vmul.bf16 v27, v31;
	v27 =	vld [tilespmem:s12+$0x1D0]  }
0xad: {  	v21 =	vadd.bf16 v21, v23;
	v20 =	vmul.bf16 v41, v20;
	v42 =	vadd.bf16 v42, v51;
	v51 =	vld [tilespmem:s12+$0x1A0]  }
0xae: {  	[tilespmem:s13+$0xFFFFFFC0] =	vst v11;
	v2 =	vadd.bf16 v2, v63;
	v49 =	vadd.bf16 v40, v49;
	v32 =	vperm.xlane.b16 v28, v3;
	v23 =	vld [tilespmem:s12+$0x1F0]  }
0xaf: {  	[tilespmem:s13+$0xFFFFFFD0] =	vst v39;
	v37 =	vmul.bf16 v37, v61;
	v61 =	vld [tilespmem:s12+$0x100];
	v20 =	vadd.bf16 v20, v21;
	v21 =	vmul.bf16 v44, v33  }
0xb0: {  	v60 =	vmul.bf16 v38, v35;
	[tilespmem:s13+$0x0] =	vst v1;
	v0 =	vadd.bf16 v0, v2;
	v2 =	vadd.bf16 v19, v13;
	v13 =	vld [tilespmem:s12+$0xFFFFFE00]  }
0xb1: {  	v16 =	vmul.bf16 v54, v26;
	v63 =	vld [tilespmem:s12+$0x40];
	v20 =	vadd.bf16 v21, v20;
	v21 =	vmul.bf16 v48, v27  }
0xb2: {  	v18 =	vadd.bf16 v24, v18;
	v44 =	vmul.bf16 v44, v51;
	v51 =	vadd.f32 v56, v53;
	v53 =	vld [tilespmem:s12+$0xFFFFFF00];
	[tilespmem:s13+$0xFFFFFFE0] =	vst v46  }
0xb3: {  	v24 =	vperm.xlane.b16 v28, v5;
	v20 =	vadd.bf16 v21, v20;
	v21 =	vmul.bf16 v50, v23;
	v56 =	vld [tilespmem:s12+$0xFFFFFF10]  }
0xb4: {  	v1 =	vadd.bf16 v45, v43;
	v43 =	vld [tilespmem:s12+$0xFFFFFE30];
	v41 =	vmul.bf16 v41, v59;
	v33 =	vperm.xlane.b16 v28, v4  }
0xb5: {  	v30 =	vadd.bf16 v60, v42;
	v42 =	vmul.bf16 v54, v55;
	[tilespmem:s13+$0xFFFFFFF0] =	vst v51;
	v51 =	vld [tilespmem:s12+$0x20];
	v15 =	vadd.bf16 v21, v20  }
0xb6: {  	v59 =	vld [tilespmem:$0x1FFF0];
	v0 =	vadd.bf16 v37, v0;
	v48 =	vmul.bf16 v48, v58;
	v34 =	vmul.bf16 v33, v63  }
0xb7: {  	v54 =	vld [tilespmem:s12+$0x30];
	v21 =	vperm.xlane.b16 v28, v6;
	v15 =	vadd.bf16 v16, v15;
	v16 =	vmul.bf16 v38, v17  }
0xb8: {  	v55 =	vadd.bf16 v52, v61;
	v58 =	vld [tilespmem:$0x1FFE0];
	v53 =	vmul.bf16 v25, v53;
	v19 =	vmul.bf16 v25, v56  }
0xb9: {  	v25 =	vld [tilespmem:s12+$0xFFFFFE10];
	v56 =	vunpack.i.u.bf16.f32 v2;
	v2 =	vunpack.i.l.bf16.f32 v2;
	v17 =	vunpack.i.u.bf16.f32 v15  }
0xba: {  	v63 =	vld [tilespmem:s12+$0xFFFFFE80];
	v15 =	vunpack.i.l.bf16.f32 v15;
	v62 =	vadd.bf16 v16, v18;
	v40 =	vmul.bf16 v32, v51  }
0xbb: {  	v46 =	vld [tilespmem:s12+$0x110];
	v16 =	vadd.f32 v15, v17;
	v15 =	vperm.xlane.b16 v28, v7;
	v28 =	vperm.xlane.b16 v28, v9  }
0xbc: {  	v29 =	vperm.xlane.b16 v36, v4;
	v0 =	vadd.bf16 v41, v0;
	v60 =	vld [tilespmem:s12+$0xFFFFFF20];
	v2 =	vadd.f32 v2, v56  }
0xbd: {  	v22 =	vperm.xlane.b16 v12, v6;
	v10 =	vmov v28;
	v28 =	vadd.bf16 v40, v55;
	v40 =	vld [tilespmem:s12+$0x50]  }
0xbe: {  	v31 =	vperm.xlane.b16 v12, v4;
	v0 =	vadd.bf16 v44, v0;
	[tilespmem:s13+$0x10] =	vst v2;
	v2 =	vmul.bf16 v29, v25;
	v25 =	vld [tilespmem:s12+$0xFFFFFE20]  }
0xbf: {  	v26 =	vperm.xlane.b16 v12, v5;
	v13 =	vmul.bf16 v29, v13;
	v61 =	vld [tilespmem:s12+$0xFFFFFF30]  }
0xc0: {  	v50 =	vmul.bf16 v50, v57;
	v0 =	vadd.bf16 v48, v0;
	v38 =	vadd.bf16 v47, v46;
	v46 =	vld [tilespmem:s12+$0xFFFFFF40]  }
0xc1: {  	v27 =	vperm.xlane.b16 v36, v5;
	v23 =	vperm.xlane.b16 v36, v6;
	v47 =	vld [tilespmem:s12+$0xFFFFFF50]  }
0xc2: {  	v0 =	vadd.bf16 v50, v0;
	v1 =	vadd.bf16 v53, v1;
	v32 =	vmul.bf16 v32, v54;
	v53 =	vld [tilespmem:s12+$0xFFFFFE40]  }
0xc3: {  	v19 =	vadd.bf16 v19, v49;
	v13 =	vadd.bf16 v13, v62;
	v55 =	vld [tilespmem:s12+$0xFFFFFF70];
	v25 =	vmul.bf16 v27, v25  }
0xc4: {  	v35 =	vmul.bf16 v31, v60;
	v45 =	vmul.bf16 v31, v61;
	v0 =	vadd.bf16 v42, v0;
	v51 =	vld [tilespmem:s12+$0x60]  }
0xc5: {  	v2 =	vadd.bf16 v2, v30;
	v27 =	vmul.bf16 v27, v43;
	v13 =	vadd.bf16 v25, v13;
	v25 =	vld [tilespmem:s12+$0xFFFFFE50]  }
0xc6: {  	v19 =	vadd.bf16 v45, v19;
	v54 =	vmul.bf16 v26, v46;
	v26 =	vmul.bf16 v26, v47;
	v52 =	vld [tilespmem:s12+$0x70]  }
0xc7: {  	v20 =	vperm.xlane.b16 v36, v7;
	v41 =	vadd.bf16 v32, v38;
	v2 =	vadd.bf16 v27, v2;
	v27 =	vld [tilespmem:s12+$0xFFFFFF60]  }
0xc8: {  	v18 =	vperm.xlane.b16 v12, v7;
	v1 =	vadd.bf16 v35, v1;
	v19 =	vadd.bf16 v26, v19;
	v26 =	vld [tilespmem:s12+$0x80]  }
0xc9: {  	v60 =	vunpack.i.u.bf16.f32 v0;
	v0 =	vunpack.i.l.bf16.f32 v0;
	v61 =	vld [tilespmem:s12+$0x90];
	v49 =	vmul.bf16 v33, v40  }
0xca: {  	v0 =	vadd.f32 v0, v60;
	v32 =	vmul.bf16 v23, v53;
	v23 =	vmul.bf16 v23, v25;
	v25 =	vld [tilespmem:s12+$0xFFFFFE60]  }
0xcb: {  	s14 =	sadd.s32 $0x80, s14;
	v62 =	vld [tilespmem:s12+$0xFFFFFE70];
	v56 =	vmul.bf16 v24, v51;
	v24 =	vmul.bf16 v24, v52;
	v29 =	vadd.bf16 v49, v41  }
0xcc: {  	[tilespmem:s14+$0x20] =	vst v0;
	v27 =	vmul.bf16 v22, v27;
	v0 =	vadd.bf16 v23, v2;
	v2 =	vmul.bf16 v22, v55;
	v22 =	vld [tilespmem:s12+$0xFFFFFF80]  }
0xcd: {  	v28 =	vadd.bf16 v34, v28;
	v1 =	vadd.bf16 v54, v1;
	v26 =	vmul.bf16 v21, v26;
	v23 =	vld [tilespmem:s12+$0xFFFFFF90]  }
0xce: {  	v24 =	vadd.bf16 v24, v29;
	v2 =	vadd.bf16 v2, v19;
	v19 =	vmul.bf16 v21, v61;
	v21 =	vld [tilespmem:s12+$0xA0]  }
0xcf: {  	v13 =	vadd.bf16 v32, v13;
	v1 =	vadd.bf16 v27, v1;
	v27 =	vld [tilespmem:s12+$0xB0];
	v25 =	vmul.bf16 v20, v25  }
0xd0: {  	v57 =	vld [tilespmem:$0x1FFD0];
	v28 =	vadd.bf16 v56, v28  }
0xd1: {  	v19 =	vadd.bf16 v19, v24;
	v24 =	vadd.bf16 v25, v13;
	v25 =	vld [tilespmem:s12+$0xFFFFFE90];
	v13 =	vmul.bf16 v18, v22  }
0xd2: {  	v17 =	vperm.xlane.b16 v36, v8;
	[tilespmem:s14+$0x30] =	vst v16;
	v16 =	vperm.xlane.b16 v12, v8;
	v26 =	vadd.bf16 v26, v28;
	v22 =	vld [tilespmem:s12+$0xFFFFFFA0]  }
0xd3: {  	v18 =	vmul.bf16 v18, v23;
	v23 =	vld [tilespmem:s12+$0xFFFFFFB0];
	v1 =	vadd.bf16 v13, v1;
	v13 =	vmul.bf16 v15, v21  }
0xd4: {  	s15 =	sadd.s32 $0x4, s15;
	v20 =	vmul.bf16 v20, v62;
	v15 =	vmul.bf16 v15, v27;
	v27 =	vld [tilespmem:s12+$0xC0]  }
0xd5: {  	p0 =	slt.u32 s15, $0x4C;
	v2 =	vadd.bf16 v18, v2;
	v18 =	vmul.bf16 v17, v63;
	v13 =	vadd.bf16 v13, v26;
	v26 =	vld [tilespmem:s12+$0xD0]  }
.Ltmp0:
0xd6: {  	v0 =	vadd.bf16 v20, v0;
	v20 =	vld [tilespmem:s12+$0xFFFFFEA0];
	v17 =	vmul.bf16 v17, v25;
	(pc) =	sbr.rel @p0 .LBB2_3-.Ltmp0, $4  }
0xd7: {  	v21 =	vld [tilespmem:s12+$0xFFFFFEB0];
	v19 =	vadd.bf16 v15, v19;
	v15 =	vadd.bf16 v18, v24;
	v18 =	vmul.bf16 v16, v22  }
0xd8: {  	v22 =	vld [tilespmem:s12+$0xFFFFFFC0];
	v17 =	vadd.bf16 v17, v0;
	v0 =	vmul.bf16 v16, v23  }
0xd9: {  	v11 =	vperm.xlane.b16 v36, v9;
	v12 =	vperm.xlane.b16 v12, v9;
	v18 =	vadd.bf16 v18, v1;
	v23 =	vld [tilespmem:s12+$0xFFFFFFD0]  }
0xda: {  	s18 =	sadd.s32 $0x40, s18;
	s13 =	smov.u32 s14;
	v25 =	vmul.bf16 v14, v27;
	v16 =	vadd.bf16 v0, v2;
	v24 =	vmul.bf16 v14, v26;
	v14 =	vld [tilespmem:s12+$0xE0]  }
0xdb: {  	_ = 	snop  }
0xdc: {  	v0 =	vmul.bf16 v11, v20;
	v1 =	vadd.bf16 v25, v13  }
0xdd: {  	v2 =	vmul.bf16 v11, v21;
	v11 =	vadd.bf16 v24, v19;
	v19 =	vld [tilespmem:s12+$0xF0];
	v13 =	vmul.bf16 v12, v22  }
0xde: {  	v0 =	vadd.bf16 v0, v15;
	v12 =	vmul.bf16 v12, v23  }
0xdf: {  	v2 =	vadd.bf16 v2, v17;
	v14 =	vmul.bf16 v10, v14;
	v13 =	vadd.bf16 v13, v18  }
0xe0: {  	v15 =	vunpack.i.u.bf16.f32 v0;
	v0 =	vunpack.i.l.bf16.f32 v0;
	v12 =	vadd.bf16 v12, v16  }
0xe1: {  	v0 =	vadd.f32 v0, v15;
	v1 =	vadd.bf16 v14, v1;
	v14 =	vunpack.i.u.bf16.f32 v2  }
0xe2: {  	v2 =	vunpack.i.l.bf16.f32 v2;
	v16 =	vunpack.i.u.bf16.f32 v13;
	v10 =	vmul.bf16 v10, v19  }
0xe3: {  	v13 =	vunpack.i.l.bf16.f32 v13;
	v15 =	vunpack.i.u.bf16.f32 v12;
	v2 =	vadd.f32 v2, v14  }
0xe4: {  	v12 =	vunpack.i.l.bf16.f32 v12;
	[tilespmem:s13+$0xFFFFFFC0] =	vst v0;
	v0 =	vadd.f32 v13, v16;
	v10 =	vadd.bf16 v10, v11  }
0xe5: {  	v11 =	vunpack.i.u.bf16.f32 v1;
	v1 =	vunpack.i.l.bf16.f32 v1;
	[tilespmem:s13+$0xFFFFFFD0] =	vst v2;
	v2 =	vadd.f32 v12, v15  }
0xe6: {  	[tilespmem:s13+$0xFFFFFFE0] =	vst v0;
	v0 =	vadd.f32 v1, v11;
	v1 =	vunpack.i.u.bf16.f32 v10;
	v10 =	vunpack.i.l.bf16.f32 v10  }
0xe7: {  	[tilespmem:s13+$0xFFFFFFF0] =	vst v2;
	v1 =	vadd.f32 v10, v1  }
0xe8: {  	s12 =	sshll.u32 s11, $0x1;
	[tilespmem:s13+$0x0] =	vst v0  }
0xe9: {  	s18 =	sadd.s32 s12, s16;
	[tilespmem:s13+$0x10] =	vst v1  }
0xea: {  	[spmem:s1] =	stream.indirect.scatter.add.f32 [tilespmem:s2], [sflag:$0x5], $0x20, s22, s25, $0xb8;
	[tilespmem:$0x11940] =	vst v63  }
0xeb: {  	s14 =	smul.u32 $0xA, s18;
	_ =	swait.ge [sflag:s21], $0xA00  }
0xec: {  	[sflag:s21] =	ssyncset.done $0x0  }
0xed: {  	s15 =	sadd.s32 s5, s14;
	[sflag:s21] =	ssyncadd.s32 $0xFFFFF600  }
0xee: {  	[tilespmem:s3], [sflag:$0x1] =	stream.linear.gather [hbm4b:s15+s3], $0x50, $0x38;
	[tilespmem:$0x11940] =	vst v63  }
0xef: {  	s14 =	sadd.s32 s6, s14;
	s13 =	smul.u32 $0xA0, s18  }
0xf0: {  	[tilespmem:s22], [sflag:$0x1] =	stream.linear.gather [hbm4b:s14+s3], $0x50, $0x38;
	[tilespmem:$0x11940] =	vst v63  }
0xf1: {  	s13 =	sadd.s32 s7, s13  }
0xf2: {  	[tilespmem:s23], [sflag:$0x1] =	stream.linear.gather [hbm4b:s13+s3], $0x500, $0x38;
	[tilespmem:$0x11940] =	vst v63  }
0xf3: {  	_ =	swait.ge [sflag:s24], $0x50  }
0xf4: {  	[sflag:s24] =	ssyncset.done $0x0  }
0xf5: {  	[sflag:s24] =	ssyncadd.s32 $0xFFFFFFB0  }
0xf6: {  	_ =	swait.ge [sflag:s24], $0x50  }
0xf7: {  	[sflag:s24] =	ssyncset.done $0x0  }
0xf8: {  	[sflag:s24] =	ssyncadd.s32 $0xFFFFFFB0  }
0xf9: {  	_ =	swait.ge [sflag:s24], $0x500  }
0xfa: {  	[sflag:s24] =	ssyncset.done $0x0  }
0xfb: {  	[sflag:s24] =	ssyncadd.s32 $0xFFFFFB00  }
0xfc: {  	[tilespmem:s26], [sflag:$0x3] =	stream.indirect.gather [hbm4b:s4+s25], $0x120, s3, s25, $0xb8;
	[tilespmem:$0x11940] =	vst v63  }
0xfd: {  	_ =	swait.ge [sflag:s8], $0x5A00  }
0xfe: {  	[sflag:s8] =	ssyncset.done $0x0  }
0xff: {  	s19 =	simm.s32 $0x670;
	[sflag:s8] =	ssyncadd.s32 $0xFFFFA600  }
0x100: {  	v0 =	vld [tilespmem:s19+$0x0]  }
0x101: {  	v1 =	vld [tilespmem:s19+$0xFFFFFFE0]  }
0x102: {  	v2 =	vld [tilespmem:s19+$0xFFFFFFF0]  }
0x103: {  	s13 =	simm.s32 $0x69B0;
	v10 =	vld [tilespmem:s19+$0xFFFFFFD0]  }
0x104: {  	v11 =	vld [tilespmem:s13+$0xFFFFFF00]  }
0x105: {  	v12 =	vld [tilespmem:s13+$0x0]  }
0x106: {  	v13 =	vld [tilespmem:s13+$0xFFFFFF20]  }
0x107: {  	v14 =	vld [tilespmem:s13+$0xFFFFFB90]  }
0x108: {  	v15 =	vld [tilespmem:s13+$0xFFFFFF40]  }
0x109: {  	v16 =	vld [tilespmem:s13+$0xFFFFFBA0]  }
0x10a: {  	v17 =	vld [tilespmem:s13+$0xFFFFFF60]  }
0x10b: {  	v18 =	vld [tilespmem:s13+$0xFFFFFCB0]  }
0x10c: {  	v19 =	vld [tilespmem:s13+$0xFFFFFF80]  }
0x10d: {  	v20 =	vld [tilespmem:s13+$0xFFFFFCC0]  }
0x10e: {  	v21 =	vld [tilespmem:s13+$0xFFFFFFA0]  }
0x10f: {  	v22 =	vld [tilespmem:s13+$0xFFFFFDD0];
	v24 =	vperm.xlane v0, v58  }
0x110: {  	v23 =	vld [tilespmem:s13+$0xFFFFFFC0];
	v0 =	vperm.xlane v0, v59;
	v26 =	vperm.xlane v1, v58  }
0x111: {  	v25 =	vld [tilespmem:s13+$0xFFFFFDE0];
	v1 =	vperm.xlane v1, v59;
	v28 =	vperm.xlane v2, v58  }
0x112: {  	v27 =	vld [tilespmem:s13+$0xFFFFFFE0];
	v2 =	vperm.xlane v2, v59;
	v29 =	vperm.xlane v10, v58  }
0x113: {  	v30 =	vld [tilespmem:s13+$0xFFFFFCA0];
	v31 =	vperm.xlane v10, v59;
	v0 =	vpack.i.f32.bf16 v0, v24;
	v1 =	vpack.i.f32.bf16 v1, v26  }
0x114: {  	v33 =	vld [tilespmem:s13+$0xFFFFFBB0];
	v10 =	vpack.i.f32.bf16 v2, v28;
	v26 =	vperm.xlane.b16 v0, v57;
	v32 =	vperm.xlane.b16 v1, v57  }
0x115: {  	v36 =	vld [tilespmem:s13+$0xFFFFFFB0];
	v29 =	vpack.i.f32.bf16 v31, v29;
	v34 =	vperm.xlane.b16 v1, v3;
	v35 =	vperm.xlane.b16 v10, v57  }
0x116: {  	v37 =	vld [tilespmem:s13+$0xFFFFFF90];
	v63 =	vperm.xlane.b16 v0, v4;
	v38 =	vperm.xlane.b16 v29, v3  }
0x117: {  	v39 =	vld [tilespmem:s13+$0xFFFFFF70];
	v40 =	vperm.xlane.b16 v0, v5;
	v44 =	vperm.xlane.b16 v0, v7  }
0x118: {  	v41 =	vld [tilespmem:s13+$0xFFFFFF50];
	v46 =	vperm.xlane.b16 v0, v8;
	v50 =	vperm.xlane.b16 v29, v5  }
0x119: {  	v45 =	vld [tilespmem:s13+$0xFFFFFEF0];
	v52 =	vperm.xlane.b16 v10, v5;
	v2 =	vmul.bf16 v26, v11  }
0x11a: {  	v43 =	vld [tilespmem:s13+$0xFFFFFF10];
	v11 =	vperm.xlane.b16 v0, v3;
	v15 =	vmul.bf16 v63, v15  }
0x11b: {  	v42 =	vld [tilespmem:s13+$0xFFFFFFF0];
	v20 =	vmul.bf16 v32, v20;
	v21 =	vmul.bf16 v44, v21  }
0x11c: {  	v47 =	vld [tilespmem:s13+$0xFFFFFDB0];
	v22 =	vmul.bf16 v35, v22;
	v23 =	vmul.bf16 v46, v23  }
0x11d: {  	v48 =	vld [tilespmem:s13+$0xFFFFFDC0];
	v61 =	vmul.bf16 v38, v33;
	v33 =	vmul.bf16 v44, v37  }
0x11e: {  	v49 =	vld [tilespmem:s13+$0xFFFFFCD0];
	v26 =	vmul.bf16 v26, v45;
	v13 =	vmul.bf16 v11, v13  }
0x11f: {  	v56 =	vld [tilespmem:s13+$0xFFFFFCE0];
	v2 =	vadd.bf16 v2, v12;
	v12 =	vperm.xlane.b16 v29, v57;
	v11 =	vmul.bf16 v11, v43  }
0x120: {  	v51 =	vld [tilespmem:s13+$0xFFFFFED0];
	v43 =	vperm.xlane.b16 v29, v7;
	v26 =	vadd.bf16 v26, v42;
	v42 =	vperm.xlane.b16 v1, v7  }
0x121: {  	v24 =	vld [tilespmem:s13+$0xFFFFFC90];
	v2 =	vadd.bf16 v13, v2;
	v13 =	vmul.bf16 v12, v14;
	v12 =	vmul.bf16 v12, v16  }
0x122: {  	v60 =	vld [tilespmem:s13+$0xFFFFFDF0];
	v16 =	vmul.bf16 v40, v17;
	v17 =	vperm.xlane.b16 v0, v6  }
0x123: {  	v28 =	vld [tilespmem:s13+$0xFFFFFFD0];
	v0 =	vperm.xlane.b16 v0, v9;
	v40 =	vmul.bf16 v40, v41;
	v11 =	vadd.bf16 v11, v26  }
0x124: {  	v55 =	vld [tilespmem:s13+$0xFFFFFBF0];
	v26 =	vperm.xlane.b16 v10, v7;
	v2 =	vadd.bf16 v15, v2;
	v15 =	vmul.bf16 v32, v18  }
0x125: {  	v62 =	vld [tilespmem:s13+$0xFFFFFE00];
	v18 =	vperm.xlane.b16 v10, v3;
	v19 =	vmul.bf16 v17, v19  }
0x126: {  	v32 =	vld [tilespmem:s13+$0xFFFFFBC0];
	v27 =	vmul.bf16 v0, v27;
	v13 =	vadd.bf16 v13, v24;
	v24 =	vperm.xlane.b16 v29, v6  }
0x127: {  	v14 =	vld [tilespmem:s13+$0xFFFFFF30];
	v17 =	vmul.bf16 v17, v39;
	v12 =	vadd.bf16 v12, v30;
	v30 =	vmul.bf16 v46, v36  }
0x128: {  	v53 =	vld [tilespmem:s13+$0xFFFFFEE0];
	v36 =	vperm.xlane.b16 v10, v6;
	v0 =	vmul.bf16 v0, v28;
	v2 =	vadd.bf16 v16, v2  }
0x129: {  	v54 =	vld [tilespmem:s13+$0xFFFFFE20];
	v28 =	vmul.bf16 v50, v55;
	v16 =	vperm.xlane.b16 v29, v4;
	v15 =	vadd.bf16 v15, v47  }
0x12a: {  	v31 =	vld [tilespmem:s13+$0xFFFFFBE0];
	v47 =	vperm.xlane.b16 v29, v8;
	v39 =	vmul.bf16 v18, v60;
	v2 =	vadd.bf16 v19, v2  }
0x12b: {  	v44 =	vld [tilespmem:s13+$0xFFFFFCF0];
	v13 =	vadd.bf16 v61, v13;
	v18 =	vmul.bf16 v18, v62;
	v32 =	vmul.bf16 v38, v32  }
0x12c: {  	v45 =	vld [tilespmem:s13+$0xFFFFFE10];
	v14 =	vmul.bf16 v63, v14;
	v19 =	vperm.xlane.b16 v1, v4;
	v2 =	vadd.bf16 v21, v2  }
0x12d: {  	v41 =	vld [tilespmem:s13+$0xFFFFFBD0];
	v21 =	vmul.bf16 v35, v25;
	v25 =	vperm.xlane.b16 v10, v4;
	v32 =	vadd.bf16 v32, v12  }
0x12e: {  	v60 =	vld [tilespmem:s13+$0xFFFFFE30];
	v12 =	vadd.bf16 v20, v48;
	v20 =	vmul.bf16 v34, v49;
	v34 =	vmul.bf16 v34, v56  }
0x12f: {  	v62 =	vld [tilespmem:s13+$0xFFFFFE40];
	v48 =	vperm.xlane.b16 v1, v8;
	v2 =	vadd.bf16 v23, v2;
	v21 =	vadd.bf16 v21, v53  }
0x130: {  	v38 =	vld [tilespmem:s13+$0xFFFFFD00];
	v49 =	vperm.xlane.b16 v10, v8;
	v15 =	vadd.bf16 v20, v15;
	v20 =	vadd.bf16 v22, v51  }
0x131: {  	v56 =	vld [tilespmem:s13+$0xFFFFFC00];
	v23 =	vperm.xlane.b16 v1, v5;
	v34 =	vadd.bf16 v34, v12;
	v12 =	vadd.bf16 v14, v11  }
0x132: {  	v45 =	vmul.bf16 v25, v45;
	v53 =	vld [tilespmem:s13+$0xFFFFFE60];
	v2 =	vadd.bf16 v27, v2;
	v27 =	vperm.xlane.b16 v1, v6  }
0x133: {  	v14 =	vld [tilespmem:s13+$0xFFFFFD20];
	v61 =	vadd.bf16 v40, v12;
	v20 =	vadd.bf16 v39, v20;
	v12 =	vperm.xlane.b16 v1, v9  }
0x134: {  	v22 =	vld [tilespmem:s13+$0xFFFFFD10];
	v1 =	vadd.bf16 v18, v21;
	v63 =	vunpack.i.u.bf16.f32 v2;
	v2 =	vunpack.i.l.bf16.f32 v2  }
0x135: {  	v51 =	vld [tilespmem:s13+$0xFFFFFD40];
	v21 =	vmul.bf16 v19, v44;
	v19 =	vmul.bf16 v19, v38;
	v2 =	vadd.f32 v2, v63  }
0x136: {  	v18 =	vld [tilespmem:s13+$0xFFFFFC20];
	v63 =	vmul.bf16 v16, v41;
	v16 =	vmul.bf16 v16, v31;
	v17 =	vadd.bf16 v17, v61  }
0x137: {  	v44 =	vld [tilespmem:s13+$0xFFFFFD30];
	v15 =	vadd.bf16 v21, v15;
	v19 =	vadd.bf16 v19, v34;
	v21 =	vmul.bf16 v25, v54  }
0x138: {  	v41 =	vld [tilespmem:s13+$0xFFFFFC10];
	v20 =	vadd.bf16 v45, v20;
	v14 =	vmul.bf16 v23, v14;
	v13 =	vadd.bf16 v63, v13  }
0x139: {  	v25 =	vld [tilespmem:s13+$0xFFFFFE50];
	v54 =	vmul.bf16 v50, v56;
	v16 =	vadd.bf16 v16, v32;
	v17 =	vadd.bf16 v33, v17  }
0x13a: {  	v56 =	vld [tilespmem:s13+$0xFFFFFD60];
	v1 =	vadd.bf16 v21, v1;
	v21 =	vmul.bf16 v23, v22;
	v14 =	vadd.bf16 v14, v19  }
0x13b: {  	v22 =	vld [tilespmem:s13+$0xFFFFFC30];
	v19 =	vmul.bf16 v52, v62;
	v18 =	vmul.bf16 v24, v18;
	v17 =	vadd.bf16 v30, v17  }
0x13c: {  	v23 =	vld [tilespmem:s13+$0xFFFFFD50];
	v13 =	vadd.bf16 v28, v13;
	v15 =	vadd.bf16 v21, v15;
	v21 =	vmul.bf16 v52, v60  }
0x13d: {  	v16 =	vadd.bf16 v54, v16;
	v60 =	vld [tilespmem:s13+$0xFFFFFE80];
	v31 =	vmul.bf16 v24, v41;
	v24 =	vmul.bf16 v27, v44  }
0x13e: {  	v1 =	vadd.bf16 v19, v1;
	v19 =	vmul.bf16 v27, v51;
	v27 =	vld [tilespmem:s13+$0xFFFFFC50];
	v0 =	vadd.bf16 v0, v17  }
0x13f: {  	v10 =	vperm.xlane.b16 v10, v9;
	v17 =	vld [tilespmem:s13+$0xFFFFFC40];
	v20 =	vadd.bf16 v21, v20;
	v16 =	vadd.bf16 v18, v16  }
0x140: {  	v21 =	vld [tilespmem:s13+$0xFFFFFE70];
	v18 =	vmul.bf16 v36, v25;
	v13 =	vadd.bf16 v31, v13;
	v15 =	vadd.bf16 v24, v15  }
0x141: {  	v25 =	vld [tilespmem:s13+$0xFFFFFD70];
	v14 =	vadd.bf16 v19, v14;
	v19 =	vmul.bf16 v36, v53;
	v22 =	vmul.bf16 v43, v22  }
0x142: {  	v24 =	vld [tilespmem:s13+$0xFFFFFC60];
	v55 =	vunpack.i.u.bf16.f32 v0;
	v0 =	vunpack.i.l.bf16.f32 v0;
	v18 =	vadd.bf16 v18, v20  }
0x143: {  	v20 =	vmul.bf16 v42, v23;
	v23 =	vld [tilespmem:s13+$0xFFFFFD80];
	v22 =	vadd.bf16 v22, v13;
	v13 =	vmul.bf16 v42, v56  }
0x144: {  	v61 =	vld [tilespmem:s13+$0xFFFFFE90];
	v0 =	vadd.f32 v0, v55;
	v1 =	vadd.bf16 v19, v1;
	v17 =	vmul.bf16 v43, v17  }
0x145: {  	v63 =	vld [tilespmem:s13+$0xFFFFFEA0];
	v62 =	vadd.bf16 v20, v15;
	v15 =	vmul.bf16 v26, v21;
	v14 =	vadd.bf16 v13, v14  }
0x146: {  	v20 =	vld [tilespmem:s13+$0xFFFFFC70];
	v16 =	vadd.bf16 v17, v16;
	v17 =	vmul.bf16 v26, v60;
	v26 =	vmul.bf16 v47, v27  }
0x147: {  	v21 =	vld [tilespmem:s13+$0xFFFFFC80];
	v13 =	vadd.bf16 v15, v18;
	v18 =	vmul.bf16 v47, v24;
	v24 =	vmul.bf16 v48, v25  }
0x148: {  	s15 =	simm.s32 $0xBF80;
	v19 =	vadd.bf16 v17, v1;
	v15 =	vadd.bf16 v26, v22;
	v1 =	vmul.bf16 v48, v23;
	v22 =	vld [tilespmem:s13+$0xFFFFFD90]  }
0x149: {  	v11 =	vperm.xlane.b16 v29, v9;
	[tilespmem:s15+$0x30] =	vst v2;
	v25 =	vmul.bf16 v49, v61;
	v17 =	vadd.bf16 v18, v16;
	v23 =	vld [tilespmem:s13+$0xFFFFFDA0]  }
0x14a: {  	s18 =	simm.s32 $0x0;
	s14 =	simm.s32 $0xBF80;
	s19 =	simm.s32 $0x6B0;
	[tilespmem:s15+$0x20] =	vst v0;
	v18 =	vadd.bf16 v24, v62;
	v24 =	vmul.bf16 v49, v63;
	v16 =	vadd.bf16 v1, v14;
	v14 =	vld [tilespmem:s13+$0xFFFFFEB0]  }
.LBB2_5:
0x14b: {  	v0 =	vld [tilespmem:s19+$0x0]  }
0x14c: {  	v2 =	vadd.bf16 v25, v13;
	v13 =	vadd.bf16 v24, v19;
	v19 =	vld [tilespmem:s13+$0xFFFFFEC0];
	s13 =	sadd.s32 $0x480, s13  }
0x14d: {  	v24 =	vld [tilespmem:s13+$0x0]  }
0x14e: {  	v26 =	vld [tilespmem:s13+$0xFFFFFB90]  }
0x14f: {  	v27 =	vld [tilespmem:s13+$0xFFFFFF60]  }
0x150: {  	v29 =	vld [tilespmem:s13+$0xFFFFFCB0]  }
0x151: {  	v31 =	vld [tilespmem:s13+$0xFFFFFF80]  }
0x152: {  	v33 =	vld [tilespmem:s13+$0xFFFFFCC0]  }
0x153: {  	v48 =	vld [tilespmem:s13+$0xFFFFFCA0]  }
0x154: {  	v52 =	vld [tilespmem:s13+$0xFFFFFFD0]  }
0x155: {  	v54 =	vld [tilespmem:s13+$0xFFFFFFB0]  }
0x156: {  	v55 =	vld [tilespmem:s13+$0xFFFFFF90];
	v1 =	vmul.bf16 v11, v20;
	v11 =	vmul.bf16 v11, v21  }
0x157: {  	v20 =	vld [tilespmem:s19+$0xFFFFFFE0];
	v14 =	vmul.bf16 v10, v14  }
0x158: {  	v21 =	vld [tilespmem:s19+$0xFFFFFFF0];
	v1 =	vadd.bf16 v1, v15;
	v15 =	vmul.bf16 v12, v22;
	v17 =	vadd.bf16 v11, v17  }
0x159: {  	v56 =	vld [tilespmem:s13+$0xFFFFFF70];
	v12 =	vmul.bf16 v12, v23;
	v2 =	vadd.bf16 v14, v2;
	v19 =	vmul.bf16 v10, v19  }
0x15a: {  	v22 =	vld [tilespmem:s19+$0xFFFFFFD0];
	v11 =	vunpack.i.u.bf16.f32 v1;
	v15 =	vadd.bf16 v15, v18;
	v18 =	vperm.xlane v0, v58  }
0x15b: {  	v61 =	vld [tilespmem:s13+$0xFFFFFFF0];
	v0 =	vperm.xlane v0, v59;
	v16 =	vadd.bf16 v12, v16;
	v1 =	vunpack.i.l.bf16.f32 v1  }
0x15c: {  	v62 =	vld [tilespmem:s13+$0xFFFFFF10];
	v38 =	vunpack.i.u.bf16.f32 v17;
	v40 =	vunpack.i.l.bf16.f32 v17;
	v12 =	vperm.xlane v20, v58  }
0x15d: {  	v63 =	vld [tilespmem:s13+$0xFFFFFEF0];
	v13 =	vadd.bf16 v19, v13;
	v20 =	vperm.xlane v20, v59;
	v14 =	vperm.xlane v21, v58  }
0x15e: {  	v23 =	vld [tilespmem:s13+$0xFFFFFF00];
	v21 =	vperm.xlane v21, v59;
	v1 =	vadd.f32 v1, v11;
	v11 =	vadd.f32 v40, v38  }
0x15f: {  	v17 =	vld [tilespmem:s13+$0xFFFFFDD0];
	v0 =	vpack.i.f32.bf16 v0, v18;
	v43 =	vunpack.i.u.bf16.f32 v15;
	v25 =	vperm.xlane v22, v58  }
0x160: {  	v38 =	vld [tilespmem:s13+$0xFFFFFDB0];
	v12 =	vpack.i.f32.bf16 v20, v12;
	v30 =	vperm.xlane.b16 v0, v57;
	v20 =	vperm.xlane v22, v59  }
0x161: {  	v40 =	vld [tilespmem:s13+$0xFFFFFDC0];
	v46 =	vunpack.i.l.bf16.f32 v15;
	v34 =	vperm.xlane.b16 v0, v3;
	v36 =	vperm.xlane.b16 v0, v4  }
0x162: {  	v18 =	vld [tilespmem:s13+$0xFFFFFF20];
	v50 =	vunpack.i.u.bf16.f32 v16;
	v39 =	vperm.xlane.b16 v0, v5;
	v41 =	vperm.xlane.b16 v0, v6  }
0x163: {  	v15 =	vld [tilespmem:s13+$0xFFFFFC90];
	v53 =	vunpack.i.l.bf16.f32 v16;
	v44 =	vperm.xlane.b16 v0, v7;
	v47 =	vperm.xlane.b16 v0, v8  }
0x164: {  	v28 =	vpack.i.f32.bf16 v21, v14;
	v14 =	vld [tilespmem:s13+$0xFFFFFF40];
	v0 =	vperm.xlane.b16 v0, v9;
	v22 =	vperm.xlane.b16 v12, v57  }
0x165: {  	v21 =	vld [tilespmem:s13+$0xFFFFFBA0];
	v58 =	vunpack.i.u.bf16.f32 v2;
	v32 =	vperm.xlane.b16 v28, v3;
	v23 =	vmul.bf16 v30, v23  }
0x166: {  	v59 =	vld [tilespmem:s13+$0xFFFFFF30];
	v35 =	vpack.i.f32.bf16 v20, v25;
	v20 =	vperm.xlane.b16 v28, v57;
	v30 =	vmul.bf16 v30, v63  }
0x167: {  	v63 =	vld [tilespmem:s13+$0xFFFFFED0];
	v42 =	vmul.bf16 v22, v29;
	v23 =	vadd.bf16 v23, v24;
	v18 =	vmul.bf16 v34, v18  }
0x168: {  	v2 =	vunpack.i.l.bf16.f32 v2;
	v45 =	vmul.bf16 v22, v33;
	v22 =	vld [tilespmem:s13+$0xFFFFFFE0];
	v24 =	vperm.xlane.b16 v35, v57  }
0x169: {  	v49 =	vmul.bf16 v20, v17;
	v17 =	vld [tilespmem:s13+$0xFFFFFBB0];
	v14 =	vmul.bf16 v36, v14;
	v18 =	vadd.bf16 v18, v23  }
0x16a: {  	v53 =	vadd.f32 v53, v50;
	v25 =	vperm.xlane.b16 v12, v3;
	v57 =	vld [tilespmem:s13+$0xFFFFFF50];
	v23 =	vmul.bf16 v24, v26  }
0x16b: {  	v21 =	vmul.bf16 v24, v21;
	v24 =	vld [tilespmem:s13+$0xFFFFFFA0];
	v14 =	vadd.bf16 v14, v18;
	v18 =	vmul.bf16 v39, v27  }
0x16c: {  	v34 =	vmul.bf16 v34, v62;
	v30 =	vadd.bf16 v30, v61;
	v36 =	vmul.bf16 v36, v59;
	v59 =	vld [tilespmem:$0x1FFF0]  }
0x16d: {  	v37 =	vperm.xlane.b16 v35, v3;
	v26 =	vld [tilespmem:s13+$0xFFFFFFC0];
	v14 =	vadd.bf16 v18, v14;
	v18 =	vmul.bf16 v41, v31  }
0x16e: {  	v29 =	vperm.xlane.b16 v35, v4;
	v33 =	vperm.xlane.b16 v28, v4;
	v30 =	vadd.bf16 v34, v30;
	v27 =	vld [tilespmem:s13+$0xFFFFFDE0]  }
0x16f: {  	v16 =	vmul.bf16 v0, v22;
	v39 =	vmul.bf16 v39, v57;
	v57 =	vld [tilespmem:$0x1FFD0];
	v14 =	vadd.bf16 v18, v14  }
0x170: {  	v18 =	vmul.bf16 v44, v24;
	v44 =	vmul.bf16 v44, v55;
	v55 =	vld [tilespmem:s13+$0xFFFFFBC0];
	[tilespmem:s14+$0xFFFFFFC0] =	vst v1;
	v1 =	vadd.f32 v46, v43  }
0x171: {  	v15 =	vadd.bf16 v23, v15;
	v23 =	vperm.xlane.b16 v35, v6;
	v43 =	vmul.bf16 v47, v54;
	[tilespmem:s14+$0xFFFFFFD0] =	vst v11;
	v54 =	vld [tilespmem:s13+$0xFFFFFCD0]  }
0x172: {  	v48 =	vadd.bf16 v21, v48;
	v22 =	vperm.xlane.b16 v12, v6;
	v21 =	vperm.xlane.b16 v28, v6;
	v19 =	vld [tilespmem:s13+$0xFFFFFBD0];
	[tilespmem:s14+$0xFFFFFFE0] =	vst v1  }
0x173: {  	v0 =	vmul.bf16 v0, v52;
	v30 =	vadd.bf16 v36, v30;
	v1 =	vadd.f32 v2, v58;
	v2 =	vld [tilespmem:s13+$0xFFFFFCE0]  }
0x174: {  	v31 =	vperm.xlane.b16 v12, v4;
	v41 =	vmul.bf16 v41, v56;
	v46 =	vld [tilespmem:s13+$0xFFFFFC00];
	[tilespmem:s14+$0xFFFFFFF0] =	vst v53  }
0x175: {  	v30 =	vadd.bf16 v39, v30;
	v14 =	vadd.bf16 v18, v14;
	v18 =	vmul.bf16 v47, v26;
	v56 =	vld [tilespmem:s13+$0xFFFFFCF0]  }
0x176: {  	v24 =	vperm.xlane.b16 v28, v5;
	v51 =	vmul.bf16 v20, v27;
	[tilespmem:s14+$0x0] =	vst v1;
	v61 =	vld [tilespmem:s13+$0xFFFFFD00]  }
0x177: {  	v27 =	vperm.xlane.b16 v35, v5;
	v30 =	vadd.bf16 v41, v30;
	v14 =	vadd.bf16 v18, v14;
	v47 =	vld [tilespmem:s13+$0xFFFFFEE0]  }
0x178: {  	v40 =	vadd.bf16 v45, v40;
	v52 =	vmul.bf16 v25, v54;
	v2 =	vmul.bf16 v25, v2;
	v25 =	vld [tilespmem:s13+$0xFFFFFBE0]  }
0x179: {  	v30 =	vadd.bf16 v44, v30;
	v50 =	vld [tilespmem:s13+$0xFFFFFDF0];
	v14 =	vadd.bf16 v16, v14;
	v16 =	vmul.bf16 v37, v17  }
0x17a: {  	v53 =	vld [tilespmem:s13+$0xFFFFFE00];
	v37 =	vmul.bf16 v37, v55;
	v55 =	vunpack.i.u.bf16.f32 v13;
	v13 =	vunpack.i.l.bf16.f32 v13  }
0x17b: {  	v20 =	vperm.xlane.b16 v35, v7;
	v1 =	vadd.bf16 v42, v38;
	v62 =	vld [tilespmem:s13+$0xFFFFFE10];
	v13 =	vadd.f32 v13, v55  }
0x17c: {  	v26 =	vperm.xlane.b16 v12, v5;
	v54 =	vadd.bf16 v49, v63;
	v63 =	vld [tilespmem:s13+$0xFFFFFE20];
	v30 =	vadd.bf16 v43, v30  }
0x17d: {  	v19 =	vmul.bf16 v29, v19;
	v1 =	vadd.bf16 v52, v1;
	[tilespmem:s14+$0x10] =	vst v13;
	v13 =	vmul.bf16 v29, v25;
	v25 =	vld [tilespmem:s13+$0xFFFFFBF0]  }
0x17e: {  	v58 =	vld [tilespmem:$0x1FFE0];
	v0 =	vadd.bf16 v0, v30;
	v17 =	vunpack.i.u.bf16.f32 v14;
	v14 =	vunpack.i.l.bf16.f32 v14  }
0x17f: {  	v49 =	vld [tilespmem:s13+$0xFFFFFD20];
	v60 =	vadd.bf16 v16, v15;
	v15 =	vperm.xlane.b16 v28, v7;
	v37 =	vadd.bf16 v37, v48  }
0x180: {  	v55 =	vld [tilespmem:s13+$0xFFFFFD40];
	v14 =	vadd.f32 v14, v17;
	v2 =	vadd.bf16 v2, v40;
	v42 =	vmul.bf16 v32, v50  }
0x181: {  	v48 =	vld [tilespmem:s13+$0xFFFFFD10];
	v38 =	vadd.bf16 v51, v47;
	v32 =	vmul.bf16 v32, v53;
	v47 =	vmul.bf16 v31, v56  }
0x182: {  	s15 =	sadd.s32 $0x80, s15;
	v19 =	vadd.bf16 v19, v60;
	v31 =	vmul.bf16 v31, v61;
	v51 =	vld [tilespmem:s13+$0xFFFFFE30];
	v25 =	vmul.bf16 v27, v25  }
0x183: {  	v53 =	vld [tilespmem:s13+$0xFFFFFC10];
	v60 =	vunpack.i.u.bf16.f32 v0;
	[tilespmem:s15+$0x30] =	vst v14;
	v14 =	vperm.xlane.b16 v28, v8;
	v28 =	vperm.xlane.b16 v28, v9  }
0x184: {  	v13 =	vadd.bf16 v13, v37;
	v27 =	vmul.bf16 v27, v46;
	v19 =	vadd.bf16 v25, v19;
	v25 =	vld [tilespmem:s13+$0xFFFFFC20]  }
0x185: {  	v52 =	vld [tilespmem:s13+$0xFFFFFE40];
	v0 =	vunpack.i.l.bf16.f32 v0;
	v2 =	vadd.bf16 v31, v2;
	v10 =	vmovc v28;
	v28 =	vadd.bf16 v42, v54  }
0x186: {  	v54 =	vmul.bf16 v26, v48;
	v26 =	vmul.bf16 v26, v49;
	v13 =	vadd.bf16 v27, v13;
	v27 =	vld [tilespmem:s13+$0xFFFFFD30]  }
0x187: {  	v34 =	vmul.bf16 v33, v62;
	v61 =	vld [tilespmem:s13+$0xFFFFFE60];
	v0 =	vadd.f32 v0, v60;
	v1 =	vadd.bf16 v47, v1  }
0x188: {  	v50 =	vmul.bf16 v33, v63;
	v42 =	vadd.bf16 v32, v38;
	v2 =	vadd.bf16 v26, v2;
	v26 =	vld [tilespmem:s13+$0xFFFFFE50]  }
0x189: {  	v28 =	vadd.bf16 v34, v28;
	v32 =	vmul.bf16 v23, v53;
	v23 =	vmul.bf16 v23, v25;
	v25 =	vld [tilespmem:s13+$0xFFFFFC30]  }
0x18a: {  	v62 =	vld [tilespmem:s13+$0xFFFFFC40];
	v29 =	vadd.bf16 v50, v42;
	v56 =	vmul.bf16 v24, v51;
	v24 =	vmul.bf16 v24, v52  }
0x18b: {  	[tilespmem:s15+$0x20] =	vst v0;
	v27 =	vmul.bf16 v22, v27;
	v0 =	vadd.bf16 v23, v13;
	v13 =	vmul.bf16 v22, v55;
	v22 =	vld [tilespmem:s13+$0xFFFFFD50]  }
0x18c: {  	v18 =	vperm.xlane.b16 v12, v7;
	v1 =	vadd.bf16 v54, v1;
	v24 =	vadd.bf16 v24, v29;
	v23 =	vld [tilespmem:s13+$0xFFFFFD60]  }
0x18d: {  	v26 =	vmul.bf16 v21, v26;
	v2 =	vadd.bf16 v13, v2;
	v13 =	vmul.bf16 v21, v61;
	v21 =	vld [tilespmem:s13+$0xFFFFFE70]  }
0x18e: {  	v19 =	vadd.bf16 v32, v19;
	v1 =	vadd.bf16 v27, v1;
	v27 =	vld [tilespmem:s13+$0xFFFFFE80];
	v25 =	vmul.bf16 v20, v25  }
0x18f: {  	v63 =	vld [tilespmem:s13+$0xFFFFFC50];
	v28 =	vadd.bf16 v56, v28  }
0x190: {  	v24 =	vadd.bf16 v13, v24;
	v25 =	vadd.bf16 v25, v19;
	v19 =	vld [tilespmem:s13+$0xFFFFFC60];
	v13 =	vmul.bf16 v18, v22  }
0x191: {  	v16 =	vperm.xlane.b16 v12, v8;
	v17 =	vperm.xlane.b16 v35, v8;
	v26 =	vadd.bf16 v26, v28;
	v22 =	vld [tilespmem:s13+$0xFFFFFD70]  }
0x192: {  	v18 =	vmul.bf16 v18, v23;
	v23 =	vld [tilespmem:s13+$0xFFFFFD80];
	v1 =	vadd.bf16 v13, v1;
	v13 =	vmul.bf16 v15, v21  }
0x193: {  	s18 =	sadd.s32 $0x4, s18;
	v20 =	vmul.bf16 v20, v62;
	v15 =	vmul.bf16 v15, v27;
	v27 =	vld [tilespmem:s13+$0xFFFFFE90]  }
0x194: {  	p0 =	slt.u32 s18, $0x4C;
	v2 =	vadd.bf16 v18, v2;
	v18 =	vmul.bf16 v17, v63;
	v13 =	vadd.bf16 v13, v26;
	v26 =	vld [tilespmem:s13+$0xFFFFFEA0]  }
.Ltmp1:
0x195: {  	v0 =	vadd.bf16 v20, v0;
	v20 =	vld [tilespmem:s13+$0xFFFFFC70];
	v17 =	vmul.bf16 v17, v19;
	(pc) =	sbr.rel @p0 .LBB2_5-.Ltmp1, $4  }
0x196: {  	v21 =	vld [tilespmem:s13+$0xFFFFFC80];
	v19 =	vadd.bf16 v15, v24;
	v15 =	vadd.bf16 v18, v25;
	v18 =	vmul.bf16 v16, v22  }
0x197: {  	v22 =	vld [tilespmem:s13+$0xFFFFFD90];
	v17 =	vadd.bf16 v17, v0;
	v0 =	vmul.bf16 v16, v23  }
0x198: {  	v11 =	vperm.xlane.b16 v35, v9;
	v12 =	vperm.xlane.b16 v12, v9;
	v18 =	vadd.bf16 v18, v1;
	v23 =	vld [tilespmem:s13+$0xFFFFFDA0]  }
0x199: {  	s19 =	sadd.s32 $0x40, s19;
	s14 =	smov.u32 s15;
	v25 =	vmul.bf16 v14, v27;
	v16 =	vadd.bf16 v0, v2;
	v24 =	vmul.bf16 v14, v26;
	v14 =	vld [tilespmem:s13+$0xFFFFFEB0]  }
0x19a: {  	_ = 	snop  }
0x19b: {  	v0 =	vmul.bf16 v11, v20  }
0x19c: {  	v56 =	vld [tilespmem:s13+$0xFFFFFEC0];
	v1 =	vadd.bf16 v25, v13;
	v2 =	vmul.bf16 v11, v21;
	v55 =	vmul.bf16 v12, v22  }
0x19d: {  	v11 =	vadd.bf16 v24, v19;
	v0 =	vadd.bf16 v0, v15;
	v60 =	vmul.bf16 v12, v23  }
0x19e: {  	v2 =	vadd.bf16 v2, v17;
	v14 =	vmul.bf16 v10, v14;
	v13 =	vadd.bf16 v55, v18  }
0x19f: {  	v15 =	vunpack.i.u.bf16.f32 v0;
	v0 =	vunpack.i.l.bf16.f32 v0;
	v12 =	vadd.bf16 v60, v16  }
0x1a0: {  	v61 =	vunpack.i.u.bf16.f32 v2;
	v2 =	vunpack.i.l.bf16.f32 v2;
	v0 =	vadd.f32 v0, v15  }
0x1a1: {  	v10 =	vmul.bf16 v10, v56;
	v1 =	vadd.bf16 v14, v1;
	v62 =	vunpack.i.u.bf16.f32 v13  }
0x1a2: {  	v13 =	vunpack.i.l.bf16.f32 v13;
	v2 =	vadd.f32 v2, v61;
	v63 =	vunpack.i.u.bf16.f32 v12  }
0x1a3: {  	v12 =	vunpack.i.l.bf16.f32 v12;
	[tilespmem:s14+$0xFFFFFFC0] =	vst v0;
	v0 =	vadd.f32 v13, v62;
	v10 =	vadd.bf16 v10, v11  }
0x1a4: {  	v11 =	vunpack.i.u.bf16.f32 v1;
	v1 =	vunpack.i.l.bf16.f32 v1;
	[tilespmem:s14+$0xFFFFFFD0] =	vst v2;
	v2 =	vadd.f32 v12, v63  }
0x1a5: {  	[tilespmem:s14+$0xFFFFFFE0] =	vst v0;
	v0 =	vadd.f32 v1, v11;
	v1 =	vunpack.i.u.bf16.f32 v10;
	v10 =	vunpack.i.l.bf16.f32 v10  }
0x1a6: {  	[tilespmem:s14+$0xFFFFFFF0] =	vst v2;
	v1 =	vadd.f32 v10, v1  }
0x1a7: {  	p0 =	seq.s32 s11, $0x3D;
	[tilespmem:s14+$0x0] =	vst v0  }
.Ltmp2:
0x1a8: {  	[tilespmem:s14+$0x10] =	vst v1;
	(pc) =	sbr.rel @p0 .LBB2_8-.Ltmp2, $4  }
0x1a9: {  	[spmem:s1] =	stream.indirect.scatter.add.f32 [tilespmem:s2], [sflag:$0x5], $0x20, s28, s25, $0xb8;
	[tilespmem:$0x11940] =	vst v63  }
0x1aa: {  	_ =	swait.ge [sflag:s21], $0xA00  }
0x1ab: {  	[sflag:s21] =	ssyncset.done $0x0  }
0x1ac: {  	[sflag:s21] =	ssyncadd.s32 $0xFFFFF600  }
0x1ad: {  	s12 =	sadd.s32 s12, s17  }
0x1ae: {  	s13 =	smul.u32 $0xA, s12;
	_ =	sdelay $0x1  }
0x1af: {  	s14 =	sadd.s32 s5, s13  }
0x1b0: {  	[tilespmem:s25], [sflag:$0x2] =	stream.linear.gather [hbm4b:s14+s3], $0x50, $0x38;
	[tilespmem:$0x11940] =	vst v63  }
.Ltmp3:
0x1b1: {  	_ = 	snop;
	(pc) =	sbr.rel .LBB2_2-.Ltmp3, $4  }
0x1b2: {  	s12 =	smul.u32 $0xA0, s12;
	s13 =	sadd.s32 s6, s13  }
0x1b3: {  	[tilespmem:s28], [sflag:$0x2] =	stream.linear.gather [hbm4b:s13+s3], $0x50, $0x38;
	[tilespmem:$0x11940] =	vst v63  }
0x1b4: {  	s11 =	sadd.s32 $0x1, s11;
	s12 =	sadd.s32 s7, s12  }
0x1b5: {  	[tilespmem:s29], [sflag:$0x2] =	stream.linear.gather [hbm4b:s12+s3], $0x500, $0x38;
	[tilespmem:$0x11940] =	vst v63  }
.LBB2_8:
0x1b6: {  	_ =	swait.ge [sflag:s0], $0x5A00  }
0x1b7: {  	[sflag:s0] =	ssyncset.done $0x0  }
0x1b8: {  	s12 =	simm.s32 $0x160;
	[sflag:s0] =	ssyncadd.s32 $0xFFFFA600  }
0x1b9: {  	v0 =	vld [tilespmem:s12+$0x10]  }
0x1ba: {  	v1 =	vld [tilespmem:s12+$0xFFFFFFF0]  }
0x1bb: {  	v2 =	vld [tilespmem:s12+$0x0]  }
0x1bc: {  	s11 =	simm.s32 $0xD80;
	v10 =	vld [tilespmem:s12+$0xFFFFFFE0]  }
0x1bd: {  	v11 =	vld [tilespmem:s11+$0x130]  }
0x1be: {  	v12 =	vld [tilespmem:s11+$0x230]  }
0x1bf: {  	v13 =	vld [tilespmem:s11+$0x150]  }
0x1c0: {  	v14 =	vld [tilespmem:s11+$0xFFFFFDC0]  }
0x1c1: {  	v15 =	vld [tilespmem:s11+$0x170]  }
0x1c2: {  	v16 =	vld [tilespmem:s11+$0xFFFFFDD0]  }
0x1c3: {  	v17 =	vld [tilespmem:s11+$0x190]  }
0x1c4: {  	v18 =	vld [tilespmem:s11+$0xFFFFFEE0]  }
0x1c5: {  	v19 =	vld [tilespmem:s11+$0x1B0]  }
0x1c6: {  	v20 =	vld [tilespmem:s11+$0xFFFFFEF0]  }
0x1c7: {  	v21 =	vld [tilespmem:s11+$0x1D0]  }
0x1c8: {  	v22 =	vld [tilespmem:s11+$0x0];
	v24 =	vperm.xlane v0, v58  }
0x1c9: {  	v23 =	vld [tilespmem:s11+$0x1F0];
	v0 =	vperm.xlane v0, v59;
	v26 =	vperm.xlane v1, v58  }
0x1ca: {  	v25 =	vld [tilespmem:s11+$0x10];
	v1 =	vperm.xlane v1, v59;
	v28 =	vperm.xlane v2, v58  }
0x1cb: {  	v27 =	vld [tilespmem:s11+$0x210];
	v2 =	vperm.xlane v2, v59;
	v29 =	vperm.xlane v10, v58  }
0x1cc: {  	v30 =	vld [tilespmem:s11+$0xFFFFFED0];
	v31 =	vperm.xlane v10, v59;
	v0 =	vpack.i.f32.bf16 v0, v24;
	v1 =	vpack.i.f32.bf16 v1, v26  }
0x1cd: {  	v33 =	vld [tilespmem:s11+$0xFFFFFDE0];
	v10 =	vpack.i.f32.bf16 v2, v28;
	v26 =	vperm.xlane.b16 v0, v57;
	v32 =	vperm.xlane.b16 v1, v57  }
0x1ce: {  	v36 =	vld [tilespmem:s11+$0x1E0];
	v29 =	vpack.i.f32.bf16 v31, v29;
	v34 =	vperm.xlane.b16 v1, v3;
	v35 =	vperm.xlane.b16 v10, v57  }
0x1cf: {  	v37 =	vld [tilespmem:s11+$0x1C0];
	v63 =	vperm.xlane.b16 v0, v4;
	v38 =	vperm.xlane.b16 v29, v3  }
0x1d0: {  	v39 =	vld [tilespmem:s11+$0x1A0];
	v40 =	vperm.xlane.b16 v0, v5;
	v44 =	vperm.xlane.b16 v0, v7  }
0x1d1: {  	v41 =	vld [tilespmem:s11+$0x180];
	v46 =	vperm.xlane.b16 v0, v8;
	v50 =	vperm.xlane.b16 v29, v5  }
0x1d2: {  	v45 =	vld [tilespmem:s11+$0x120];
	v52 =	vperm.xlane.b16 v10, v5;
	v2 =	vmul.bf16 v26, v11  }
0x1d3: {  	v43 =	vld [tilespmem:s11+$0x140];
	v11 =	vperm.xlane.b16 v0, v3;
	v15 =	vmul.bf16 v63, v15  }
0x1d4: {  	v42 =	vld [tilespmem:s11+$0x220];
	v20 =	vmul.bf16 v32, v20;
	v21 =	vmul.bf16 v44, v21  }
0x1d5: {  	v47 =	vld [tilespmem:s11+$0xFFFFFFE0];
	v22 =	vmul.bf16 v35, v22;
	v23 =	vmul.bf16 v46, v23  }
0x1d6: {  	v48 =	vld [tilespmem:s11+$0xFFFFFFF0];
	v61 =	vmul.bf16 v38, v33;
	v33 =	vmul.bf16 v44, v37  }
0x1d7: {  	v49 =	vld [tilespmem:s11+$0xFFFFFF00];
	v26 =	vmul.bf16 v26, v45;
	v13 =	vmul.bf16 v11, v13  }
0x1d8: {  	v56 =	vld [tilespmem:s11+$0xFFFFFF10];
	v2 =	vadd.bf16 v2, v12;
	v12 =	vperm.xlane.b16 v29, v57;
	v11 =	vmul.bf16 v11, v43  }
0x1d9: {  	v51 =	vld [tilespmem:s11+$0x100];
	v43 =	vperm.xlane.b16 v29, v7;
	v26 =	vadd.bf16 v26, v42;
	v42 =	vperm.xlane.b16 v1, v7  }
0x1da: {  	v24 =	vld [tilespmem:s11+$0xFFFFFEC0];
	v2 =	vadd.bf16 v13, v2;
	v13 =	vmul.bf16 v12, v14;
	v12 =	vmul.bf16 v12, v16  }
0x1db: {  	v60 =	vld [tilespmem:s11+$0x20];
	v16 =	vmul.bf16 v40, v17;
	v17 =	vperm.xlane.b16 v0, v6  }
0x1dc: {  	v28 =	vld [tilespmem:s11+$0x200];
	v0 =	vperm.xlane.b16 v0, v9;
	v40 =	vmul.bf16 v40, v41;
	v11 =	vadd.bf16 v11, v26  }
0x1dd: {  	v55 =	vld [tilespmem:s11+$0xFFFFFE20];
	v26 =	vperm.xlane.b16 v10, v7;
	v2 =	vadd.bf16 v15, v2;
	v15 =	vmul.bf16 v32, v18  }
0x1de: {  	v62 =	vld [tilespmem:s11+$0x30];
	v18 =	vperm.xlane.b16 v10, v3;
	v19 =	vmul.bf16 v17, v19  }
0x1df: {  	v32 =	vld [tilespmem:s11+$0xFFFFFDF0];
	v27 =	vmul.bf16 v0, v27;
	v13 =	vadd.bf16 v13, v24;
	v24 =	vperm.xlane.b16 v29, v6  }
0x1e0: {  	v14 =	vld [tilespmem:s11+$0x160];
	v17 =	vmul.bf16 v17, v39;
	v12 =	vadd.bf16 v12, v30;
	v30 =	vmul.bf16 v46, v36  }
0x1e1: {  	v53 =	vld [tilespmem:s11+$0x110];
	v36 =	vperm.xlane.b16 v10, v6;
	v0 =	vmul.bf16 v0, v28;
	v2 =	vadd.bf16 v16, v2  }
0x1e2: {  	v54 =	vld [tilespmem:s11+$0x50];
	v28 =	vmul.bf16 v50, v55;
	v16 =	vperm.xlane.b16 v29, v4;
	v15 =	vadd.bf16 v15, v47  }
0x1e3: {  	v31 =	vld [tilespmem:s11+$0xFFFFFE10];
	v47 =	vperm.xlane.b16 v29, v8;
	v39 =	vmul.bf16 v18, v60;
	v2 =	vadd.bf16 v19, v2  }
0x1e4: {  	v44 =	vld [tilespmem:s11+$0xFFFFFF20];
	v13 =	vadd.bf16 v61, v13;
	v18 =	vmul.bf16 v18, v62;
	v32 =	vmul.bf16 v38, v32  }
0x1e5: {  	v45 =	vld [tilespmem:s11+$0x40];
	v14 =	vmul.bf16 v63, v14;
	v19 =	vperm.xlane.b16 v1, v4;
	v2 =	vadd.bf16 v21, v2  }
0x1e6: {  	v41 =	vld [tilespmem:s11+$0xFFFFFE00];
	v21 =	vmul.bf16 v35, v25;
	v25 =	vperm.xlane.b16 v10, v4;
	v32 =	vadd.bf16 v32, v12  }
0x1e7: {  	v60 =	vld [tilespmem:s11+$0x60];
	v12 =	vadd.bf16 v20, v48;
	v20 =	vmul.bf16 v34, v49;
	v34 =	vmul.bf16 v34, v56  }
0x1e8: {  	v62 =	vld [tilespmem:s11+$0x70];
	v48 =	vperm.xlane.b16 v1, v8;
	v2 =	vadd.bf16 v23, v2;
	v21 =	vadd.bf16 v21, v53  }
0x1e9: {  	v38 =	vld [tilespmem:s11+$0xFFFFFF30];
	v49 =	vperm.xlane.b16 v10, v8;
	v15 =	vadd.bf16 v20, v15;
	v20 =	vadd.bf16 v22, v51  }
0x1ea: {  	v56 =	vld [tilespmem:s11+$0xFFFFFE30];
	v23 =	vperm.xlane.b16 v1, v5;
	v34 =	vadd.bf16 v34, v12;
	v12 =	vadd.bf16 v14, v11  }
0x1eb: {  	v45 =	vmul.bf16 v25, v45;
	v53 =	vld [tilespmem:s11+$0x90];
	v2 =	vadd.bf16 v27, v2;
	v27 =	vperm.xlane.b16 v1, v6  }
0x1ec: {  	v14 =	vld [tilespmem:s11+$0xFFFFFF50];
	v61 =	vadd.bf16 v40, v12;
	v20 =	vadd.bf16 v39, v20;
	v12 =	vperm.xlane.b16 v1, v9  }
0x1ed: {  	v22 =	vld [tilespmem:s11+$0xFFFFFF40];
	v1 =	vadd.bf16 v18, v21;
	v63 =	vunpack.i.u.bf16.f32 v2;
	v2 =	vunpack.i.l.bf16.f32 v2  }
0x1ee: {  	v51 =	vld [tilespmem:s11+$0xFFFFFF70];
	v21 =	vmul.bf16 v19, v44;
	v19 =	vmul.bf16 v19, v38;
	v2 =	vadd.f32 v2, v63  }
0x1ef: {  	v18 =	vld [tilespmem:s11+$0xFFFFFE50];
	v63 =	vmul.bf16 v16, v41;
	v16 =	vmul.bf16 v16, v31;
	v17 =	vadd.bf16 v17, v61  }
0x1f0: {  	v44 =	vld [tilespmem:s11+$0xFFFFFF60];
	v15 =	vadd.bf16 v21, v15;
	v19 =	vadd.bf16 v19, v34;
	v21 =	vmul.bf16 v25, v54  }
0x1f1: {  	v41 =	vld [tilespmem:s11+$0xFFFFFE40];
	v20 =	vadd.bf16 v45, v20;
	v14 =	vmul.bf16 v23, v14;
	v13 =	vadd.bf16 v63, v13  }
0x1f2: {  	v25 =	vld [tilespmem:s11+$0x80];
	v54 =	vmul.bf16 v50, v56;
	v16 =	vadd.bf16 v16, v32;
	v17 =	vadd.bf16 v33, v17  }
0x1f3: {  	v56 =	vld [tilespmem:s11+$0xFFFFFF90];
	v1 =	vadd.bf16 v21, v1;
	v21 =	vmul.bf16 v23, v22;
	v14 =	vadd.bf16 v14, v19  }
0x1f4: {  	v22 =	vld [tilespmem:s11+$0xFFFFFE60];
	v19 =	vmul.bf16 v52, v62;
	v18 =	vmul.bf16 v24, v18;
	v17 =	vadd.bf16 v30, v17  }
0x1f5: {  	v23 =	vld [tilespmem:s11+$0xFFFFFF80];
	v13 =	vadd.bf16 v28, v13;
	v15 =	vadd.bf16 v21, v15;
	v21 =	vmul.bf16 v52, v60  }
0x1f6: {  	v16 =	vadd.bf16 v54, v16;
	v60 =	vld [tilespmem:s11+$0xB0];
	v31 =	vmul.bf16 v24, v41;
	v24 =	vmul.bf16 v27, v44  }
0x1f7: {  	v1 =	vadd.bf16 v19, v1;
	v19 =	vmul.bf16 v27, v51;
	v27 =	vld [tilespmem:s11+$0xFFFFFE80];
	v0 =	vadd.bf16 v0, v17  }
0x1f8: {  	v10 =	vperm.xlane.b16 v10, v9;
	v17 =	vld [tilespmem:s11+$0xFFFFFE70];
	v20 =	vadd.bf16 v21, v20;
	v16 =	vadd.bf16 v18, v16  }
0x1f9: {  	v21 =	vld [tilespmem:s11+$0xA0];
	v18 =	vmul.bf16 v36, v25;
	v13 =	vadd.bf16 v31, v13;
	v15 =	vadd.bf16 v24, v15  }
0x1fa: {  	v25 =	vld [tilespmem:s11+$0xFFFFFFA0];
	v14 =	vadd.bf16 v19, v14;
	v19 =	vmul.bf16 v36, v53;
	v22 =	vmul.bf16 v43, v22  }
0x1fb: {  	v24 =	vld [tilespmem:s11+$0xFFFFFE90];
	v55 =	vunpack.i.u.bf16.f32 v0;
	v0 =	vunpack.i.l.bf16.f32 v0;
	v18 =	vadd.bf16 v18, v20  }
0x1fc: {  	v20 =	vmul.bf16 v42, v23;
	v23 =	vld [tilespmem:s11+$0xFFFFFFB0];
	v22 =	vadd.bf16 v22, v13;
	v13 =	vmul.bf16 v42, v56  }
0x1fd: {  	v61 =	vld [tilespmem:s11+$0xC0];
	v0 =	vadd.f32 v0, v55;
	v1 =	vadd.bf16 v19, v1;
	v17 =	vmul.bf16 v43, v17  }
0x1fe: {  	v63 =	vld [tilespmem:s11+$0xD0];
	v62 =	vadd.bf16 v20, v15;
	v15 =	vmul.bf16 v26, v21;
	v14 =	vadd.bf16 v13, v14  }
0x1ff: {  	v20 =	vld [tilespmem:s11+$0xFFFFFEA0];
	v16 =	vadd.bf16 v17, v16;
	v17 =	vmul.bf16 v26, v60;
	v26 =	vmul.bf16 v47, v27  }
0x200: {  	v21 =	vld [tilespmem:s11+$0xFFFFFEB0];
	v13 =	vadd.bf16 v15, v18;
	v18 =	vmul.bf16 v47, v24;
	v24 =	vmul.bf16 v48, v25  }
0x201: {  	s13 =	simm.s32 $0xBF80;
	v19 =	vadd.bf16 v17, v1;
	v15 =	vadd.bf16 v26, v22;
	v1 =	vmul.bf16 v48, v23;
	v22 =	vld [tilespmem:s11+$0xFFFFFFC0]  }
0x202: {  	v11 =	vperm.xlane.b16 v29, v9;
	[tilespmem:s13+$0x30] =	vst v2;
	v25 =	vmul.bf16 v49, v61;
	v17 =	vadd.bf16 v18, v16;
	v23 =	vld [tilespmem:s11+$0xFFFFFFD0]  }
0x203: {  	s14 =	simm.s32 $0x0;
	s15 =	simm.s32 $0x1A0;
	s12 =	simm.s32 $0xBF80;
	[tilespmem:s13+$0x20] =	vst v0;
	v18 =	vadd.bf16 v24, v62;
	v24 =	vmul.bf16 v49, v63;
	v16 =	vadd.bf16 v1, v14;
	v14 =	vld [tilespmem:s11+$0xE0]  }
.LBB2_9:
0x204: {  	v0 =	vld [tilespmem:s15+$0x10]  }
0x205: {  	v2 =	vadd.bf16 v25, v13;
	v13 =	vadd.bf16 v24, v19;
	v19 =	vld [tilespmem:s11+$0xF0];
	s11 =	sadd.s32 $0x480, s11  }
0x206: {  	v24 =	vld [tilespmem:s11+$0x230]  }
0x207: {  	v26 =	vld [tilespmem:s11+$0xFFFFFDC0]  }
0x208: {  	v27 =	vld [tilespmem:s11+$0x190]  }
0x209: {  	v29 =	vld [tilespmem:s11+$0xFFFFFEE0]  }
0x20a: {  	v31 =	vld [tilespmem:s11+$0x1B0]  }
0x20b: {  	v33 =	vld [tilespmem:s11+$0xFFFFFEF0]  }
0x20c: {  	v48 =	vld [tilespmem:s11+$0xFFFFFED0]  }
0x20d: {  	v52 =	vld [tilespmem:s11+$0x200]  }
0x20e: {  	v54 =	vld [tilespmem:s11+$0x1E0]  }
0x20f: {  	v55 =	vld [tilespmem:s11+$0x1C0];
	v1 =	vmul.bf16 v11, v20;
	v11 =	vmul.bf16 v11, v21  }
0x210: {  	v20 =	vld [tilespmem:s15+$0xFFFFFFF0];
	v14 =	vmul.bf16 v10, v14  }
0x211: {  	v21 =	vld [tilespmem:s15+$0x0];
	v1 =	vadd.bf16 v1, v15;
	v15 =	vmul.bf16 v12, v22;
	v17 =	vadd.bf16 v11, v17  }
0x212: {  	v56 =	vld [tilespmem:s11+$0x1A0];
	v12 =	vmul.bf16 v12, v23;
	v2 =	vadd.bf16 v14, v2;
	v19 =	vmul.bf16 v10, v19  }
0x213: {  	v22 =	vld [tilespmem:s15+$0xFFFFFFE0];
	v11 =	vunpack.i.u.bf16.f32 v1;
	v15 =	vadd.bf16 v15, v18;
	v18 =	vperm.xlane v0, v58  }
0x214: {  	v61 =	vld [tilespmem:s11+$0x220];
	v0 =	vperm.xlane v0, v59;
	v16 =	vadd.bf16 v12, v16;
	v1 =	vunpack.i.l.bf16.f32 v1  }
0x215: {  	v62 =	vld [tilespmem:s11+$0x140];
	v38 =	vunpack.i.u.bf16.f32 v17;
	v40 =	vunpack.i.l.bf16.f32 v17;
	v12 =	vperm.xlane v20, v58  }
0x216: {  	v63 =	vld [tilespmem:s11+$0x120];
	v13 =	vadd.bf16 v19, v13;
	v20 =	vperm.xlane v20, v59;
	v14 =	vperm.xlane v21, v58  }
0x217: {  	v23 =	vld [tilespmem:s11+$0x130];
	v21 =	vperm.xlane v21, v59;
	v1 =	vadd.f32 v1, v11;
	v11 =	vadd.f32 v40, v38  }
0x218: {  	v17 =	vld [tilespmem:s11+$0x0];
	v0 =	vpack.i.f32.bf16 v0, v18;
	v43 =	vunpack.i.u.bf16.f32 v15;
	v25 =	vperm.xlane v22, v58  }
0x219: {  	v38 =	vld [tilespmem:s11+$0xFFFFFFE0];
	v12 =	vpack.i.f32.bf16 v20, v12;
	v30 =	vperm.xlane.b16 v0, v57;
	v20 =	vperm.xlane v22, v59  }
0x21a: {  	v40 =	vld [tilespmem:s11+$0xFFFFFFF0];
	v46 =	vunpack.i.l.bf16.f32 v15;
	v34 =	vperm.xlane.b16 v0, v3;
	v36 =	vperm.xlane.b16 v0, v4  }
0x21b: {  	v18 =	vld [tilespmem:s11+$0x150];
	v50 =	vunpack.i.u.bf16.f32 v16;
	v39 =	vperm.xlane.b16 v0, v5;
	v41 =	vperm.xlane.b16 v0, v6  }
0x21c: {  	v15 =	vld [tilespmem:s11+$0xFFFFFEC0];
	v53 =	vunpack.i.l.bf16.f32 v16;
	v44 =	vperm.xlane.b16 v0, v7;
	v47 =	vperm.xlane.b16 v0, v8  }
0x21d: {  	v28 =	vpack.i.f32.bf16 v21, v14;
	v14 =	vld [tilespmem:s11+$0x170];
	v0 =	vperm.xlane.b16 v0, v9;
	v22 =	vperm.xlane.b16 v12, v57  }
0x21e: {  	v21 =	vld [tilespmem:s11+$0xFFFFFDD0];
	v58 =	vunpack.i.u.bf16.f32 v2;
	v32 =	vperm.xlane.b16 v28, v3;
	v23 =	vmul.bf16 v30, v23  }
0x21f: {  	v59 =	vld [tilespmem:s11+$0x160];
	v35 =	vpack.i.f32.bf16 v20, v25;
	v20 =	vperm.xlane.b16 v28, v57;
	v30 =	vmul.bf16 v30, v63  }
0x220: {  	v63 =	vld [tilespmem:s11+$0x100];
	v42 =	vmul.bf16 v22, v29;
	v23 =	vadd.bf16 v23, v24;
	v18 =	vmul.bf16 v34, v18  }
0x221: {  	v2 =	vunpack.i.l.bf16.f32 v2;
	v45 =	vmul.bf16 v22, v33;
	v22 =	vld [tilespmem:s11+$0x210];
	v24 =	vperm.xlane.b16 v35, v57  }
0x222: {  	v49 =	vmul.bf16 v20, v17;
	v17 =	vld [tilespmem:s11+$0xFFFFFDE0];
	v14 =	vmul.bf16 v36, v14;
	v18 =	vadd.bf16 v18, v23  }
0x223: {  	v53 =	vadd.f32 v53, v50;
	v25 =	vperm.xlane.b16 v12, v3;
	v57 =	vld [tilespmem:s11+$0x180];
	v23 =	vmul.bf16 v24, v26  }
0x224: {  	v21 =	vmul.bf16 v24, v21;
	v24 =	vld [tilespmem:s11+$0x1D0];
	v14 =	vadd.bf16 v14, v18;
	v18 =	vmul.bf16 v39, v27  }
0x225: {  	v34 =	vmul.bf16 v34, v62;
	v30 =	vadd.bf16 v30, v61;
	v36 =	vmul.bf16 v36, v59;
	v59 =	vld [tilespmem:$0x1FFF0]  }
0x226: {  	v37 =	vperm.xlane.b16 v35, v3;
	v26 =	vld [tilespmem:s11+$0x1F0];
	v14 =	vadd.bf16 v18, v14;
	v18 =	vmul.bf16 v41, v31  }
0x227: {  	v29 =	vperm.xlane.b16 v35, v4;
	v33 =	vperm.xlane.b16 v28, v4;
	v30 =	vadd.bf16 v34, v30;
	v27 =	vld [tilespmem:s11+$0x10]  }
0x228: {  	v16 =	vmul.bf16 v0, v22;
	v39 =	vmul.bf16 v39, v57;
	v57 =	vld [tilespmem:$0x1FFD0];
	v14 =	vadd.bf16 v18, v14  }
0x229: {  	v18 =	vmul.bf16 v44, v24;
	v44 =	vmul.bf16 v44, v55;
	v55 =	vld [tilespmem:s11+$0xFFFFFDF0];
	[tilespmem:s12+$0xFFFFFFC0] =	vst v1;
	v1 =	vadd.f32 v46, v43  }
0x22a: {  	v15 =	vadd.bf16 v23, v15;
	v23 =	vperm.xlane.b16 v35, v6;
	v43 =	vmul.bf16 v47, v54;
	[tilespmem:s12+$0xFFFFFFD0] =	vst v11;
	v54 =	vld [tilespmem:s11+$0xFFFFFF00]  }
0x22b: {  	v48 =	vadd.bf16 v21, v48;
	v22 =	vperm.xlane.b16 v12, v6;
	v21 =	vperm.xlane.b16 v28, v6;
	v19 =	vld [tilespmem:s11+$0xFFFFFE00];
	[tilespmem:s12+$0xFFFFFFE0] =	vst v1  }
0x22c: {  	v0 =	vmul.bf16 v0, v52;
	v30 =	vadd.bf16 v36, v30;
	v1 =	vadd.f32 v2, v58;
	v2 =	vld [tilespmem:s11+$0xFFFFFF10]  }
0x22d: {  	v31 =	vperm.xlane.b16 v12, v4;
	v41 =	vmul.bf16 v41, v56;
	v46 =	vld [tilespmem:s11+$0xFFFFFE30];
	[tilespmem:s12+$0xFFFFFFF0] =	vst v53  }
0x22e: {  	v30 =	vadd.bf16 v39, v30;
	v14 =	vadd.bf16 v18, v14;
	v18 =	vmul.bf16 v47, v26;
	v56 =	vld [tilespmem:s11+$0xFFFFFF20]  }
0x22f: {  	v24 =	vperm.xlane.b16 v28, v5;
	v51 =	vmul.bf16 v20, v27;
	[tilespmem:s12+$0x0] =	vst v1;
	v61 =	vld [tilespmem:s11+$0xFFFFFF30]  }
0x230: {  	v27 =	vperm.xlane.b16 v35, v5;
	v30 =	vadd.bf16 v41, v30;
	v14 =	vadd.bf16 v18, v14;
	v47 =	vld [tilespmem:s11+$0x110]  }
0x231: {  	v40 =	vadd.bf16 v45, v40;
	v52 =	vmul.bf16 v25, v54;
	v2 =	vmul.bf16 v25, v2;
	v25 =	vld [tilespmem:s11+$0xFFFFFE10]  }
0x232: {  	v30 =	vadd.bf16 v44, v30;
	v50 =	vld [tilespmem:s11+$0x20];
	v14 =	vadd.bf16 v16, v14;
	v16 =	vmul.bf16 v37, v17  }
0x233: {  	v53 =	vld [tilespmem:s11+$0x30];
	v37 =	vmul.bf16 v37, v55;
	v55 =	vunpack.i.u.bf16.f32 v13;
	v13 =	vunpack.i.l.bf16.f32 v13  }
0x234: {  	v20 =	vperm.xlane.b16 v35, v7;
	v1 =	vadd.bf16 v42, v38;
	v62 =	vld [tilespmem:s11+$0x40];
	v13 =	vadd.f32 v13, v55  }
0x235: {  	v26 =	vperm.xlane.b16 v12, v5;
	v54 =	vadd.bf16 v49, v63;
	v63 =	vld [tilespmem:s11+$0x50];
	v30 =	vadd.bf16 v43, v30  }
0x236: {  	v19 =	vmul.bf16 v29, v19;
	v1 =	vadd.bf16 v52, v1;
	[tilespmem:s12+$0x10] =	vst v13;
	v13 =	vmul.bf16 v29, v25;
	v25 =	vld [tilespmem:s11+$0xFFFFFE20]  }
0x237: {  	v58 =	vld [tilespmem:$0x1FFE0];
	v0 =	vadd.bf16 v0, v30;
	v17 =	vunpack.i.u.bf16.f32 v14;
	v14 =	vunpack.i.l.bf16.f32 v14  }
0x238: {  	v49 =	vld [tilespmem:s11+$0xFFFFFF50];
	v60 =	vadd.bf16 v16, v15;
	v15 =	vperm.xlane.b16 v28, v7;
	v37 =	vadd.bf16 v37, v48  }
0x239: {  	v55 =	vld [tilespmem:s11+$0xFFFFFF70];
	v14 =	vadd.f32 v14, v17;
	v2 =	vadd.bf16 v2, v40;
	v42 =	vmul.bf16 v32, v50  }
0x23a: {  	v48 =	vld [tilespmem:s11+$0xFFFFFF40];
	v38 =	vadd.bf16 v51, v47;
	v32 =	vmul.bf16 v32, v53;
	v47 =	vmul.bf16 v31, v56  }
0x23b: {  	s13 =	sadd.s32 $0x80, s13;
	v19 =	vadd.bf16 v19, v60;
	v31 =	vmul.bf16 v31, v61;
	v51 =	vld [tilespmem:s11+$0x60];
	v25 =	vmul.bf16 v27, v25  }
0x23c: {  	v53 =	vld [tilespmem:s11+$0xFFFFFE40];
	v60 =	vunpack.i.u.bf16.f32 v0;
	[tilespmem:s13+$0x30] =	vst v14;
	v14 =	vperm.xlane.b16 v28, v8;
	v28 =	vperm.xlane.b16 v28, v9  }
0x23d: {  	v13 =	vadd.bf16 v13, v37;
	v27 =	vmul.bf16 v27, v46;
	v19 =	vadd.bf16 v25, v19;
	v25 =	vld [tilespmem:s11+$0xFFFFFE50]  }
0x23e: {  	v52 =	vld [tilespmem:s11+$0x70];
	v0 =	vunpack.i.l.bf16.f32 v0;
	v2 =	vadd.bf16 v31, v2;
	v10 =	vmovc v28;
	v28 =	vadd.bf16 v42, v54  }
0x23f: {  	v54 =	vmul.bf16 v26, v48;
	v26 =	vmul.bf16 v26, v49;
	v13 =	vadd.bf16 v27, v13;
	v27 =	vld [tilespmem:s11+$0xFFFFFF60]  }
0x240: {  	v34 =	vmul.bf16 v33, v62;
	v61 =	vld [tilespmem:s11+$0x90];
	v0 =	vadd.f32 v0, v60;
	v1 =	vadd.bf16 v47, v1  }
0x241: {  	v50 =	vmul.bf16 v33, v63;
	v42 =	vadd.bf16 v32, v38;
	v2 =	vadd.bf16 v26, v2;
	v26 =	vld [tilespmem:s11+$0x80]  }
0x242: {  	v28 =	vadd.bf16 v34, v28;
	v32 =	vmul.bf16 v23, v53;
	v23 =	vmul.bf16 v23, v25;
	v25 =	vld [tilespmem:s11+$0xFFFFFE60]  }
0x243: {  	v62 =	vld [tilespmem:s11+$0xFFFFFE70];
	v29 =	vadd.bf16 v50, v42;
	v56 =	vmul.bf16 v24, v51;
	v24 =	vmul.bf16 v24, v52  }
0x244: {  	[tilespmem:s13+$0x20] =	vst v0;
	v27 =	vmul.bf16 v22, v27;
	v0 =	vadd.bf16 v23, v13;
	v13 =	vmul.bf16 v22, v55;
	v22 =	vld [tilespmem:s11+$0xFFFFFF80]  }
0x245: {  	v18 =	vperm.xlane.b16 v12, v7;
	v1 =	vadd.bf16 v54, v1;
	v24 =	vadd.bf16 v24, v29;
	v23 =	vld [tilespmem:s11+$0xFFFFFF90]  }
0x246: {  	v26 =	vmul.bf16 v21, v26;
	v2 =	vadd.bf16 v13, v2;
	v13 =	vmul.bf16 v21, v61;
	v21 =	vld [tilespmem:s11+$0xA0]  }
0x247: {  	v19 =	vadd.bf16 v32, v19;
	v1 =	vadd.bf16 v27, v1;
	v27 =	vld [tilespmem:s11+$0xB0];
	v25 =	vmul.bf16 v20, v25  }
0x248: {  	v63 =	vld [tilespmem:s11+$0xFFFFFE80];
	v28 =	vadd.bf16 v56, v28  }
0x249: {  	v24 =	vadd.bf16 v13, v24;
	v25 =	vadd.bf16 v25, v19;
	v19 =	vld [tilespmem:s11+$0xFFFFFE90];
	v13 =	vmul.bf16 v18, v22  }
0x24a: {  	v16 =	vperm.xlane.b16 v12, v8;
	v17 =	vperm.xlane.b16 v35, v8;
	v26 =	vadd.bf16 v26, v28;
	v22 =	vld [tilespmem:s11+$0xFFFFFFA0]  }
0x24b: {  	v18 =	vmul.bf16 v18, v23;
	v23 =	vld [tilespmem:s11+$0xFFFFFFB0];
	v1 =	vadd.bf16 v13, v1;
	v13 =	vmul.bf16 v15, v21  }
0x24c: {  	s14 =	sadd.s32 $0x4, s14;
	v20 =	vmul.bf16 v20, v62;
	v15 =	vmul.bf16 v15, v27;
	v27 =	vld [tilespmem:s11+$0xC0]  }
0x24d: {  	p0 =	slt.u32 s14, $0x4C;
	v2 =	vadd.bf16 v18, v2;
	v18 =	vmul.bf16 v17, v63;
	v13 =	vadd.bf16 v13, v26;
	v26 =	vld [tilespmem:s11+$0xD0]  }
.Ltmp4:
0x24e: {  	v0 =	vadd.bf16 v20, v0;
	v20 =	vld [tilespmem:s11+$0xFFFFFEA0];
	v17 =	vmul.bf16 v17, v19;
	(pc) =	sbr.rel @p0 .LBB2_9-.Ltmp4, $4  }
0x24f: {  	v21 =	vld [tilespmem:s11+$0xFFFFFEB0];
	v19 =	vadd.bf16 v15, v24;
	v15 =	vadd.bf16 v18, v25;
	v18 =	vmul.bf16 v16, v22  }
0x250: {  	v22 =	vld [tilespmem:s11+$0xFFFFFFC0];
	v17 =	vadd.bf16 v17, v0;
	v0 =	vmul.bf16 v16, v23  }
0x251: {  	v11 =	vperm.xlane.b16 v35, v9;
	v12 =	vperm.xlane.b16 v12, v9;
	v18 =	vadd.bf16 v18, v1;
	v23 =	vld [tilespmem:s11+$0xFFFFFFD0]  }
0x252: {  	s15 =	sadd.s32 $0x40, s15;
	s12 =	smov.u32 s13;
	v25 =	vmul.bf16 v14, v27;
	v16 =	vadd.bf16 v0, v2;
	v24 =	vmul.bf16 v14, v26;
	v14 =	vld [tilespmem:s11+$0xE0]  }
0x253: {  	_ = 	snop  }
0x254: {  	v0 =	vmul.bf16 v11, v20  }
0x255: {  	v56 =	vld [tilespmem:s11+$0xF0];
	v1 =	vadd.bf16 v25, v13;
	v2 =	vmul.bf16 v11, v21;
	v55 =	vmul.bf16 v12, v22  }
0x256: {  	v11 =	vadd.bf16 v24, v19;
	v0 =	vadd.bf16 v0, v15;
	v60 =	vmul.bf16 v12, v23  }
0x257: {  	v2 =	vadd.bf16 v2, v17;
	v14 =	vmul.bf16 v10, v14;
	v13 =	vadd.bf16 v55, v18  }
0x258: {  	v15 =	vunpack.i.u.bf16.f32 v0;
	v0 =	vunpack.i.l.bf16.f32 v0;
	v12 =	vadd.bf16 v60, v16  }
0x259: {  	v61 =	vunpack.i.u.bf16.f32 v2;
	v2 =	vunpack.i.l.bf16.f32 v2;
	v0 =	vadd.f32 v0, v15  }
0x25a: {  	v10 =	vmul.bf16 v10, v56;
	v1 =	vadd.bf16 v14, v1;
	v62 =	vunpack.i.u.bf16.f32 v13  }
0x25b: {  	v13 =	vunpack.i.l.bf16.f32 v13;
	v2 =	vadd.f32 v2, v61;
	v63 =	vunpack.i.u.bf16.f32 v12  }
0x25c: {  	v12 =	vunpack.i.l.bf16.f32 v12;
	[tilespmem:s12+$0xFFFFFFC0] =	vst v0;
	v0 =	vadd.f32 v13, v62;
	v10 =	vadd.bf16 v10, v11  }
0x25d: {  	v11 =	vunpack.i.u.bf16.f32 v1;
	v1 =	vunpack.i.l.bf16.f32 v1;
	[tilespmem:s12+$0xFFFFFFD0] =	vst v2;
	v2 =	vadd.f32 v12, v63  }
0x25e: {  	[tilespmem:s12+$0xFFFFFFE0] =	vst v0;
	v0 =	vadd.f32 v1, v11;
	v1 =	vunpack.i.u.bf16.f32 v10;
	v10 =	vunpack.i.l.bf16.f32 v10  }
0x25f: {  	[tilespmem:s12+$0xFFFFFFF0] =	vst v2;
	v1 =	vadd.f32 v10, v1  }
0x260: {  	[tilespmem:s12+$0x0] =	vst v0  }
0x261: {  	[tilespmem:s12+$0x10] =	vst v1  }
0x262: {  	[spmem:s1] =	stream.indirect.scatter.add.f32 [tilespmem:s2], [sflag:$0x5], $0x20, s22, s25, $0xb8;
	[tilespmem:$0x11940] =	vst v63  }
0x263: {  	_ =	swait.ge [sflag:s21], $0xA00  }
0x264: {  	[sflag:s21] =	ssyncset.done $0x0  }
0x265: {  	[sflag:s21] =	ssyncadd.s32 $0xFFFFF600  }
0x266: {  	[bflag:$0x0] =	sbarrier.arrive $0xFFFF  }
0x267: {  	s18 =	rddreg [dreg:$0xa]  }
0x268: {  	[hbm:s18], [sflag:s9] =	dma.local [spmem:s20], $0xA00  }
0x269: {  	_ =	swait.ge [sflag:s21], $0xA00  }
0x26a: {  	s10 =	sadd.s32 $0x1, s10;
	s19 =	rddreg [dreg:$0xb]  }
0x26b: {  	p0 =	sne.s32 s10, s19  }
.Ltmp5:
0x26c: {  	_ = 	snop;
	(pc) =	sbr.rel @p0 .LBB2_1-.Ltmp5, $3  }
0x26d: {  	_ =	sdelay $0x1  }
0x26e: {  	[sflag:s21] =	ssyncset.done $0x0  }
0x26f: {  	[sflag:s21] =	ssyncadd.s32 $0xFFFFF600  }
0x270: {  	_ =	sfence.sel $0x180000  }
0x271: {  	[bflag:$0x0] =	sbarrier.arrive $0xFFFF  }
0x272: {  	_ =	strace $0x90000047  }
0x273: {  	s0 =	stileid.u32;
	[bflag:$0x2] =	sbarrier.arrive $0xFFFF  }
0x274: {  	p0 =	sne.s32 s0, $0x0;
	s0 =	rddreg [dreg:$0x2]  }
0x275: {  	s0 =	sadd.s32 @!p0 $0x100000, s0  }
0x276: {  	[sflag:s0] =	ssyncadd.tile.s32 @!p0 $0x1;
	_ =	shalt  }
.Lfunc_end2:
_tile_overlayer_lowered:
.L_overlay_start_2:
0x277: {  	(tag) =	ssettag $0x2  }
0x278: {  	s0 =	rddreg [dreg:$0x0];
	s2 =	stileid.u32  }
0x279: {  	s1 =	rddreg [dreg:$0x1];
	p0 =	sne.s32 s2, $0x0  }
0x27a: {  	s3 =	rddreg [dreg:$0x2];
	[bflag:$0x3] =	sbarrier.arrive $0xFFFF;
	s2 =	simm.s32 @!p0 $0x1C05  }
0x27b: {  	[timem:s3], [sflag:s2] =	dma.local @!p0 [hbm:s0], s1  }
0x27c: {  	s0 =	simm.s32 @!p0 $0x5  }
0x27d: {  	_ =	swait.ge @!p0 [sflag:s0], s1  }
0x27e: {  	s1 =	ssub.s32 @!p0 $0x0, s1;
	[sflag:s0] =	ssyncset.done @!p0 $0x0  }
0x27f: {  	[sflag:s0] =	ssyncadd.s32 @!p0 s1  }
0x280: {  	[bflag:$0x3] =	sbarrier.arrive $0xFFFF  }
0x281: {  	_ =	shalt  }

</sc_bundles>
